<compile_context>
chip_gen: v7x
topology: tpu7x:2x2x1
jax: 0.10.2.dev20260603
libtpu: 0.0.44.dev20260713+nightly
codegen_flags: <defaults>
</compile_context>

<pallas_src>
import functools

import jax
import jax.numpy as jnp
from jax import lax
from jax.experimental import pallas as pl
from jax.experimental.pallas import tpu as pltpu
from jax.experimental.pallas import tpu_sc as plsc

_NC = 2
_NS = 16
_NW = _NC * _NS

_PITCH = 129


@functools.lru_cache(maxsize=None)
def _build(n_chunks, D, n_out):
    cpw = n_chunks // _NW

    mesh = plsc.VectorSubcoreMesh(core_axis_name="c", subcore_axis_name="s")

    @functools.partial(
        pl.kernel,
        mesh=mesh,
        out_type=jax.ShapeDtypeStruct((n_out // 128, 128), jnp.float32),
        scratch_types=[
            pltpu.VMEM((cpw, 128), jnp.int32),
            pltpu.VMEM((2, 128, D), jnp.float32),
            pltpu.VMEM((2, D, _PITCH), jnp.float32),
            pltpu.SemaphoreType.DMA,
            pltpu.SemaphoreType.DMA,
            pltpu.SemaphoreType.DMA,
            pltpu.SemaphoreType.DMA,
        ],
        compiler_params=pltpu.CompilerParams(
            use_tc_tiling_on_sc=False, needs_layout_passes=False),
    )
    def sc_gather(table_hbm, idx_hbm, out_hbm, idx_v, g_v, t_v,
                  g0sem, g1sem, s0sem, s1sem):
        wid = lax.axis_index("s") * _NC + lax.axis_index("c")
        chunk0 = wid * cpw
        pltpu.sync_copy(idx_hbm.at[pl.ds(chunk0, cpw)], idx_v)

        iota16 = lax.iota(jnp.int32, 16)
        gsems = (g0sem, g1sem)
        ssems = (s0sem, s1sem)

        def gather(g, buf):
            pltpu.async_copy(table_hbm.at[idx_v.at[g]], g_v.at[buf],
                             gsems[buf])

        def wait_gather(g, buf):
            pltpu.make_async_copy(table_hbm.at[idx_v.at[g]], g_v.at[buf],
                                  gsems[buf]).wait()

        def transpose(buf):
            g_ref = g_v.at[buf]
            t_ref = t_v.at[buf]

            @plsc.parallel_loop(0, 128, 1, unroll=8)
            def tok(j):
                cols = iota16 * 0 + j
                for c0 in range(0, D, 16):
                    v = g_ref[j, pl.ds(c0, 16)]
                    plsc.store_scatter(t_ref, [iota16 + c0, cols], v)

        def store(g, buf):
            rho = chunk0 + g
            d1 = rho // 128
            e = rho % 128
            base = d1 * (128 * D) + e * 8
            for a in range(D // 8):
                pltpu.async_copy(
                    t_v.at[buf, pl.ds(a * 8, 8), pl.ds(0, 128)],
                    out_hbm.at[pl.ds(base + a * 1024, 8)],
                    ssems[buf])

        def drain_store(buf):
            for a in range(D // 8):
                pltpu.make_async_copy(
                    t_v.at[buf, pl.ds(a * 8, 8), pl.ds(0, 128)],
                    out_hbm.at[pl.ds(a * 1024, 8)],
                    ssems[buf]).wait()

        def half(p, g, buf):
            wait_gather(g, buf)
            pl.when(p > 0)(lambda: drain_store(buf))
            transpose(buf)
            store(g, buf)
            @pl.when(g + 2 < cpw)
            def _():
                gather(g + 2, buf)

        gather(0, 0)
        gather(1, 1)

        def pair(p, carry):
            g0 = p * 2
            half(p, g0, 0)
            half(p, g0 + 1, 1)
            return carry

        lax.fori_loop(0, cpw // 2, pair, 0)
        drain_store(0)
        drain_store(1)

    return sc_gather


def kernel(x, tok_embed):
    s0, s1 = x.shape
    V, D = tok_embed.shape
    n_chunks = s0 * s1 // 128
    idx_t = x.T.reshape(n_chunks, 128).astype(jnp.int32)
    n_out = s0 * s1 * D
    o = _build(n_chunks, D, n_out)(tok_embed, idx_t)
    o5 = o.reshape(s1, D // 8, s0 // 128, 8, 128)
    return o5.transpose(2, 4, 0, 1, 3).reshape(s0, s1, D)

# --- scband reference (transcript-rebuilt; emitter-appended) ---
"""Pipeline reference for scband-embedding-77171972374941 (READ-ONLY COPY).

The authoritative reference and input builder live on the scoring server;
editing this copy changes nothing except your own understanding.
"""

import jax, jax.numpy as jnp
import numpy as np

VOCAB = 1000000
EMBED = 64

def setup_inputs(seed: int = 0) -> dict:
    key = jax.random.key(seed)
    k1, k2 = jax.random.split(key)
    x = jax.random.randint(k1, (16384, 50), 0, VOCAB, dtype=jnp.int64) if jax.config.jax_enable_x64 else jax.random.randint(k1, (16384, 50), 0, VOCAB, dtype=jnp.int32)
    tok_embed = jax.random.normal(k2, (VOCAB, EMBED), dtype=jnp.float32)
    return {"x": x, "tok_embed": tok_embed}

def reference(x, tok_embed):
    # nn.Embedding lookup: table[idx]
    embedding = jnp.take(tok_embed, x, axis=0)
    return embedding

if __name__ == "__main__":
    import jax
    _d = setup_inputs()
    print(jax.jit(kernel)(*tuple(_d.values())))

</pallas_src>

<mosaic_0001>
#map = affine_map<(d0, d1) -> (0, 0)>
module attributes {stable_mosaic.version = 14 : i64} {
  func.func @sc_gather(%arg0: i32, %arg1: i32, %arg2: memref<1000000x64xf32, #tpu.memory_space<hbm>>, %arg3: memref<6400x128xi32, #tpu.memory_space<hbm>>, %arg4: memref<409600x128xf32, #tpu.memory_space<hbm>>, %arg5: memref<200x128xi32, #tpu.memory_space<vmem>>, %arg6: memref<2x128x64xf32, #tpu.memory_space<vmem>>, %arg7: memref<2x64x129xf32, #tpu.memory_space<vmem>>, %arg8: memref<!tpu.dma_semaphore, #tpu.memory_space<semaphore_mem>>, %arg9: memref<!tpu.dma_semaphore, #tpu.memory_space<semaphore_mem>>, %arg10: memref<!tpu.dma_semaphore, #tpu.memory_space<semaphore_mem>>, %arg11: memref<!tpu.dma_semaphore, #tpu.memory_space<semaphore_mem>>) attributes {dimension_semantics = [#tpu.dimension_semantics<core_parallel>, #tpu.dimension_semantics<subcore_parallel>], iteration_bounds = array<i64: 2, 16>, scalar_prefetch = 0 : i64, scratch_operands = 7 : i64, tpu.core_type = #tpu.core_type<sc_vector_subcore>, window_params = [{transform_indices = #map}, {transform_indices = #map}, {transform_indices = #map}]} {
    %mul3A = arith.constant 2 : i32
    %mul3A_0 = arith.muli %arg1, %mul3A : i32
    %add3A = arith.addi %mul3A_0, %arg0 : i32
    %mul3A_1 = arith.constant 200 : i32
    %mul3A_2 = arith.muli %add3A, %mul3A_1 : i32
    "tpu.region"() ({
      %run_scoped3A = tpu.sem_alloc : memref<!tpu.dma_semaphore, #tpu.memory_space<semaphore_mem>>
      %dma_start3A_270 = arith.constant 0 : i32
      %dma_start3A_271 = tpu.memref_slice %arg3[%mul3A_2, %dma_start3A_270] : memref<6400x128xi32, #tpu.memory_space<hbm>> -> memref<200x128xi32, #tpu.memory_space<hbm>>
      %dma_start3A_272 = arith.constant 0 : i32
      %dma_start3A_273 = tpu.memref_slice %arg3[%mul3A_2, %dma_start3A_272] : memref<6400x128xi32, #tpu.memory_space<hbm>> -> memref<200x128xi32, #tpu.memory_space<hbm>>
      tpu.enqueue_dma source(%dma_start3A_273 : memref<200x128xi32, #tpu.memory_space<hbm>>) target(%arg5 : memref<200x128xi32, #tpu.memory_space<vmem>>) target_semaphore(%run_scoped3A : memref<!tpu.dma_semaphore, #tpu.memory_space<semaphore_mem>>)
      %dma_wait3A_274 = arith.constant 0 : i32
      %dma_wait3A_275 = tpu.memref_slice %arg3[%mul3A_2, %dma_wait3A_274] : memref<6400x128xi32, #tpu.memory_space<hbm>> -> memref<200x128xi32, #tpu.memory_space<hbm>>
      %dma_wait3A_276 = arith.constant 0 : i32
      %dma_wait3A_277 = tpu.memref_slice %arg3[%mul3A_2, %dma_wait3A_276] : memref<6400x128xi32, #tpu.memory_space<hbm>> -> memref<200x128xi32, #tpu.memory_space<hbm>>
      tpu.wait_dma2 semaphore(%run_scoped3A : memref<!tpu.dma_semaphore, #tpu.memory_space<semaphore_mem>>) src(%dma_wait3A_277 : memref<200x128xi32, #tpu.memory_space<hbm>>) dst(%arg5 : memref<200x128xi32, #tpu.memory_space<vmem>>)
      tpu.yield
    }) : () -> ()
    %iota3A = tpu.iota {dimensions = array<i32: 0>} : vector<16xi32>
    %dma_start3A = arith.constant 0 : i32
    %dma_start3A_3 = arith.constant 0 : i32
    %dma_start3A_4 = arith.constant 0 : i32
    %dma_start3A_5 = arith.constant 0 : i32
    %dma_start3A_6 = tpu.memref_slice %arg6[%dma_start3A_3, %dma_start3A_4, %dma_start3A_5] : memref<2x128x64xf32, #tpu.memory_space<vmem>> -> memref<1x128x64xf32, #tpu.memory_space<vmem>>
    %dma_start3A_7 = tpu.memref_squeeze %dma_start3A_6 : memref<1x128x64xf32, #tpu.memory_space<vmem>> -> memref<128x64xf32, #tpu.memory_space<vmem>>
    %dma_start3A_8 = arith.constant 0 : i32
    %dma_start3A_9 = tpu.memref_slice %arg5[%dma_start3A, %dma_start3A_8] : memref<200x128xi32, #tpu.memory_space<vmem>> -> memref<1x128xi32, #tpu.memory_space<vmem>>
    %dma_start3A_10 = tpu.memref_squeeze %dma_start3A_9 : memref<1x128xi32, #tpu.memory_space<vmem>> -> memref<128xi32, #tpu.memory_space<vmem>>
    %dma_start3A_11 = arith.constant 0 : i32
    %dma_start3A_12 = arith.constant 0 : i32
    %dma_start3A_13 = tpu.memref_slice %arg2[%dma_start3A_11, %dma_start3A_12] : memref<1000000x64xf32, #tpu.memory_space<hbm>> -> memref<1000000x64xf32, #tpu.memory_space<hbm>>
    tpu.enqueue_indirect_dma source(%dma_start3A_13 : memref<1000000x64xf32, #tpu.memory_space<hbm>>) target(%dma_start3A_7 : memref<128x64xf32, #tpu.memory_space<vmem>>) offsets(%dma_start3A_10 : memref<128xi32, #tpu.memory_space<vmem>>) semaphore(%arg8 : memref<!tpu.dma_semaphore, #tpu.memory_space<semaphore_mem>>)
    %dma_start3A_14 = arith.constant 1 : i32
    %dma_start3A_15 = arith.constant 1 : i32
    %dma_start3A_16 = arith.constant 0 : i32
    %dma_start3A_17 = arith.constant 0 : i32
    %dma_start3A_18 = tpu.memref_slice %arg6[%dma_start3A_15, %dma_start3A_16, %dma_start3A_17] : memref<2x128x64xf32, #tpu.memory_space<vmem>> -> memref<1x128x64xf32, #tpu.memory_space<vmem>>
    %dma_start3A_19 = tpu.memref_squeeze %dma_start3A_18 : memref<1x128x64xf32, #tpu.memory_space<vmem>> -> memref<128x64xf32, #tpu.memory_space<vmem>>
    %dma_start3A_20 = arith.constant 0 : i32
    %dma_start3A_21 = tpu.memref_slice %arg5[%dma_start3A_14, %dma_start3A_20] : memref<200x128xi32, #tpu.memory_space<vmem>> -> memref<1x128xi32, #tpu.memory_space<vmem>>
    %dma_start3A_22 = tpu.memref_squeeze %dma_start3A_21 : memref<1x128xi32, #tpu.memory_space<vmem>> -> memref<128xi32, #tpu.memory_space<vmem>>
    %dma_start3A_23 = arith.constant 0 : i32
    %dma_start3A_24 = arith.constant 0 : i32
    %dma_start3A_25 = tpu.memref_slice %arg2[%dma_start3A_23, %dma_start3A_24] : memref<1000000x64xf32, #tpu.memory_space<hbm>> -> memref<1000000x64xf32, #tpu.memory_space<hbm>>
    tpu.enqueue_indirect_dma source(%dma_start3A_25 : memref<1000000x64xf32, #tpu.memory_space<hbm>>) target(%dma_start3A_19 : memref<128x64xf32, #tpu.memory_space<vmem>>) offsets(%dma_start3A_22 : memref<128xi32, #tpu.memory_space<vmem>>) semaphore(%arg9 : memref<!tpu.dma_semaphore, #tpu.memory_space<semaphore_mem>>)
    %scan3A = arith.constant 0 : i32
    %scan3A_26 = arith.constant 0 : i32
    %scan3A_27 = arith.constant 100 : i32
    %scan3A_28 = arith.addi %scan3A_26, %scan3A_27 : i32
    %scan3A_29 = arith.constant 1 : i32
    scf.for %scan3A_270 = %scan3A_26 to %scan3A_28 step %scan3A_29  : i32 {
      %mul3A_271 = arith.constant 2 : i32
      %mul3A_272 = arith.muli %scan3A_270, %mul3A_271 : i32
      %dma_wait3A_273 = arith.constant 0 : i32
      %dma_wait3A_274 = arith.constant 0 : i32
      %dma_wait3A_275 = arith.constant 0 : i32
      %dma_wait3A_276 = tpu.memref_slice %arg6[%dma_wait3A_273, %dma_wait3A_274, %dma_wait3A_275] : memref<2x128x64xf32, #tpu.memory_space<vmem>> -> memref<1x128x64xf32, #tpu.memory_space<vmem>>
      %dma_wait3A_277 = tpu.memref_squeeze %dma_wait3A_276 : memref<1x128x64xf32, #tpu.memory_space<vmem>> -> memref<128x64xf32, #tpu.memory_space<vmem>>
      %dma_wait3A_278 = arith.constant 0 : i32
      %dma_wait3A_279 = tpu.memref_slice %arg5[%mul3A_272, %dma_wait3A_278] : memref<200x128xi32, #tpu.memory_space<vmem>> -> memref<1x128xi32, #tpu.memory_space<vmem>>
      %dma_wait3A_280 = tpu.memref_squeeze %dma_wait3A_279 : memref<1x128xi32, #tpu.memory_space<vmem>> -> memref<128xi32, #tpu.memory_space<vmem>>
      %dma_wait3A_281 = arith.constant 0 : i32
      %dma_wait3A_282 = arith.constant 0 : i32
      %dma_wait3A_283 = tpu.memref_slice %arg2[%dma_wait3A_281, %dma_wait3A_282] : memref<1000000x64xf32, #tpu.memory_space<hbm>> -> memref<1000000x64xf32, #tpu.memory_space<hbm>>
      tpu.wait_indirect_dma semaphore(%arg8 : memref<!tpu.dma_semaphore, #tpu.memory_space<semaphore_mem>>) src(%dma_wait3A_283 : memref<1000000x64xf32, #tpu.memory_space<hbm>>) dst(%dma_wait3A_277 : memref<128x64xf32, #tpu.memory_space<vmem>>)
      %gt3A = arith.constant 0 : i32
      %gt3A_284 = arith.cmpi sgt, %scan3A_270, %gt3A : i32
      %convert_element_type3A = arith.extui %gt3A_284 : i1 to i32
      %cond3A = arith.constant 0 : i32
      %cond3A_285 = arith.cmpi ne, %convert_element_type3A, %cond3A : i32
      scf.if %cond3A_285 {
        %dma_wait3A_649 = arith.constant 0 : i32
        %dma_wait3A_650 = arith.constant 0 : i32
        %dma_wait3A_651 = arith.constant 0 : i32
        %dma_wait3A_652 = tpu.memref_slice %arg7[%dma_wait3A_649, %dma_wait3A_650, %dma_wait3A_651] : memref<2x64x129xf32, #tpu.memory_space<vmem>> -> memref<1x8x128xf32, #tpu.memory_space<vmem>>
        %dma_wait3A_653 = tpu.memref_squeeze %dma_wait3A_652 : memref<1x8x128xf32, #tpu.memory_space<vmem>> -> memref<8x128xf32, #tpu.memory_space<vmem>>
        %dma_wait3A_654 = arith.constant 0 : i32
        %dma_wait3A_655 = arith.constant 0 : i32
        %dma_wait3A_656 = tpu.memref_slice %arg4[%dma_wait3A_654, %dma_wait3A_655] : memref<409600x128xf32, #tpu.memory_space<hbm>> -> memref<8x128xf32, #tpu.memory_space<hbm>>
        %dma_wait3A_657 = arith.constant 0 : i32
        %dma_wait3A_658 = arith.constant 0 : i32
        %dma_wait3A_659 = tpu.memref_slice %arg4[%dma_wait3A_657, %dma_wait3A_658] : memref<409600x128xf32, #tpu.memory_space<hbm>> -> memref<8x128xf32, #tpu.memory_space<hbm>>
        %dma_wait3A_660 = arith.constant 0 : i32
        %dma_wait3A_661 = arith.constant 0 : i32
        %dma_wait3A_662 = tpu.memref_slice %arg7[%dma_wait3A_649, %dma_wait3A_660, %dma_wait3A_661] : memref<2x64x129xf32, #tpu.memory_space<vmem>> -> memref<1x8x128xf32, #tpu.memory_space<vmem>>
        %dma_wait3A_663 = tpu.memref_squeeze %dma_wait3A_662 : memref<1x8x128xf32, #tpu.memory_space<vmem>> -> memref<8x128xf32, #tpu.memory_space<vmem>>
        tpu.wait_dma2 semaphore(%arg10 : memref<!tpu.dma_semaphore, #tpu.memory_space<semaphore_mem>>) src(%dma_wait3A_663 : memref<8x128xf32, #tpu.memory_space<vmem>>) dst(%dma_wait3A_659 : memref<8x128xf32, #tpu.memory_space<hbm>>)
        %dma_wait3A_664 = arith.constant 0 : i32
        %dma_wait3A_665 = arith.constant 8 : i32
        %dma_wait3A_666 = arith.constant 0 : i32
        %dma_wait3A_667 = tpu.memref_slice %arg7[%dma_wait3A_664, %dma_wait3A_665, %dma_wait3A_666] : memref<2x64x129xf32, #tpu.memory_space<vmem>> -> memref<1x8x128xf32, #tpu.memory_space<vmem>>
        %dma_wait3A_668 = tpu.memref_squeeze %dma_wait3A_667 : memref<1x8x128xf32, #tpu.memory_space<vmem>> -> memref<8x128xf32, #tpu.memory_space<vmem>>
        %dma_wait3A_669 = arith.constant 1024 : i32
        %dma_wait3A_670 = arith.constant 0 : i32
        %dma_wait3A_671 = tpu.memref_slice %arg4[%dma_wait3A_669, %dma_wait3A_670] : memref<409600x128xf32, #tpu.memory_space<hbm>> -> memref<8x128xf32, #tpu.memory_space<hbm>>
        %dma_wait3A_672 = arith.constant 1024 : i32
        %dma_wait3A_673 = arith.constant 0 : i32
        %dma_wait3A_674 = tpu.memref_slice %arg4[%dma_wait3A_672, %dma_wait3A_673] : memref<409600x128xf32, #tpu.memory_space<hbm>> -> memref<8x128xf32, #tpu.memory_space<hbm>>
        %dma_wait3A_675 = arith.constant 8 : i32
        %dma_wait3A_676 = arith.constant 0 : i32
        %dma_wait3A_677 = tpu.memref_slice %arg7[%dma_wait3A_664, %dma_wait3A_675, %dma_wait3A_676] : memref<2x64x129xf32, #tpu.memory_space<vmem>> -> memref<1x8x128xf32, #tpu.memory_space<vmem>>
        %dma_wait3A_678 = tpu.memref_squeeze %dma_wait3A_677 : memref<1x8x128xf32, #tpu.memory_space<vmem>> -> memref<8x128xf32, #tpu.memory_space<vmem>>
        tpu.wait_dma2 semaphore(%arg10 : memref<!tpu.dma_semaphore, #tpu.memory_space<semaphore_mem>>) src(%dma_wait3A_678 : memref<8x128xf32, #tpu.memory_space<vmem>>) dst(%dma_wait3A_674 : memref<8x128xf32, #tpu.memory_space<hbm>>)
        %dma_wait3A_679 = arith.constant 0 : i32
        %dma_wait3A_680 = arith.constant 16 : i32
        %dma_wait3A_681 = arith.constant 0 : i32
        %dma_wait3A_682 = tpu.memref_slice %arg7[%dma_wait3A_679, %dma_wait3A_680, %dma_wait3A_681] : memref<2x64x129xf32, #tpu.memory_space<vmem>> -> memref<1x8x128xf32, #tpu.memory_space<vmem>>
        %dma_wait3A_683 = tpu.memref_squeeze %dma_wait3A_682 : memref<1x8x128xf32, #tpu.memory_space<vmem>> -> memref<8x128xf32, #tpu.memory_space<vmem>>
        %dma_wait3A_684 = arith.constant 2048 : i32
        %dma_wait3A_685 = arith.constant 0 : i32
        %dma_wait3A_686 = tpu.memref_slice %arg4[%dma_wait3A_684, %dma_wait3A_685] : memref<409600x128xf32, #tpu.memory_space<hbm>> -> memref<8x128xf32, #tpu.memory_space<hbm>>
        %dma_wait3A_687 = arith.constant 2048 : i32
        %dma_wait3A_688 = arith.constant 0 : i32
        %dma_wait3A_689 = tpu.memref_slice %arg4[%dma_wait3A_687, %dma_wait3A_688] : memref<409600x128xf32, #tpu.memory_space<hbm>> -> memref<8x128xf32, #tpu.memory_space<hbm>>
        %dma_wait3A_690 = arith.constant 16 : i32
        %dma_wait3A_691 = arith.constant 0 : i32
        %dma_wait3A_692 = tpu.memref_slice %arg7[%dma_wait3A_679, %dma_wait3A_690, %dma_wait3A_691] : memref<2x64x129xf32, #tpu.memory_space<vmem>> -> memref<1x8x128xf32, #tpu.memory_space<vmem>>
        %dma_wait3A_693 = tpu.memref_squeeze %dma_wait3A_692 : memref<1x8x128xf32, #tpu.memory_space<vmem>> -> memref<8x128xf32, #tpu.memory_space<vmem>>
        tpu.wait_dma2 semaphore(%arg10 : memref<!tpu.dma_semaphore, #tpu.memory_space<semaphore_mem>>) src(%dma_wait3A_693 : memref<8x128xf32, #tpu.memory_space<vmem>>) dst(%dma_wait3A_689 : memref<8x128xf32, #tpu.memory_space<hbm>>)
        %dma_wait3A_694 = arith.constant 0 : i32
        %dma_wait3A_695 = arith.constant 24 : i32
        %dma_wait3A_696 = arith.constant 0 : i32
        %dma_wait3A_697 = tpu.memref_slice %arg7[%dma_wait3A_694, %dma_wait3A_695, %dma_wait3A_696] : memref<2x64x129xf32, #tpu.memory_space<vmem>> -> memref<1x8x128xf32, #tpu.memory_space<vmem>>
        %dma_wait3A_698 = tpu.memref_squeeze %dma_wait3A_697 : memref<1x8x128xf32, #tpu.memory_space<vmem>> -> memref<8x128xf32, #tpu.memory_space<vmem>>
        %dma_wait3A_699 = arith.constant 3072 : i32
        %dma_wait3A_700 = arith.constant 0 : i32
        %dma_wait3A_701 = tpu.memref_slice %arg4[%dma_wait3A_699, %dma_wait3A_700] : memref<409600x128xf32, #tpu.memory_space<hbm>> -> memref<8x128xf32, #tpu.memory_space<hbm>>
        %dma_wait3A_702 = arith.constant 3072 : i32
        %dma_wait3A_703 = arith.constant 0 : i32
        %dma_wait3A_704 = tpu.memref_slice %arg4[%dma_wait3A_702, %dma_wait3A_703] : memref<409600x128xf32, #tpu.memory_space<hbm>> -> memref<8x128xf32, #tpu.memory_space<hbm>>
        %dma_wait3A_705 = arith.constant 24 : i32
        %dma_wait3A_706 = arith.constant 0 : i32
        %dma_wait3A_707 = tpu.memref_slice %arg7[%dma_wait3A_694, %dma_wait3A_705, %dma_wait3A_706] : memref<2x64x129xf32, #tpu.memory_space<vmem>> -> memref<1x8x128xf32, #tpu.memory_space<vmem>>
        %dma_wait3A_708 = tpu.memref_squeeze %dma_wait3A_707 : memref<1x8x128xf32, #tpu.memory_space<vmem>> -> memref<8x128xf32, #tpu.memory_space<vmem>>
        tpu.wait_dma2 semaphore(%arg10 : memref<!tpu.dma_semaphore, #tpu.memory_space<semaphore_mem>>) src(%dma_wait3A_708 : memref<8x128xf32, #tpu.memory_space<vmem>>) dst(%dma_wait3A_704 : memref<8x128xf32, #tpu.memory_space<hbm>>)
        %dma_wait3A_709 = arith.constant 0 : i32
        %dma_wait3A_710 = arith.constant 32 : i32
        %dma_wait3A_711 = arith.constant 0 : i32
        %dma_wait3A_712 = tpu.memref_slice %arg7[%dma_wait3A_709, %dma_wait3A_710, %dma_wait3A_711] : memref<2x64x129xf32, #tpu.memory_space<vmem>> -> memref<1x8x128xf32, #tpu.memory_space<vmem>>
        %dma_wait3A_713 = tpu.memref_squeeze %dma_wait3A_712 : memref<1x8x128xf32, #tpu.memory_space<vmem>> -> memref<8x128xf32, #tpu.memory_space<vmem>>
        %dma_wait3A_714 = arith.constant 4096 : i32
        %dma_wait3A_715 = arith.constant 0 : i32
        %dma_wait3A_716 = tpu.memref_slice %arg4[%dma_wait3A_714, %dma_wait3A_715] : memref<409600x128xf32, #tpu.memory_space<hbm>> -> memref<8x128xf32, #tpu.memory_space<hbm>>
        %dma_wait3A_717 = arith.constant 4096 : i32
        %dma_wait3A_718 = arith.constant 0 : i32
        %dma_wait3A_719 = tpu.memref_slice %arg4[%dma_wait3A_717, %dma_wait3A_718] : memref<409600x128xf32, #tpu.memory_space<hbm>> -> memref<8x128xf32, #tpu.memory_space<hbm>>
        %dma_wait3A_720 = arith.constant 32 : i32
        %dma_wait3A_721 = arith.constant 0 : i32
        %dma_wait3A_722 = tpu.memref_slice %arg7[%dma_wait3A_709, %dma_wait3A_720, %dma_wait3A_721] : memref<2x64x129xf32, #tpu.memory_space<vmem>> -> memref<1x8x128xf32, #tpu.memory_space<vmem>>
        %dma_wait3A_723 = tpu.memref_squeeze %dma_wait3A_722 : memref<1x8x128xf32, #tpu.memory_space<vmem>> -> memref<8x128xf32, #tpu.memory_space<vmem>>
        tpu.wait_dma2 semaphore(%arg10 : memref<!tpu.dma_semaphore, #tpu.memory_space<semaphore_mem>>) src(%dma_wait3A_723 : memref<8x128xf32, #tpu.memory_space<vmem>>) dst(%dma_wait3A_719 : memref<8x128xf32, #tpu.memory_space<hbm>>)
        %dma_wait3A_724 = arith.constant 0 : i32
        %dma_wait3A_725 = arith.constant 40 : i32
        %dma_wait3A_726 = arith.constant 0 : i32
        %dma_wait3A_727 = tpu.memref_slice %arg7[%dma_wait3A_724, %dma_wait3A_725, %dma_wait3A_726] : memref<2x64x129xf32, #tpu.memory_space<vmem>> -> memref<1x8x128xf32, #tpu.memory_space<vmem>>
        %dma_wait3A_728 = tpu.memref_squeeze %dma_wait3A_727 : memref<1x8x128xf32, #tpu.memory_space<vmem>> -> memref<8x128xf32, #tpu.memory_space<vmem>>
        %dma_wait3A_729 = arith.constant 5120 : i32
        %dma_wait3A_730 = arith.constant 0 : i32
        %dma_wait3A_731 = tpu.memref_slice %arg4[%dma_wait3A_729, %dma_wait3A_730] : memref<409600x128xf32, #tpu.memory_space<hbm>> -> memref<8x128xf32, #tpu.memory_space<hbm>>
        %dma_wait3A_732 = arith.constant 5120 : i32
        %dma_wait3A_733 = arith.constant 0 : i32
        %dma_wait3A_734 = tpu.memref_slice %arg4[%dma_wait3A_732, %dma_wait3A_733] : memref<409600x128xf32, #tpu.memory_space<hbm>> -> memref<8x128xf32, #tpu.memory_space<hbm>>
        %dma_wait3A_735 = arith.constant 40 : i32
        %dma_wait3A_736 = arith.constant 0 : i32
        %dma_wait3A_737 = tpu.memref_slice %arg7[%dma_wait3A_724, %dma_wait3A_735, %dma_wait3A_736] : memref<2x64x129xf32, #tpu.memory_space<vmem>> -> memref<1x8x128xf32, #tpu.memory_space<vmem>>
        %dma_wait3A_738 = tpu.memref_squeeze %dma_wait3A_737 : memref<1x8x128xf32, #tpu.memory_space<vmem>> -> memref<8x128xf32, #tpu.memory_space<vmem>>
        tpu.wait_dma2 semaphore(%arg10 : memref<!tpu.dma_semaphore, #tpu.memory_space<semaphore_mem>>) src(%dma_wait3A_738 : memref<8x128xf32, #tpu.memory_space<vmem>>) dst(%dma_wait3A_734 : memref<8x128xf32, #tpu.memory_space<hbm>>)
        %dma_wait3A_739 = arith.constant 0 : i32
        %dma_wait3A_740 = arith.constant 48 : i32
        %dma_wait3A_741 = arith.constant 0 : i32
        %dma_wait3A_742 = tpu.memref_slice %arg7[%dma_wait3A_739, %dma_wait3A_740, %dma_wait3A_741] : memref<2x64x129xf32, #tpu.memory_space<vmem>> -> memref<1x8x128xf32, #tpu.memory_space<vmem>>
        %dma_wait3A_743 = tpu.memref_squeeze %dma_wait3A_742 : memref<1x8x128xf32, #tpu.memory_space<vmem>> -> memref<8x128xf32, #tpu.memory_space<vmem>>
        %dma_wait3A_744 = arith.constant 6144 : i32
        %dma_wait3A_745 = arith.constant 0 : i32
        %dma_wait3A_746 = tpu.memref_slice %arg4[%dma_wait3A_744, %dma_wait3A_745] : memref<409600x128xf32, #tpu.memory_space<hbm>> -> memref<8x128xf32, #tpu.memory_space<hbm>>
        %dma_wait3A_747 = arith.constant 6144 : i32
        %dma_wait3A_748 = arith.constant 0 : i32
        %dma_wait3A_749 = tpu.memref_slice %arg4[%dma_wait3A_747, %dma_wait3A_748] : memref<409600x128xf32, #tpu.memory_space<hbm>> -> memref<8x128xf32, #tpu.memory_space<hbm>>
        %dma_wait3A_750 = arith.constant 48 : i32
        %dma_wait3A_751 = arith.constant 0 : i32
        %dma_wait3A_752 = tpu.memref_slice %arg7[%dma_wait3A_739, %dma_wait3A_750, %dma_wait3A_751] : memref<2x64x129xf32, #tpu.memory_space<vmem>> -> memref<1x8x128xf32, #tpu.memory_space<vmem>>
        %dma_wait3A_753 = tpu.memref_squeeze %dma_wait3A_752 : memref<1x8x128xf32, #tpu.memory_space<vmem>> -> memref<8x128xf32, #tpu.memory_space<vmem>>
        tpu.wait_dma2 semaphore(%arg10 : memref<!tpu.dma_semaphore, #tpu.memory_space<semaphore_mem>>) src(%dma_wait3A_753 : memref<8x128xf32, #tpu.memory_space<vmem>>) dst(%dma_wait3A_749 : memref<8x128xf32, #tpu.memory_space<hbm>>)
        %dma_wait3A_754 = arith.constant 0 : i32
        %dma_wait3A_755 = arith.constant 56 : i32
        %dma_wait3A_756 = arith.constant 0 : i32
        %dma_wait3A_757 = tpu.memref_slice %arg7[%dma_wait3A_754, %dma_wait3A_755, %dma_wait3A_756] : memref<2x64x129xf32, #tpu.memory_space<vmem>> -> memref<1x8x128xf32, #tpu.memory_space<vmem>>
        %dma_wait3A_758 = tpu.memref_squeeze %dma_wait3A_757 : memref<1x8x128xf32, #tpu.memory_space<vmem>> -> memref<8x128xf32, #tpu.memory_space<vmem>>
        %dma_wait3A_759 = arith.constant 7168 : i32
        %dma_wait3A_760 = arith.constant 0 : i32
        %dma_wait3A_761 = tpu.memref_slice %arg4[%dma_wait3A_759, %dma_wait3A_760] : memref<409600x128xf32, #tpu.memory_space<hbm>> -> memref<8x128xf32, #tpu.memory_space<hbm>>
        %dma_wait3A_762 = arith.constant 7168 : i32
        %dma_wait3A_763 = arith.constant 0 : i32
        %dma_wait3A_764 = tpu.memref_slice %arg4[%dma_wait3A_762, %dma_wait3A_763] : memref<409600x128xf32, #tpu.memory_space<hbm>> -> memref<8x128xf32, #tpu.memory_space<hbm>>
        %dma_wait3A_765 = arith.constant 56 : i32
        %dma_wait3A_766 = arith.constant 0 : i32
        %dma_wait3A_767 = tpu.memref_slice %arg7[%dma_wait3A_754, %dma_wait3A_765, %dma_wait3A_766] : memref<2x64x129xf32, #tpu.memory_space<vmem>> -> memref<1x8x128xf32, #tpu.memory_space<vmem>>
        %dma_wait3A_768 = tpu.memref_squeeze %dma_wait3A_767 : memref<1x8x128xf32, #tpu.memory_space<vmem>> -> memref<8x128xf32, #tpu.memory_space<vmem>>
        tpu.wait_dma2 semaphore(%arg10 : memref<!tpu.dma_semaphore, #tpu.memory_space<semaphore_mem>>) src(%dma_wait3A_768 : memref<8x128xf32, #tpu.memory_space<vmem>>) dst(%dma_wait3A_764 : memref<8x128xf32, #tpu.memory_space<hbm>>)
      } else {
      }
      %parallel_loop3A = arith.constant 0 : i32
      %parallel_loop3A_286 = arith.constant 128 : i32
      %parallel_loop3A_287 = arith.constant 1 : i32
      %parallel_loop3A_288 = arith.constant 0 : i32
      %parallel_loop3A_289 = arith.constant 0 : i32
      scf.for %parallel_loop3A_649 = %parallel_loop3A to %parallel_loop3A_286 step %parallel_loop3A_287  : i32 {
        %parallel_loop3A_650 = arith.constant 0 : i32
        %parallel_loop3A_651 = vector.broadcast %parallel_loop3A_650 : i32 to vector<16xi32>
        %parallel_loop3A_652 = arith.muli %iota3A, %parallel_loop3A_651 : vector<16xi32>
        %parallel_loop3A_653 = vector.broadcast %parallel_loop3A_649 : i32 to vector<16xi32>
        %parallel_loop3A_654 = arith.addi %parallel_loop3A_652, %parallel_loop3A_653 : vector<16xi32>
        %parallel_loop3A_655 = arith.constant 0 : i32
        %parallel_loop3A_656 = arith.constant 0 : i32
        %parallel_loop3A_657 = tpu.memref_slice %arg6[%parallel_loop3A_288, %parallel_loop3A_655, %parallel_loop3A_656] : memref<2x128x64xf32, #tpu.memory_space<vmem>> -> memref<1x128x64xf32, #tpu.memory_space<vmem>>
        %parallel_loop3A_658 = tpu.memref_squeeze %parallel_loop3A_657 : memref<1x128x64xf32, #tpu.memory_space<vmem>> -> memref<128x64xf32, #tpu.memory_space<vmem>>
        %parallel_loop3A_659 = arith.index_cast %parallel_loop3A_649 : i32 to index
        %parallel_loop3A_660 = arith.constant 0 : index
        %parallel_loop3A_661 = tpu.vector_load %parallel_loop3A_658[%parallel_loop3A_659, %parallel_loop3A_660] {strides = array<i32>} : memref<128x64xf32, #tpu.memory_space<vmem>>, vector<16xf32>,
        %parallel_loop3A_662 = arith.constant 0 : i32
        %parallel_loop3A_663 = vector.broadcast %parallel_loop3A_662 : i32 to vector<16xi32>
        %parallel_loop3A_664 = arith.addi %iota3A, %parallel_loop3A_663 : vector<16xi32>
        %parallel_loop3A_665 = arith.constant 0 : i32
        %parallel_loop3A_666 = arith.constant 0 : i32
        %parallel_loop3A_667 = tpu.memref_slice %arg7[%parallel_loop3A_289, %parallel_loop3A_665, %parallel_loop3A_666] : memref<2x64x129xf32, #tpu.memory_space<vmem>> -> memref<1x64x129xf32, #tpu.memory_space<vmem>>
        %parallel_loop3A_668 = tpu.memref_squeeze %parallel_loop3A_667 : memref<1x64x129xf32, #tpu.memory_space<vmem>> -> memref<64x129xf32, #tpu.memory_space<vmem>>
        tpu.vector_store_idx %parallel_loop3A_668[%parallel_loop3A_664, %parallel_loop3A_654], %parallel_loop3A_661 : memref<64x129xf32, #tpu.memory_space<vmem>>[vector<16xi32>, vector<16xi32>], vector<16xf32>,
        %parallel_loop3A_669 = arith.constant 0 : i32
        %parallel_loop3A_670 = arith.constant 0 : i32
        %parallel_loop3A_671 = tpu.memref_slice %arg6[%parallel_loop3A_288, %parallel_loop3A_669, %parallel_loop3A_670] : memref<2x128x64xf32, #tpu.memory_space<vmem>> -> memref<1x128x64xf32, #tpu.memory_space<vmem>>
        %parallel_loop3A_672 = tpu.memref_squeeze %parallel_loop3A_671 : memref<1x128x64xf32, #tpu.memory_space<vmem>> -> memref<128x64xf32, #tpu.memory_space<vmem>>
        %parallel_loop3A_673 = arith.index_cast %parallel_loop3A_649 : i32 to index
        %parallel_loop3A_674 = arith.constant 16 : index
        %parallel_loop3A_675 = tpu.vector_load %parallel_loop3A_672[%parallel_loop3A_673, %parallel_loop3A_674] {strides = array<i32>} : memref<128x64xf32, #tpu.memory_space<vmem>>, vector<16xf32>,
        %parallel_loop3A_676 = arith.constant 16 : i32
        %parallel_loop3A_677 = vector.broadcast %parallel_loop3A_676 : i32 to vector<16xi32>
        %parallel_loop3A_678 = arith.addi %iota3A, %parallel_loop3A_677 : vector<16xi32>
        %parallel_loop3A_679 = arith.constant 0 : i32
        %parallel_loop3A_680 = arith.constant 0 : i32
        %parallel_loop3A_681 = tpu.memref_slice %arg7[%parallel_loop3A_289, %parallel_loop3A_679, %parallel_loop3A_680] : memref<2x64x129xf32, #tpu.memory_space<vmem>> -> memref<1x64x129xf32, #tpu.memory_space<vmem>>
        %parallel_loop3A_682 = tpu.memref_squeeze %parallel_loop3A_681 : memref<1x64x129xf32, #tpu.memory_space<vmem>> -> memref<64x129xf32, #tpu.memory_space<vmem>>
        tpu.vector_store_idx %parallel_loop3A_682[%parallel_loop3A_678, %parallel_loop3A_654], %parallel_loop3A_675 : memref<64x129xf32, #tpu.memory_space<vmem>>[vector<16xi32>, vector<16xi32>], vector<16xf32>,
        %parallel_loop3A_683 = arith.constant 0 : i32
        %parallel_loop3A_684 = arith.constant 0 : i32
        %parallel_loop3A_685 = tpu.memref_slice %arg6[%parallel_loop3A_288, %parallel_loop3A_683, %parallel_loop3A_684] : memref<2x128x64xf32, #tpu.memory_space<vmem>> -> memref<1x128x64xf32, #tpu.memory_space<vmem>>
        %parallel_loop3A_686 = tpu.memref_squeeze %parallel_loop3A_685 : memref<1x128x64xf32, #tpu.memory_space<vmem>> -> memref<128x64xf32, #tpu.memory_space<vmem>>
        %parallel_loop3A_687 = arith.index_cast %parallel_loop3A_649 : i32 to index
        %parallel_loop3A_688 = arith.constant 32 : index
        %parallel_loop3A_689 = tpu.vector_load %parallel_loop3A_686[%parallel_loop3A_687, %parallel_loop3A_688] {strides = array<i32>} : memref<128x64xf32, #tpu.memory_space<vmem>>, vector<16xf32>,
        %parallel_loop3A_690 = arith.constant 32 : i32
        %parallel_loop3A_691 = vector.broadcast %parallel_loop3A_690 : i32 to vector<16xi32>
        %parallel_loop3A_692 = arith.addi %iota3A, %parallel_loop3A_691 : vector<16xi32>
        %parallel_loop3A_693 = arith.constant 0 : i32
        %parallel_loop3A_694 = arith.constant 0 : i32
        %parallel_loop3A_695 = tpu.memref_slice %arg7[%parallel_loop3A_289, %parallel_loop3A_693, %parallel_loop3A_694] : memref<2x64x129xf32, #tpu.memory_space<vmem>> -> memref<1x64x129xf32, #tpu.memory_space<vmem>>
        %parallel_loop3A_696 = tpu.memref_squeeze %parallel_loop3A_695 : memref<1x64x129xf32, #tpu.memory_space<vmem>> -> memref<64x129xf32, #tpu.memory_space<vmem>>
        tpu.vector_store_idx %parallel_loop3A_696[%parallel_loop3A_692, %parallel_loop3A_654], %parallel_loop3A_689 : memref<64x129xf32, #tpu.memory_space<vmem>>[vector<16xi32>, vector<16xi32>], vector<16xf32>,
        %parallel_loop3A_697 = arith.constant 0 : i32
        %parallel_loop3A_698 = arith.constant 0 : i32
        %parallel_loop3A_699 = tpu.memref_slice %arg6[%parallel_loop3A_288, %parallel_loop3A_697, %parallel_loop3A_698] : memref<2x128x64xf32, #tpu.memory_space<vmem>> -> memref<1x128x64xf32, #tpu.memory_space<vmem>>
        %parallel_loop3A_700 = tpu.memref_squeeze %parallel_loop3A_699 : memref<1x128x64xf32, #tpu.memory_space<vmem>> -> memref<128x64xf32, #tpu.memory_space<vmem>>
        %parallel_loop3A_701 = arith.index_cast %parallel_loop3A_649 : i32 to index
        %parallel_loop3A_702 = arith.constant 48 : index
        %parallel_loop3A_703 = tpu.vector_load %parallel_loop3A_700[%parallel_loop3A_701, %parallel_loop3A_702] {strides = array<i32>} : memref<128x64xf32, #tpu.memory_space<vmem>>, vector<16xf32>,
        %parallel_loop3A_704 = arith.constant 48 : i32
        %parallel_loop3A_705 = vector.broadcast %parallel_loop3A_704 : i32 to vector<16xi32>
        %parallel_loop3A_706 = arith.addi %iota3A, %parallel_loop3A_705 : vector<16xi32>
        %parallel_loop3A_707 = arith.constant 0 : i32
        %parallel_loop3A_708 = arith.constant 0 : i32
        %parallel_loop3A_709 = tpu.memref_slice %arg7[%parallel_loop3A_289, %parallel_loop3A_707, %parallel_loop3A_708] : memref<2x64x129xf32, #tpu.memory_space<vmem>> -> memref<1x64x129xf32, #tpu.memory_space<vmem>>
        %parallel_loop3A_710 = tpu.memref_squeeze %parallel_loop3A_709 : memref<1x64x129xf32, #tpu.memory_space<vmem>> -> memref<64x129xf32, #tpu.memory_space<vmem>>
        tpu.vector_store_idx %parallel_loop3A_710[%parallel_loop3A_706, %parallel_loop3A_654], %parallel_loop3A_703 : memref<64x129xf32, #tpu.memory_space<vmem>>[vector<16xi32>, vector<16xi32>], vector<16xf32>,
      } {sc.loop_unroll_factor = 8 : i64, sc.parallel_access}
      %add3A_290 = arith.addi %mul3A_2, %mul3A_272 : i32
      %jit3A = arith.constant 128 : i32
      %div3A = arith.divsi %add3A_290, %jit3A : i32
      %sign3A = arith.constant 0 : i32
      %sign3A_291 = arith.cmpi sgt, %add3A_290, %sign3A : i32
      %sign3A_292 = arith.extui %sign3A_291 : i1 to i32
      %sign3A_293 = arith.constant 0 : i32
      %sign3A_294 = arith.cmpi slt, %add3A_290, %sign3A_293 : i32
      %sign3A_295 = arith.extui %sign3A_294 : i1 to i32
      %sign3A_296 = arith.subi %sign3A_292, %sign3A_295 : i32
      %sign3A_297 = arith.constant 0 : i32
      %sign3A_298 = arith.cmpi sgt, %jit3A, %sign3A_297 : i32
      %sign3A_299 = arith.extui %sign3A_298 : i1 to i32
      %sign3A_300 = arith.constant 0 : i32
      %sign3A_301 = arith.cmpi slt, %jit3A, %sign3A_300 : i32
      %sign3A_302 = arith.extui %sign3A_301 : i1 to i32
      %sign3A_303 = arith.subi %sign3A_299, %sign3A_302 : i32
      %ne3A = arith.cmpi ne, %sign3A_296, %sign3A_303 : i32
      %rem3A = arith.remsi %add3A_290, %jit3A : i32
      %ne3A_304 = arith.constant 0 : i32
      %ne3A_305 = arith.cmpi ne, %rem3A, %ne3A_304 : i32
      %and3A = arith.andi %ne3A, %ne3A_305 : i1
      %sub3A = arith.constant 1 : i32
      %sub3A_306 = arith.subi %div3A, %sub3A : i32
      %select_n3A = arith.select %and3A, %sub3A_306, %div3A : i32
      %jit3A_307 = arith.constant 128 : i32
      %eq3A = arith.constant 0 : i32
      %eq3A_308 = arith.cmpi eq, %jit3A_307, %eq3A : i32
      %jit3A_309 = arith.constant 1 : i32
      %select_n3A_310 = arith.select %eq3A_308, %jit3A_309, %jit3A_307 : i32
      %rem3A_311 = arith.remsi %add3A_290, %select_n3A_310 : i32
      %ne3A_312 = arith.constant 0 : i32
      %ne3A_313 = arith.cmpi ne, %rem3A_311, %ne3A_312 : i32
      %lt3A = arith.constant 0 : i32
      %lt3A_314 = arith.cmpi slt, %rem3A_311, %lt3A : i32
      %lt3A_315 = arith.constant 0 : i32
      %lt3A_316 = arith.cmpi slt, %select_n3A_310, %lt3A_315 : i32
      %ne3A_317 = arith.xori %lt3A_314, %lt3A_316 : i1
      %and3A_318 = arith.andi %ne3A_317, %ne3A_313 : i1
      %add3A_319 = arith.addi %rem3A_311, %select_n3A_310 : i32
      %select_n3A_320 = arith.select %and3A_318, %add3A_319, %rem3A_311 : i32
      %mul3A_321 = arith.constant 8192 : i32
      %mul3A_322 = arith.muli %select_n3A, %mul3A_321 : i32
      %mul3A_323 = arith.constant 8 : i32
      %mul3A_324 = arith.muli %select_n3A_320, %mul3A_323 : i32
      %add3A_325 = arith.addi %mul3A_322, %mul3A_324 : i32
      %add3A_326 = arith.constant 0 : i32
      %add3A_327 = arith.addi %add3A_325, %add3A_326 : i32
      %dma_start3A_328 = arith.constant 0 : i32
      %dma_start3A_329 = arith.constant 0 : i32
      %dma_start3A_330 = arith.constant 0 : i32
      %dma_start3A_331 = tpu.memref_slice %arg7[%dma_start3A_328, %dma_start3A_329, %dma_start3A_330] : memref<2x64x129xf32, #tpu.memory_space<vmem>> -> memref<1x8x128xf32, #tpu.memory_space<vmem>>
      %dma_start3A_332 = tpu.memref_squeeze %dma_start3A_331 : memref<1x8x128xf32, #tpu.memory_space<vmem>> -> memref<8x128xf32, #tpu.memory_space<vmem>>
      %dma_start3A_333 = arith.constant 0 : i32
      %dma_start3A_334 = tpu.memref_slice %arg4[%add3A_327, %dma_start3A_333] : memref<409600x128xf32, #tpu.memory_space<hbm>> -> memref<8x128xf32, #tpu.memory_space<hbm>>
      %dma_start3A_335 = arith.constant 0 : i32
      %dma_start3A_336 = tpu.memref_slice %arg4[%add3A_327, %dma_start3A_335] : memref<409600x128xf32, #tpu.memory_space<hbm>> -> memref<8x128xf32, #tpu.memory_space<hbm>>
      %dma_start3A_337 = arith.constant 0 : i32
      %dma_start3A_338 = arith.constant 0 : i32
      %dma_start3A_339 = tpu.memref_slice %arg7[%dma_start3A_328, %dma_start3A_337, %dma_start3A_338] : memref<2x64x129xf32, #tpu.memory_space<vmem>> -> memref<1x8x128xf32, #tpu.memory_space<vmem>>
      %dma_start3A_340 = tpu.memref_squeeze %dma_start3A_339 : memref<1x8x128xf32, #tpu.memory_space<vmem>> -> memref<8x128xf32, #tpu.memory_space<vmem>>
      tpu.enqueue_dma source(%dma_start3A_340 : memref<8x128xf32, #tpu.memory_space<vmem>>) target(%dma_start3A_336 : memref<8x128xf32, #tpu.memory_space<hbm>>) target_semaphore(%arg10 : memref<!tpu.dma_semaphore, #tpu.memory_space<semaphore_mem>>)
      %add3A_341 = arith.constant 1024 : i32
      %add3A_342 = arith.addi %add3A_325, %add3A_341 : i32
      %dma_start3A_343 = arith.constant 0 : i32
      %dma_start3A_344 = arith.constant 8 : i32
      %dma_start3A_345 = arith.constant 0 : i32
      %dma_start3A_346 = tpu.memref_slice %arg7[%dma_start3A_343, %dma_start3A_344, %dma_start3A_345] : memref<2x64x129xf32, #tpu.memory_space<vmem>> -> memref<1x8x128xf32, #tpu.memory_space<vmem>>
      %dma_start3A_347 = tpu.memref_squeeze %dma_start3A_346 : memref<1x8x128xf32, #tpu.memory_space<vmem>> -> memref<8x128xf32, #tpu.memory_space<vmem>>
      %dma_start3A_348 = arith.constant 0 : i32
      %dma_start3A_349 = tpu.memref_slice %arg4[%add3A_342, %dma_start3A_348] : memref<409600x128xf32, #tpu.memory_space<hbm>> -> memref<8x128xf32, #tpu.memory_space<hbm>>
      %dma_start3A_350 = arith.constant 0 : i32
      %dma_start3A_351 = tpu.memref_slice %arg4[%add3A_342, %dma_start3A_350] : memref<409600x128xf32, #tpu.memory_space<hbm>> -> memref<8x128xf32, #tpu.memory_space<hbm>>
      %dma_start3A_352 = arith.constant 8 : i32
      %dma_start3A_353 = arith.constant 0 : i32
      %dma_start3A_354 = tpu.memref_slice %arg7[%dma_start3A_343, %dma_start3A_352, %dma_start3A_353] : memref<2x64x129xf32, #tpu.memory_space<vmem>> -> memref<1x8x128xf32, #tpu.memory_space<vmem>>
      %dma_start3A_355 = tpu.memref_squeeze %dma_start3A_354 : memref<1x8x128xf32, #tpu.memory_space<vmem>> -> memref<8x128xf32, #tpu.memory_space<vmem>>
      tpu.enqueue_dma source(%dma_start3A_355 : memref<8x128xf32, #tpu.memory_space<vmem>>) target(%dma_start3A_351 : memref<8x128xf32, #tpu.memory_space<hbm>>) target_semaphore(%arg10 : memref<!tpu.dma_semaphore, #tpu.memory_space<semaphore_mem>>)
      %add3A_356 = arith.constant 2048 : i32
      %add3A_357 = arith.addi %add3A_325, %add3A_356 : i32
      %dma_start3A_358 = arith.constant 0 : i32
      %dma_start3A_359 = arith.constant 16 : i32
      %dma_start3A_360 = arith.constant 0 : i32
      %dma_start3A_361 = tpu.memref_slice %arg7[%dma_start3A_358, %dma_start3A_359, %dma_start3A_360] : memref<2x64x129xf32, #tpu.memory_space<vmem>> -> memref<1x8x128xf32, #tpu.memory_space<vmem>>
      %dma_start3A_362 = tpu.memref_squeeze %dma_start3A_361 : memref<1x8x128xf32, #tpu.memory_space<vmem>> -> memref<8x128xf32, #tpu.memory_space<vmem>>
      %dma_start3A_363 = arith.constant 0 : i32
      %dma_start3A_364 = tpu.memref_slice %arg4[%add3A_357, %dma_start3A_363] : memref<409600x128xf32, #tpu.memory_space<hbm>> -> memref<8x128xf32, #tpu.memory_space<hbm>>
      %dma_start3A_365 = arith.constant 0 : i32
      %dma_start3A_366 = tpu.memref_slice %arg4[%add3A_357, %dma_start3A_365] : memref<409600x128xf32, #tpu.memory_space<hbm>> -> memref<8x128xf32, #tpu.memory_space<hbm>>
      %dma_start3A_367 = arith.constant 16 : i32
      %dma_start3A_368 = arith.constant 0 : i32
      %dma_start3A_369 = tpu.memref_slice %arg7[%dma_start3A_358, %dma_start3A_367, %dma_start3A_368] : memref<2x64x129xf32, #tpu.memory_space<vmem>> -> memref<1x8x128xf32, #tpu.memory_space<vmem>>
      %dma_start3A_370 = tpu.memref_squeeze %dma_start3A_369 : memref<1x8x128xf32, #tpu.memory_space<vmem>> -> memref<8x128xf32, #tpu.memory_space<vmem>>
      tpu.enqueue_dma source(%dma_start3A_370 : memref<8x128xf32, #tpu.memory_space<vmem>>) target(%dma_start3A_366 : memref<8x128xf32, #tpu.memory_space<hbm>>) target_semaphore(%arg10 : memref<!tpu.dma_semaphore, #tpu.memory_space<semaphore_mem>>)
      %add3A_371 = arith.constant 3072 : i32
      %add3A_372 = arith.addi %add3A_325, %add3A_371 : i32
      %dma_start3A_373 = arith.constant 0 : i32
      %dma_start3A_374 = arith.constant 24 : i32
      %dma_start3A_375 = arith.constant 0 : i32
      %dma_start3A_376 = tpu.memref_slice %arg7[%dma_start3A_373, %dma_start3A_374, %dma_start3A_375] : memref<2x64x129xf32, #tpu.memory_space<vmem>> -> memref<1x8x128xf32, #tpu.memory_space<vmem>>
      %dma_start3A_377 = tpu.memref_squeeze %dma_start3A_376 : memref<1x8x128xf32, #tpu.memory_space<vmem>> -> memref<8x128xf32, #tpu.memory_space<vmem>>
      %dma_start3A_378 = arith.constant 0 : i32
      %dma_start3A_379 = tpu.memref_slice %arg4[%add3A_372, %dma_start3A_378] : memref<409600x128xf32, #tpu.memory_space<hbm>> -> memref<8x128xf32, #tpu.memory_space<hbm>>
      %dma_start3A_380 = arith.constant 0 : i32
      %dma_start3A_381 = tpu.memref_slice %arg4[%add3A_372, %dma_start3A_380] : memref<409600x128xf32, #tpu.memory_space<hbm>> -> memref<8x128xf32, #tpu.memory_space<hbm>>
      %dma_start3A_382 = arith.constant 24 : i32
      %dma_start3A_383 = arith.constant 0 : i32
      %dma_start3A_384 = tpu.memref_slice %arg7[%dma_start3A_373, %dma_start3A_382, %dma_start3A_383] : memref<2x64x129xf32, #tpu.memory_space<vmem>> -> memref<1x8x128xf32, #tpu.memory_space<vmem>>
      %dma_start3A_385 = tpu.memref_squeeze %dma_start3A_384 : memref<1x8x128xf32, #tpu.memory_space<vmem>> -> memref<8x128xf32, #tpu.memory_space<vmem>>
      tpu.enqueue_dma source(%dma_start3A_385 : memref<8x128xf32, #tpu.memory_space<vmem>>) target(%dma_start3A_381 : memref<8x128xf32, #tpu.memory_space<hbm>>) target_semaphore(%arg10 : memref<!tpu.dma_semaphore, #tpu.memory_space<semaphore_mem>>)
      %add3A_386 = arith.constant 4096 : i32
      %add3A_387 = arith.addi %add3A_325, %add3A_386 : i32
      %dma_start3A_388 = arith.constant 0 : i32
      %dma_start3A_389 = arith.constant 32 : i32
      %dma_start3A_390 = arith.constant 0 : i32
      %dma_start3A_391 = tpu.memref_slice %arg7[%dma_start3A_388, %dma_start3A_389, %dma_start3A_390] : memref<2x64x129xf32, #tpu.memory_space<vmem>> -> memref<1x8x128xf32, #tpu.memory_space<vmem>>
      %dma_start3A_392 = tpu.memref_squeeze %dma_start3A_391 : memref<1x8x128xf32, #tpu.memory_space<vmem>> -> memref<8x128xf32, #tpu.memory_space<vmem>>
      %dma_start3A_393 = arith.constant 0 : i32
      %dma_start3A_394 = tpu.memref_slice %arg4[%add3A_387, %dma_start3A_393] : memref<409600x128xf32, #tpu.memory_space<hbm>> -> memref<8x128xf32, #tpu.memory_space<hbm>>
      %dma_start3A_395 = arith.constant 0 : i32
      %dma_start3A_396 = tpu.memref_slice %arg4[%add3A_387, %dma_start3A_395] : memref<409600x128xf32, #tpu.memory_space<hbm>> -> memref<8x128xf32, #tpu.memory_space<hbm>>
      %dma_start3A_397 = arith.constant 32 : i32
      %dma_start3A_398 = arith.constant 0 : i32
      %dma_start3A_399 = tpu.memref_slice %arg7[%dma_start3A_388, %dma_start3A_397, %dma_start3A_398] : memref<2x64x129xf32, #tpu.memory_space<vmem>> -> memref<1x8x128xf32, #tpu.memory_space<vmem>>
      %dma_start3A_400 = tpu.memref_squeeze %dma_start3A_399 : memref<1x8x128xf32, #tpu.memory_space<vmem>> -> memref<8x128xf32, #tpu.memory_space<vmem>>
      tpu.enqueue_dma source(%dma_start3A_400 : memref<8x128xf32, #tpu.memory_space<vmem>>) target(%dma_start3A_396 : memref<8x128xf32, #tpu.memory_space<hbm>>) target_semaphore(%arg10 : memref<!tpu.dma_semaphore, #tpu.memory_space<semaphore_mem>>)
      %add3A_401 = arith.constant 5120 : i32
      %add3A_402 = arith.addi %add3A_325, %add3A_401 : i32
      %dma_start3A_403 = arith.constant 0 : i32
      %dma_start3A_404 = arith.constant 40 : i32
      %dma_start3A_405 = arith.constant 0 : i32
      %dma_start3A_406 = tpu.memref_slice %arg7[%dma_start3A_403, %dma_start3A_404, %dma_start3A_405] : memref<2x64x129xf32, #tpu.memory_space<vmem>> -> memref<1x8x128xf32, #tpu.memory_space<vmem>>
      %dma_start3A_407 = tpu.memref_squeeze %dma_start3A_406 : memref<1x8x128xf32, #tpu.memory_space<vmem>> -> memref<8x128xf32, #tpu.memory_space<vmem>>
      %dma_start3A_408 = arith.constant 0 : i32
      %dma_start3A_409 = tpu.memref_slice %arg4[%add3A_402, %dma_start3A_408] : memref<409600x128xf32, #tpu.memory_space<hbm>> -> memref<8x128xf32, #tpu.memory_space<hbm>>
      %dma_start3A_410 = arith.constant 0 : i32
      %dma_start3A_411 = tpu.memref_slice %arg4[%add3A_402, %dma_start3A_410] : memref<409600x128xf32, #tpu.memory_space<hbm>> -> memref<8x128xf32, #tpu.memory_space<hbm>>
      %dma_start3A_412 = arith.constant 40 : i32
      %dma_start3A_413 = arith.constant 0 : i32
      %dma_start3A_414 = tpu.memref_slice %arg7[%dma_start3A_403, %dma_start3A_412, %dma_start3A_413] : memref<2x64x129xf32, #tpu.memory_space<vmem>> -> memref<1x8x128xf32, #tpu.memory_space<vmem>>
      %dma_start3A_415 = tpu.memref_squeeze %dma_start3A_414 : memref<1x8x128xf32, #tpu.memory_space<vmem>> -> memref<8x128xf32, #tpu.memory_space<vmem>>
      tpu.enqueue_dma source(%dma_start3A_415 : memref<8x128xf32, #tpu.memory_space<vmem>>) target(%dma_start3A_411 : memref<8x128xf32, #tpu.memory_space<hbm>>) target_semaphore(%arg10 : memref<!tpu.dma_semaphore, #tpu.memory_space<semaphore_mem>>)
      %add3A_416 = arith.constant 6144 : i32
      %add3A_417 = arith.addi %add3A_325, %add3A_416 : i32
      %dma_start3A_418 = arith.constant 0 : i32
      %dma_start3A_419 = arith.constant 48 : i32
      %dma_start3A_420 = arith.constant 0 : i32
      %dma_start3A_421 = tpu.memref_slice %arg7[%dma_start3A_418, %dma_start3A_419, %dma_start3A_420] : memref<2x64x129xf32, #tpu.memory_space<vmem>> -> memref<1x8x128xf32, #tpu.memory_space<vmem>>
      %dma_start3A_422 = tpu.memref_squeeze %dma_start3A_421 : memref<1x8x128xf32, #tpu.memory_space<vmem>> -> memref<8x128xf32, #tpu.memory_space<vmem>>
      %dma_start3A_423 = arith.constant 0 : i32
      %dma_start3A_424 = tpu.memref_slice %arg4[%add3A_417, %dma_start3A_423] : memref<409600x128xf32, #tpu.memory_space<hbm>> -> memref<8x128xf32, #tpu.memory_space<hbm>>
      %dma_start3A_425 = arith.constant 0 : i32
      %dma_start3A_426 = tpu.memref_slice %arg4[%add3A_417, %dma_start3A_425] : memref<409600x128xf32, #tpu.memory_space<hbm>> -> memref<8x128xf32, #tpu.memory_space<hbm>>
      %dma_start3A_427 = arith.constant 48 : i32
      %dma_start3A_428 = arith.constant 0 : i32
      %dma_start3A_429 = tpu.memref_slice %arg7[%dma_start3A_418, %dma_start3A_427, %dma_start3A_428] : memref<2x64x129xf32, #tpu.memory_space<vmem>> -> memref<1x8x128xf32, #tpu.memory_space<vmem>>
      %dma_start3A_430 = tpu.memref_squeeze %dma_start3A_429 : memref<1x8x128xf32, #tpu.memory_space<vmem>> -> memref<8x128xf32, #tpu.memory_space<vmem>>
      tpu.enqueue_dma source(%dma_start3A_430 : memref<8x128xf32, #tpu.memory_space<vmem>>) target(%dma_start3A_426 : memref<8x128xf32, #tpu.memory_space<hbm>>) target_semaphore(%arg10 : memref<!tpu.dma_semaphore, #tpu.memory_space<semaphore_mem>>)
      %add3A_431 = arith.constant 7168 : i32
      %add3A_432 = arith.addi %add3A_325, %add3A_431 : i32
      %dma_start3A_433 = arith.constant 0 : i32
      %dma_start3A_434 = arith.constant 56 : i32
      %dma_start3A_435 = arith.constant 0 : i32
      %dma_start3A_436 = tpu.memref_slice %arg7[%dma_start3A_433, %dma_start3A_434, %dma_start3A_435] : memref<2x64x129xf32, #tpu.memory_space<vmem>> -> memref<1x8x128xf32, #tpu.memory_space<vmem>>
      %dma_start3A_437 = tpu.memref_squeeze %dma_start3A_436 : memref<1x8x128xf32, #tpu.memory_space<vmem>> -> memref<8x128xf32, #tpu.memory_space<vmem>>
      %dma_start3A_438 = arith.constant 0 : i32
      %dma_start3A_439 = tpu.memref_slice %arg4[%add3A_432, %dma_start3A_438] : memref<409600x128xf32, #tpu.memory_space<hbm>> -> memref<8x128xf32, #tpu.memory_space<hbm>>
      %dma_start3A_440 = arith.constant 0 : i32
      %dma_start3A_441 = tpu.memref_slice %arg4[%add3A_432, %dma_start3A_440] : memref<409600x128xf32, #tpu.memory_space<hbm>> -> memref<8x128xf32, #tpu.memory_space<hbm>>
      %dma_start3A_442 = arith.constant 56 : i32
      %dma_start3A_443 = arith.constant 0 : i32
      %dma_start3A_444 = tpu.memref_slice %arg7[%dma_start3A_433, %dma_start3A_442, %dma_start3A_443] : memref<2x64x129xf32, #tpu.memory_space<vmem>> -> memref<1x8x128xf32, #tpu.memory_space<vmem>>
      %dma_start3A_445 = tpu.memref_squeeze %dma_start3A_444 : memref<1x8x128xf32, #tpu.memory_space<vmem>> -> memref<8x128xf32, #tpu.memory_space<vmem>>
      tpu.enqueue_dma source(%dma_start3A_445 : memref<8x128xf32, #tpu.memory_space<vmem>>) target(%dma_start3A_441 : memref<8x128xf32, #tpu.memory_space<hbm>>) target_semaphore(%arg10 : memref<!tpu.dma_semaphore, #tpu.memory_space<semaphore_mem>>)
      %add3A_446 = arith.constant 2 : i32
      %add3A_447 = arith.addi %mul3A_272, %add3A_446 : i32
      %lt3A_448 = arith.constant 200 : i32
      %lt3A_449 = arith.cmpi slt, %add3A_447, %lt3A_448 : i32
      %convert_element_type3A_450 = arith.extui %lt3A_449 : i1 to i32
      %cond3A_451 = arith.constant 0 : i32
      %cond3A_452 = arith.cmpi ne, %convert_element_type3A_450, %cond3A_451 : i32
      scf.if %cond3A_452 {
        %add3A_649 = arith.constant 2 : i32
        %add3A_650 = arith.addi %mul3A_272, %add3A_649 : i32
        %dma_start3A_651 = arith.constant 0 : i32
        %dma_start3A_652 = arith.constant 0 : i32
        %dma_start3A_653 = arith.constant 0 : i32
        %dma_start3A_654 = tpu.memref_slice %arg6[%dma_start3A_651, %dma_start3A_652, %dma_start3A_653] : memref<2x128x64xf32, #tpu.memory_space<vmem>> -> memref<1x128x64xf32, #tpu.memory_space<vmem>>
        %dma_start3A_655 = tpu.memref_squeeze %dma_start3A_654 : memref<1x128x64xf32, #tpu.memory_space<vmem>> -> memref<128x64xf32, #tpu.memory_space<vmem>>
        %dma_start3A_656 = arith.constant 0 : i32
        %dma_start3A_657 = tpu.memref_slice %arg5[%add3A_650, %dma_start3A_656] : memref<200x128xi32, #tpu.memory_space<vmem>> -> memref<1x128xi32, #tpu.memory_space<vmem>>
        %dma_start3A_658 = tpu.memref_squeeze %dma_start3A_657 : memref<1x128xi32, #tpu.memory_space<vmem>> -> memref<128xi32, #tpu.memory_space<vmem>>
        %dma_start3A_659 = arith.constant 0 : i32
        %dma_start3A_660 = arith.constant 0 : i32
        %dma_start3A_661 = tpu.memref_slice %arg2[%dma_start3A_659, %dma_start3A_660] : memref<1000000x64xf32, #tpu.memory_space<hbm>> -> memref<1000000x64xf32, #tpu.memory_space<hbm>>
        tpu.enqueue_indirect_dma source(%dma_start3A_661 : memref<1000000x64xf32, #tpu.memory_space<hbm>>) target(%dma_start3A_655 : memref<128x64xf32, #tpu.memory_space<vmem>>) offsets(%dma_start3A_658 : memref<128xi32, #tpu.memory_space<vmem>>) semaphore(%arg8 : memref<!tpu.dma_semaphore, #tpu.memory_space<semaphore_mem>>)
      } else {
      }
      %add3A_453 = arith.constant 1 : i32
      %add3A_454 = arith.addi %mul3A_272, %add3A_453 : i32
      %dma_wait3A_455 = arith.constant 1 : i32
      %dma_wait3A_456 = arith.constant 0 : i32
      %dma_wait3A_457 = arith.constant 0 : i32
      %dma_wait3A_458 = tpu.memref_slice %arg6[%dma_wait3A_455, %dma_wait3A_456, %dma_wait3A_457] : memref<2x128x64xf32, #tpu.memory_space<vmem>> -> memref<1x128x64xf32, #tpu.memory_space<vmem>>
      %dma_wait3A_459 = tpu.memref_squeeze %dma_wait3A_458 : memref<1x128x64xf32, #tpu.memory_space<vmem>> -> memref<128x64xf32, #tpu.memory_space<vmem>>
      %dma_wait3A_460 = arith.constant 0 : i32
      %dma_wait3A_461 = tpu.memref_slice %arg5[%add3A_454, %dma_wait3A_460] : memref<200x128xi32, #tpu.memory_space<vmem>> -> memref<1x128xi32, #tpu.memory_space<vmem>>
      %dma_wait3A_462 = tpu.memref_squeeze %dma_wait3A_461 : memref<1x128xi32, #tpu.memory_space<vmem>> -> memref<128xi32, #tpu.memory_space<vmem>>
      %dma_wait3A_463 = arith.constant 0 : i32
      %dma_wait3A_464 = arith.constant 0 : i32
      %dma_wait3A_465 = tpu.memref_slice %arg2[%dma_wait3A_463, %dma_wait3A_464] : memref<1000000x64xf32, #tpu.memory_space<hbm>> -> memref<1000000x64xf32, #tpu.memory_space<hbm>>
      tpu.wait_indirect_dma semaphore(%arg9 : memref<!tpu.dma_semaphore, #tpu.memory_space<semaphore_mem>>) src(%dma_wait3A_465 : memref<1000000x64xf32, #tpu.memory_space<hbm>>) dst(%dma_wait3A_459 : memref<128x64xf32, #tpu.memory_space<vmem>>)
      %gt3A_466 = arith.constant 0 : i32
      %gt3A_467 = arith.cmpi sgt, %scan3A_270, %gt3A_466 : i32
      %convert_element_type3A_468 = arith.extui %gt3A_467 : i1 to i32
      %cond3A_469 = arith.constant 0 : i32
      %cond3A_470 = arith.cmpi ne, %convert_element_type3A_468, %cond3A_469 : i32
      scf.if %cond3A_470 {
        %dma_wait3A_649 = arith.constant 1 : i32
        %dma_wait3A_650 = arith.constant 0 : i32
        %dma_wait3A_651 = arith.constant 0 : i32
        %dma_wait3A_652 = tpu.memref_slice %arg7[%dma_wait3A_649, %dma_wait3A_650, %dma_wait3A_651] : memref<2x64x129xf32, #tpu.memory_space<vmem>> -> memref<1x8x128xf32, #tpu.memory_space<vmem>>
        %dma_wait3A_653 = tpu.memref_squeeze %dma_wait3A_652 : memref<1x8x128xf32, #tpu.memory_space<vmem>> -> memref<8x128xf32, #tpu.memory_space<vmem>>
        %dma_wait3A_654 = arith.constant 0 : i32
        %dma_wait3A_655 = arith.constant 0 : i32
        %dma_wait3A_656 = tpu.memref_slice %arg4[%dma_wait3A_654, %dma_wait3A_655] : memref<409600x128xf32, #tpu.memory_space<hbm>> -> memref<8x128xf32, #tpu.memory_space<hbm>>
        %dma_wait3A_657 = arith.constant 0 : i32
        %dma_wait3A_658 = arith.constant 0 : i32
        %dma_wait3A_659 = tpu.memref_slice %arg4[%dma_wait3A_657, %dma_wait3A_658] : memref<409600x128xf32, #tpu.memory_space<hbm>> -> memref<8x128xf32, #tpu.memory_space<hbm>>
        %dma_wait3A_660 = arith.constant 0 : i32
        %dma_wait3A_661 = arith.constant 0 : i32
        %dma_wait3A_662 = tpu.memref_slice %arg7[%dma_wait3A_649, %dma_wait3A_660, %dma_wait3A_661] : memref<2x64x129xf32, #tpu.memory_space<vmem>> -> memref<1x8x128xf32, #tpu.memory_space<vmem>>
        %dma_wait3A_663 = tpu.memref_squeeze %dma_wait3A_662 : memref<1x8x128xf32, #tpu.memory_space<vmem>> -> memref<8x128xf32, #tpu.memory_space<vmem>>
        tpu.wait_dma2 semaphore(%arg11 : memref<!tpu.dma_semaphore, #tpu.memory_space<semaphore_mem>>) src(%dma_wait3A_663 : memref<8x128xf32, #tpu.memory_space<vmem>>) dst(%dma_wait3A_659 : memref<8x128xf32, #tpu.memory_space<hbm>>)
        %dma_wait3A_664 = arith.constant 1 : i32
        %dma_wait3A_665 = arith.constant 8 : i32
        %dma_wait3A_666 = arith.constant 0 : i32
        %dma_wait3A_667 = tpu.memref_slice %arg7[%dma_wait3A_664, %dma_wait3A_665, %dma_wait3A_666] : memref<2x64x129xf32, #tpu.memory_space<vmem>> -> memref<1x8x128xf32, #tpu.memory_space<vmem>>
        %dma_wait3A_668 = tpu.memref_squeeze %dma_wait3A_667 : memref<1x8x128xf32, #tpu.memory_space<vmem>> -> memref<8x128xf32, #tpu.memory_space<vmem>>
        %dma_wait3A_669 = arith.constant 1024 : i32
        %dma_wait3A_670 = arith.constant 0 : i32
        %dma_wait3A_671 = tpu.memref_slice %arg4[%dma_wait3A_669, %dma_wait3A_670] : memref<409600x128xf32, #tpu.memory_space<hbm>> -> memref<8x128xf32, #tpu.memory_space<hbm>>
        %dma_wait3A_672 = arith.constant 1024 : i32
        %dma_wait3A_673 = arith.constant 0 : i32
        %dma_wait3A_674 = tpu.memref_slice %arg4[%dma_wait3A_672, %dma_wait3A_673] : memref<409600x128xf32, #tpu.memory_space<hbm>> -> memref<8x128xf32, #tpu.memory_space<hbm>>
        %dma_wait3A_675 = arith.constant 8 : i32
        %dma_wait3A_676 = arith.constant 0 : i32
        %dma_wait3A_677 = tpu.memref_slice %arg7[%dma_wait3A_664, %dma_wait3A_675, %dma_wait3A_676] : memref<2x64x129xf32, #tpu.memory_space<vmem>> -> memref<1x8x128xf32, #tpu.memory_space<vmem>>
        %dma_wait3A_678 = tpu.memref_squeeze %dma_wait3A_677 : memref<1x8x128xf32, #tpu.memory_space<vmem>> -> memref<8x128xf32, #tpu.memory_space<vmem>>
        tpu.wait_dma2 semaphore(%arg11 : memref<!tpu.dma_semaphore, #tpu.memory_space<semaphore_mem>>) src(%dma_wait3A_678 : memref<8x128xf32, #tpu.memory_space<vmem>>) dst(%dma_wait3A_674 : memref<8x128xf32, #tpu.memory_space<hbm>>)
        %dma_wait3A_679 = arith.constant 1 : i32
        %dma_wait3A_680 = arith.constant 16 : i32
        %dma_wait3A_681 = arith.constant 0 : i32
        %dma_wait3A_682 = tpu.memref_slice %arg7[%dma_wait3A_679, %dma_wait3A_680, %dma_wait3A_681] : memref<2x64x129xf32, #tpu.memory_space<vmem>> -> memref<1x8x128xf32, #tpu.memory_space<vmem>>
        %dma_wait3A_683 = tpu.memref_squeeze %dma_wait3A_682 : memref<1x8x128xf32, #tpu.memory_space<vmem>> -> memref<8x128xf32, #tpu.memory_space<vmem>>
        %dma_wait3A_684 = arith.constant 2048 : i32
        %dma_wait3A_685 = arith.constant 0 : i32
        %dma_wait3A_686 = tpu.memref_slice %arg4[%dma_wait3A_684, %dma_wait3A_685] : memref<409600x128xf32, #tpu.memory_space<hbm>> -> memref<8x128xf32, #tpu.memory_space<hbm>>
        %dma_wait3A_687 = arith.constant 2048 : i32
        %dma_wait3A_688 = arith.constant 0 : i32
        %dma_wait3A_689 = tpu.memref_slice %arg4[%dma_wait3A_687, %dma_wait3A_688] : memref<409600x128xf32, #tpu.memory_space<hbm>> -> memref<8x128xf32, #tpu.memory_space<hbm>>
        %dma_wait3A_690 = arith.constant 16 : i32
        %dma_wait3A_691 = arith.constant 0 : i32
        %dma_wait3A_692 = tpu.memref_slice %arg7[%dma_wait3A_679, %dma_wait3A_690, %dma_wait3A_691] : memref<2x64x129xf32, #tpu.memory_space<vmem>> -> memref<1x8x128xf32, #tpu.memory_space<vmem>>
        %dma_wait3A_693 = tpu.memref_squeeze %dma_wait3A_692 : memref<1x8x128xf32, #tpu.memory_space<vmem>> -> memref<8x128xf32, #tpu.memory_space<vmem>>
        tpu.wait_dma2 semaphore(%arg11 : memref<!tpu.dma_semaphore, #tpu.memory_space<semaphore_mem>>) src(%dma_wait3A_693 : memref<8x128xf32, #tpu.memory_space<vmem>>) dst(%dma_wait3A_689 : memref<8x128xf32, #tpu.memory_space<hbm>>)
        %dma_wait3A_694 = arith.constant 1 : i32
        %dma_wait3A_695 = arith.constant 24 : i32
        %dma_wait3A_696 = arith.constant 0 : i32
        %dma_wait3A_697 = tpu.memref_slice %arg7[%dma_wait3A_694, %dma_wait3A_695, %dma_wait3A_696] : memref<2x64x129xf32, #tpu.memory_space<vmem>> -> memref<1x8x128xf32, #tpu.memory_space<vmem>>
        %dma_wait3A_698 = tpu.memref_squeeze %dma_wait3A_697 : memref<1x8x128xf32, #tpu.memory_space<vmem>> -> memref<8x128xf32, #tpu.memory_space<vmem>>
        %dma_wait3A_699 = arith.constant 3072 : i32
        %dma_wait3A_700 = arith.constant 0 : i32
        %dma_wait3A_701 = tpu.memref_slice %arg4[%dma_wait3A_699, %dma_wait3A_700] : memref<409600x128xf32, #tpu.memory_space<hbm>> -> memref<8x128xf32, #tpu.memory_space<hbm>>
        %dma_wait3A_702 = arith.constant 3072 : i32
        %dma_wait3A_703 = arith.constant 0 : i32
        %dma_wait3A_704 = tpu.memref_slice %arg4[%dma_wait3A_702, %dma_wait3A_703] : memref<409600x128xf32, #tpu.memory_space<hbm>> -> memref<8x128xf32, #tpu.memory_space<hbm>>
        %dma_wait3A_705 = arith.constant 24 : i32
        %dma_wait3A_706 = arith.constant 0 : i32
        %dma_wait3A_707 = tpu.memref_slice %arg7[%dma_wait3A_694, %dma_wait3A_705, %dma_wait3A_706] : memref<2x64x129xf32, #tpu.memory_space<vmem>> -> memref<1x8x128xf32, #tpu.memory_space<vmem>>
        %dma_wait3A_708 = tpu.memref_squeeze %dma_wait3A_707 : memref<1x8x128xf32, #tpu.memory_space<vmem>> -> memref<8x128xf32, #tpu.memory_space<vmem>>
        tpu.wait_dma2 semaphore(%arg11 : memref<!tpu.dma_semaphore, #tpu.memory_space<semaphore_mem>>) src(%dma_wait3A_708 : memref<8x128xf32, #tpu.memory_space<vmem>>) dst(%dma_wait3A_704 : memref<8x128xf32, #tpu.memory_space<hbm>>)
        %dma_wait3A_709 = arith.constant 1 : i32
        %dma_wait3A_710 = arith.constant 32 : i32
        %dma_wait3A_711 = arith.constant 0 : i32
        %dma_wait3A_712 = tpu.memref_slice %arg7[%dma_wait3A_709, %dma_wait3A_710, %dma_wait3A_711] : memref<2x64x129xf32, #tpu.memory_space<vmem>> -> memref<1x8x128xf32, #tpu.memory_space<vmem>>
        %dma_wait3A_713 = tpu.memref_squeeze %dma_wait3A_712 : memref<1x8x128xf32, #tpu.memory_space<vmem>> -> memref<8x128xf32, #tpu.memory_space<vmem>>
        %dma_wait3A_714 = arith.constant 4096 : i32
        %dma_wait3A_715 = arith.constant 0 : i32
        %dma_wait3A_716 = tpu.memref_slice %arg4[%dma_wait3A_714, %dma_wait3A_715] : memref<409600x128xf32, #tpu.memory_space<hbm>> -> memref<8x128xf32, #tpu.memory_space<hbm>>
        %dma_wait3A_717 = arith.constant 4096 : i32
        %dma_wait3A_718 = arith.constant 0 : i32
        %dma_wait3A_719 = tpu.memref_slice %arg4[%dma_wait3A_717, %dma_wait3A_718] : memref<409600x128xf32, #tpu.memory_space<hbm>> -> memref<8x128xf32, #tpu.memory_space<hbm>>
        %dma_wait3A_720 = arith.constant 32 : i32
        %dma_wait3A_721 = arith.constant 0 : i32
        %dma_wait3A_722 = tpu.memref_slice %arg7[%dma_wait3A_709, %dma_wait3A_720, %dma_wait3A_721] : memref<2x64x129xf32, #tpu.memory_space<vmem>> -> memref<1x8x128xf32, #tpu.memory_space<vmem>>
        %dma_wait3A_723 = tpu.memref_squeeze %dma_wait3A_722 : memref<1x8x128xf32, #tpu.memory_space<vmem>> -> memref<8x128xf32, #tpu.memory_space<vmem>>
        tpu.wait_dma2 semaphore(%arg11 : memref<!tpu.dma_semaphore, #tpu.memory_space<semaphore_mem>>) src(%dma_wait3A_723 : memref<8x128xf32, #tpu.memory_space<vmem>>) dst(%dma_wait3A_719 : memref<8x128xf32, #tpu.memory_space<hbm>>)
        %dma_wait3A_724 = arith.constant 1 : i32
        %dma_wait3A_725 = arith.constant 40 : i32
        %dma_wait3A_726 = arith.constant 0 : i32
        %dma_wait3A_727 = tpu.memref_slice %arg7[%dma_wait3A_724, %dma_wait3A_725, %dma_wait3A_726] : memref<2x64x129xf32, #tpu.memory_space<vmem>> -> memref<1x8x128xf32, #tpu.memory_space<vmem>>
        %dma_wait3A_728 = tpu.memref_squeeze %dma_wait3A_727 : memref<1x8x128xf32, #tpu.memory_space<vmem>> -> memref<8x128xf32, #tpu.memory_space<vmem>>
        %dma_wait3A_729 = arith.constant 5120 : i32
        %dma_wait3A_730 = arith.constant 0 : i32
        %dma_wait3A_731 = tpu.memref_slice %arg4[%dma_wait3A_729, %dma_wait3A_730] : memref<409600x128xf32, #tpu.memory_space<hbm>> -> memref<8x128xf32, #tpu.memory_space<hbm>>
        %dma_wait3A_732 = arith.constant 5120 : i32
        %dma_wait3A_733 = arith.constant 0 : i32
        %dma_wait3A_734 = tpu.memref_slice %arg4[%dma_wait3A_732, %dma_wait3A_733] : memref<409600x128xf32, #tpu.memory_space<hbm>> -> memref<8x128xf32, #tpu.memory_space<hbm>>
        %dma_wait3A_735 = arith.constant 40 : i32
        %dma_wait3A_736 = arith.constant 0 : i32
        %dma_wait3A_737 = tpu.memref_slice %arg7[%dma_wait3A_724, %dma_wait3A_735, %dma_wait3A_736] : memref<2x64x129xf32, #tpu.memory_space<vmem>> -> memref<1x8x128xf32, #tpu.memory_space<vmem>>
        %dma_wait3A_738 = tpu.memref_squeeze %dma_wait3A_737 : memref<1x8x128xf32, #tpu.memory_space<vmem>> -> memref<8x128xf32, #tpu.memory_space<vmem>>
        tpu.wait_dma2 semaphore(%arg11 : memref<!tpu.dma_semaphore, #tpu.memory_space<semaphore_mem>>) src(%dma_wait3A_738 : memref<8x128xf32, #tpu.memory_space<vmem>>) dst(%dma_wait3A_734 : memref<8x128xf32, #tpu.memory_space<hbm>>)
        %dma_wait3A_739 = arith.constant 1 : i32
        %dma_wait3A_740 = arith.constant 48 : i32
        %dma_wait3A_741 = arith.constant 0 : i32
        %dma_wait3A_742 = tpu.memref_slice %arg7[%dma_wait3A_739, %dma_wait3A_740, %dma_wait3A_741] : memref<2x64x129xf32, #tpu.memory_space<vmem>> -> memref<1x8x128xf32, #tpu.memory_space<vmem>>
        %dma_wait3A_743 = tpu.memref_squeeze %dma_wait3A_742 : memref<1x8x128xf32, #tpu.memory_space<vmem>> -> memref<8x128xf32, #tpu.memory_space<vmem>>
        %dma_wait3A_744 = arith.constant 6144 : i32
        %dma_wait3A_745 = arith.constant 0 : i32
        %dma_wait3A_746 = tpu.memref_slice %arg4[%dma_wait3A_744, %dma_wait3A_745] : memref<409600x128xf32, #tpu.memory_space<hbm>> -> memref<8x128xf32, #tpu.memory_space<hbm>>
        %dma_wait3A_747 = arith.constant 6144 : i32
        %dma_wait3A_748 = arith.constant 0 : i32
        %dma_wait3A_749 = tpu.memref_slice %arg4[%dma_wait3A_747, %dma_wait3A_748] : memref<409600x128xf32, #tpu.memory_space<hbm>> -> memref<8x128xf32, #tpu.memory_space<hbm>>
        %dma_wait3A_750 = arith.constant 48 : i32
        %dma_wait3A_751 = arith.constant 0 : i32
        %dma_wait3A_752 = tpu.memref_slice %arg7[%dma_wait3A_739, %dma_wait3A_750, %dma_wait3A_751] : memref<2x64x129xf32, #tpu.memory_space<vmem>> -> memref<1x8x128xf32, #tpu.memory_space<vmem>>
        %dma_wait3A_753 = tpu.memref_squeeze %dma_wait3A_752 : memref<1x8x128xf32, #tpu.memory_space<vmem>> -> memref<8x128xf32, #tpu.memory_space<vmem>>
        tpu.wait_dma2 semaphore(%arg11 : memref<!tpu.dma_semaphore, #tpu.memory_space<semaphore_mem>>) src(%dma_wait3A_753 : memref<8x128xf32, #tpu.memory_space<vmem>>) dst(%dma_wait3A_749 : memref<8x128xf32, #tpu.memory_space<hbm>>)
        %dma_wait3A_754 = arith.constant 1 : i32
        %dma_wait3A_755 = arith.constant 56 : i32
        %dma_wait3A_756 = arith.constant 0 : i32
        %dma_wait3A_757 = tpu.memref_slice %arg7[%dma_wait3A_754, %dma_wait3A_755, %dma_wait3A_756] : memref<2x64x129xf32, #tpu.memory_space<vmem>> -> memref<1x8x128xf32, #tpu.memory_space<vmem>>
        %dma_wait3A_758 = tpu.memref_squeeze %dma_wait3A_757 : memref<1x8x128xf32, #tpu.memory_space<vmem>> -> memref<8x128xf32, #tpu.memory_space<vmem>>
        %dma_wait3A_759 = arith.constant 7168 : i32
        %dma_wait3A_760 = arith.constant 0 : i32
        %dma_wait3A_761 = tpu.memref_slice %arg4[%dma_wait3A_759, %dma_wait3A_760] : memref<409600x128xf32, #tpu.memory_space<hbm>> -> memref<8x128xf32, #tpu.memory_space<hbm>>
        %dma_wait3A_762 = arith.constant 7168 : i32
        %dma_wait3A_763 = arith.constant 0 : i32
        %dma_wait3A_764 = tpu.memref_slice %arg4[%dma_wait3A_762, %dma_wait3A_763] : memref<409600x128xf32, #tpu.memory_space<hbm>> -> memref<8x128xf32, #tpu.memory_space<hbm>>
        %dma_wait3A_765 = arith.constant 56 : i32
        %dma_wait3A_766 = arith.constant 0 : i32
        %dma_wait3A_767 = tpu.memref_slice %arg7[%dma_wait3A_754, %dma_wait3A_765, %dma_wait3A_766] : memref<2x64x129xf32, #tpu.memory_space<vmem>> -> memref<1x8x128xf32, #tpu.memory_space<vmem>>
        %dma_wait3A_768 = tpu.memref_squeeze %dma_wait3A_767 : memref<1x8x128xf32, #tpu.memory_space<vmem>> -> memref<8x128xf32, #tpu.memory_space<vmem>>
        tpu.wait_dma2 semaphore(%arg11 : memref<!tpu.dma_semaphore, #tpu.memory_space<semaphore_mem>>) src(%dma_wait3A_768 : memref<8x128xf32, #tpu.memory_space<vmem>>) dst(%dma_wait3A_764 : memref<8x128xf32, #tpu.memory_space<hbm>>)
      } else {
      }
      %parallel_loop3A_471 = arith.constant 0 : i32
      %parallel_loop3A_472 = arith.constant 128 : i32
      %parallel_loop3A_473 = arith.constant 1 : i32
      %parallel_loop3A_474 = arith.constant 1 : i32
      %parallel_loop3A_475 = arith.constant 1 : i32
      scf.for %parallel_loop3A_649 = %parallel_loop3A_471 to %parallel_loop3A_472 step %parallel_loop3A_473  : i32 {
        %parallel_loop3A_650 = arith.constant 0 : i32
        %parallel_loop3A_651 = vector.broadcast %parallel_loop3A_650 : i32 to vector<16xi32>
        %parallel_loop3A_652 = arith.muli %iota3A, %parallel_loop3A_651 : vector<16xi32>
        %parallel_loop3A_653 = vector.broadcast %parallel_loop3A_649 : i32 to vector<16xi32>
        %parallel_loop3A_654 = arith.addi %parallel_loop3A_652, %parallel_loop3A_653 : vector<16xi32>
        %parallel_loop3A_655 = arith.constant 0 : i32
        %parallel_loop3A_656 = arith.constant 0 : i32
        %parallel_loop3A_657 = tpu.memref_slice %arg6[%parallel_loop3A_474, %parallel_loop3A_655, %parallel_loop3A_656] : memref<2x128x64xf32, #tpu.memory_space<vmem>> -> memref<1x128x64xf32, #tpu.memory_space<vmem>>
        %parallel_loop3A_658 = tpu.memref_squeeze %parallel_loop3A_657 : memref<1x128x64xf32, #tpu.memory_space<vmem>> -> memref<128x64xf32, #tpu.memory_space<vmem>>
        %parallel_loop3A_659 = arith.index_cast %parallel_loop3A_649 : i32 to index
        %parallel_loop3A_660 = arith.constant 0 : index
        %parallel_loop3A_661 = tpu.vector_load %parallel_loop3A_658[%parallel_loop3A_659, %parallel_loop3A_660] {strides = array<i32>} : memref<128x64xf32, #tpu.memory_space<vmem>>, vector<16xf32>,
        %parallel_loop3A_662 = arith.constant 0 : i32
        %parallel_loop3A_663 = vector.broadcast %parallel_loop3A_662 : i32 to vector<16xi32>
        %parallel_loop3A_664 = arith.addi %iota3A, %parallel_loop3A_663 : vector<16xi32>
        %parallel_loop3A_665 = arith.constant 0 : i32
        %parallel_loop3A_666 = arith.constant 0 : i32
        %parallel_loop3A_667 = tpu.memref_slice %arg7[%parallel_loop3A_475, %parallel_loop3A_665, %parallel_loop3A_666] : memref<2x64x129xf32, #tpu.memory_space<vmem>> -> memref<1x64x129xf32, #tpu.memory_space<vmem>>
        %parallel_loop3A_668 = tpu.memref_squeeze %parallel_loop3A_667 : memref<1x64x129xf32, #tpu.memory_space<vmem>> -> memref<64x129xf32, #tpu.memory_space<vmem>>
        tpu.vector_store_idx %parallel_loop3A_668[%parallel_loop3A_664, %parallel_loop3A_654], %parallel_loop3A_661 : memref<64x129xf32, #tpu.memory_space<vmem>>[vector<16xi32>, vector<16xi32>], vector<16xf32>,
        %parallel_loop3A_669 = arith.constant 0 : i32
        %parallel_loop3A_670 = arith.constant 0 : i32
        %parallel_loop3A_671 = tpu.memref_slice %arg6[%parallel_loop3A_474, %parallel_loop3A_669, %parallel_loop3A_670] : memref<2x128x64xf32, #tpu.memory_space<vmem>> -> memref<1x128x64xf32, #tpu.memory_space<vmem>>
        %parallel_loop3A_672 = tpu.memref_squeeze %parallel_loop3A_671 : memref<1x128x64xf32, #tpu.memory_space<vmem>> -> memref<128x64xf32, #tpu.memory_space<vmem>>
        %parallel_loop3A_673 = arith.index_cast %parallel_loop3A_649 : i32 to index
        %parallel_loop3A_674 = arith.constant 16 : index
        %parallel_loop3A_675 = tpu.vector_load %parallel_loop3A_672[%parallel_loop3A_673, %parallel_loop3A_674] {strides = array<i32>} : memref<128x64xf32, #tpu.memory_space<vmem>>, vector<16xf32>,
        %parallel_loop3A_676 = arith.constant 16 : i32
        %parallel_loop3A_677 = vector.broadcast %parallel_loop3A_676 : i32 to vector<16xi32>
        %parallel_loop3A_678 = arith.addi %iota3A, %parallel_loop3A_677 : vector<16xi32>
        %parallel_loop3A_679 = arith.constant 0 : i32
        %parallel_loop3A_680 = arith.constant 0 : i32
        %parallel_loop3A_681 = tpu.memref_slice %arg7[%parallel_loop3A_475, %parallel_loop3A_679, %parallel_loop3A_680] : memref<2x64x129xf32, #tpu.memory_space<vmem>> -> memref<1x64x129xf32, #tpu.memory_space<vmem>>
        %parallel_loop3A_682 = tpu.memref_squeeze %parallel_loop3A_681 : memref<1x64x129xf32, #tpu.memory_space<vmem>> -> memref<64x129xf32, #tpu.memory_space<vmem>>
        tpu.vector_store_idx %parallel_loop3A_682[%parallel_loop3A_678, %parallel_loop3A_654], %parallel_loop3A_675 : memref<64x129xf32, #tpu.memory_space<vmem>>[vector<16xi32>, vector<16xi32>], vector<16xf32>,
        %parallel_loop3A_683 = arith.constant 0 : i32
        %parallel_loop3A_684 = arith.constant 0 : i32
        %parallel_loop3A_685 = tpu.memref_slice %arg6[%parallel_loop3A_474, %parallel_loop3A_683, %parallel_loop3A_684] : memref<2x128x64xf32, #tpu.memory_space<vmem>> -> memref<1x128x64xf32, #tpu.memory_space<vmem>>
        %parallel_loop3A_686 = tpu.memref_squeeze %parallel_loop3A_685 : memref<1x128x64xf32, #tpu.memory_space<vmem>> -> memref<128x64xf32, #tpu.memory_space<vmem>>
        %parallel_loop3A_687 = arith.index_cast %parallel_loop3A_649 : i32 to index
        %parallel_loop3A_688 = arith.constant 32 : index
        %parallel_loop3A_689 = tpu.vector_load %parallel_loop3A_686[%parallel_loop3A_687, %parallel_loop3A_688] {strides = array<i32>} : memref<128x64xf32, #tpu.memory_space<vmem>>, vector<16xf32>,
        %parallel_loop3A_690 = arith.constant 32 : i32
        %parallel_loop3A_691 = vector.broadcast %parallel_loop3A_690 : i32 to vector<16xi32>
        %parallel_loop3A_692 = arith.addi %iota3A, %parallel_loop3A_691 : vector<16xi32>
        %parallel_loop3A_693 = arith.constant 0 : i32
        %parallel_loop3A_694 = arith.constant 0 : i32
        %parallel_loop3A_695 = tpu.memref_slice %arg7[%parallel_loop3A_475, %parallel_loop3A_693, %parallel_loop3A_694] : memref<2x64x129xf32, #tpu.memory_space<vmem>> -> memref<1x64x129xf32, #tpu.memory_space<vmem>>
        %parallel_loop3A_696 = tpu.memref_squeeze %parallel_loop3A_695 : memref<1x64x129xf32, #tpu.memory_space<vmem>> -> memref<64x129xf32, #tpu.memory_space<vmem>>
        tpu.vector_store_idx %parallel_loop3A_696[%parallel_loop3A_692, %parallel_loop3A_654], %parallel_loop3A_689 : memref<64x129xf32, #tpu.memory_space<vmem>>[vector<16xi32>, vector<16xi32>], vector<16xf32>,
        %parallel_loop3A_697 = arith.constant 0 : i32
        %parallel_loop3A_698 = arith.constant 0 : i32
        %parallel_loop3A_699 = tpu.memref_slice %arg6[%parallel_loop3A_474, %parallel_loop3A_697, %parallel_loop3A_698] : memref<2x128x64xf32, #tpu.memory_space<vmem>> -> memref<1x128x64xf32, #tpu.memory_space<vmem>>
        %parallel_loop3A_700 = tpu.memref_squeeze %parallel_loop3A_699 : memref<1x128x64xf32, #tpu.memory_space<vmem>> -> memref<128x64xf32, #tpu.memory_space<vmem>>
        %parallel_loop3A_701 = arith.index_cast %parallel_loop3A_649 : i32 to index
        %parallel_loop3A_702 = arith.constant 48 : index
        %parallel_loop3A_703 = tpu.vector_load %parallel_loop3A_700[%parallel_loop3A_701, %parallel_loop3A_702] {strides = array<i32>} : memref<128x64xf32, #tpu.memory_space<vmem>>, vector<16xf32>,
        %parallel_loop3A_704 = arith.constant 48 : i32
        %parallel_loop3A_705 = vector.broadcast %parallel_loop3A_704 : i32 to vector<16xi32>
        %parallel_loop3A_706 = arith.addi %iota3A, %parallel_loop3A_705 : vector<16xi32>
        %parallel_loop3A_707 = arith.constant 0 : i32
        %parallel_loop3A_708 = arith.constant 0 : i32
        %parallel_loop3A_709 = tpu.memref_slice %arg7[%parallel_loop3A_475, %parallel_loop3A_707, %parallel_loop3A_708] : memref<2x64x129xf32, #tpu.memory_space<vmem>> -> memref<1x64x129xf32, #tpu.memory_space<vmem>>
        %parallel_loop3A_710 = tpu.memref_squeeze %parallel_loop3A_709 : memref<1x64x129xf32, #tpu.memory_space<vmem>> -> memref<64x129xf32, #tpu.memory_space<vmem>>
        tpu.vector_store_idx %parallel_loop3A_710[%parallel_loop3A_706, %parallel_loop3A_654], %parallel_loop3A_703 : memref<64x129xf32, #tpu.memory_space<vmem>>[vector<16xi32>, vector<16xi32>], vector<16xf32>,
      } {sc.loop_unroll_factor = 8 : i64, sc.parallel_access}
      %add3A_476 = arith.addi %mul3A_2, %add3A_454 : i32
      %jit3A_477 = arith.constant 128 : i32
      %div3A_478 = arith.divsi %add3A_476, %jit3A_477 : i32
      %sign3A_479 = arith.constant 0 : i32
      %sign3A_480 = arith.cmpi sgt, %add3A_476, %sign3A_479 : i32
      %sign3A_481 = arith.extui %sign3A_480 : i1 to i32
      %sign3A_482 = arith.constant 0 : i32
      %sign3A_483 = arith.cmpi slt, %add3A_476, %sign3A_482 : i32
      %sign3A_484 = arith.extui %sign3A_483 : i1 to i32
      %sign3A_485 = arith.subi %sign3A_481, %sign3A_484 : i32
      %sign3A_486 = arith.constant 0 : i32
      %sign3A_487 = arith.cmpi sgt, %jit3A_477, %sign3A_486 : i32
      %sign3A_488 = arith.extui %sign3A_487 : i1 to i32
      %sign3A_489 = arith.constant 0 : i32
      %sign3A_490 = arith.cmpi slt, %jit3A_477, %sign3A_489 : i32
      %sign3A_491 = arith.extui %sign3A_490 : i1 to i32
      %sign3A_492 = arith.subi %sign3A_488, %sign3A_491 : i32
      %ne3A_493 = arith.cmpi ne, %sign3A_485, %sign3A_492 : i32
      %rem3A_494 = arith.remsi %add3A_476, %jit3A_477 : i32
      %ne3A_495 = arith.constant 0 : i32
      %ne3A_496 = arith.cmpi ne, %rem3A_494, %ne3A_495 : i32
      %and3A_497 = arith.andi %ne3A_493, %ne3A_496 : i1
      %sub3A_498 = arith.constant 1 : i32
      %sub3A_499 = arith.subi %div3A_478, %sub3A_498 : i32
      %select_n3A_500 = arith.select %and3A_497, %sub3A_499, %div3A_478 : i32
      %jit3A_501 = arith.constant 128 : i32
      %eq3A_502 = arith.constant 0 : i32
      %eq3A_503 = arith.cmpi eq, %jit3A_501, %eq3A_502 : i32
      %jit3A_504 = arith.constant 1 : i32
      %select_n3A_505 = arith.select %eq3A_503, %jit3A_504, %jit3A_501 : i32
      %rem3A_506 = arith.remsi %add3A_476, %select_n3A_505 : i32
      %ne3A_507 = arith.constant 0 : i32
      %ne3A_508 = arith.cmpi ne, %rem3A_506, %ne3A_507 : i32
      %lt3A_509 = arith.constant 0 : i32
      %lt3A_510 = arith.cmpi slt, %rem3A_506, %lt3A_509 : i32
      %lt3A_511 = arith.constant 0 : i32
      %lt3A_512 = arith.cmpi slt, %select_n3A_505, %lt3A_511 : i32
      %ne3A_513 = arith.xori %lt3A_510, %lt3A_512 : i1
      %and3A_514 = arith.andi %ne3A_513, %ne3A_508 : i1
      %add3A_515 = arith.addi %rem3A_506, %select_n3A_505 : i32
      %select_n3A_516 = arith.select %and3A_514, %add3A_515, %rem3A_506 : i32
      %mul3A_517 = arith.constant 8192 : i32
      %mul3A_518 = arith.muli %select_n3A_500, %mul3A_517 : i32
      %mul3A_519 = arith.constant 8 : i32
      %mul3A_520 = arith.muli %select_n3A_516, %mul3A_519 : i32
      %add3A_521 = arith.addi %mul3A_518, %mul3A_520 : i32
      %add3A_522 = arith.constant 0 : i32
      %add3A_523 = arith.addi %add3A_521, %add3A_522 : i32
      %dma_start3A_524 = arith.constant 1 : i32
      %dma_start3A_525 = arith.constant 0 : i32
      %dma_start3A_526 = arith.constant 0 : i32
      %dma_start3A_527 = tpu.memref_slice %arg7[%dma_start3A_524, %dma_start3A_525, %dma_start3A_526] : memref<2x64x129xf32, #tpu.memory_space<vmem>> -> memref<1x8x128xf32, #tpu.memory_space<vmem>>
      %dma_start3A_528 = tpu.memref_squeeze %dma_start3A_527 : memref<1x8x128xf32, #tpu.memory_space<vmem>> -> memref<8x128xf32, #tpu.memory_space<vmem>>
      %dma_start3A_529 = arith.constant 0 : i32
      %dma_start3A_530 = tpu.memref_slice %arg4[%add3A_523, %dma_start3A_529] : memref<409600x128xf32, #tpu.memory_space<hbm>> -> memref<8x128xf32, #tpu.memory_space<hbm>>
      %dma_start3A_531 = arith.constant 0 : i32
      %dma_start3A_532 = tpu.memref_slice %arg4[%add3A_523, %dma_start3A_531] : memref<409600x128xf32, #tpu.memory_space<hbm>> -> memref<8x128xf32, #tpu.memory_space<hbm>>
      %dma_start3A_533 = arith.constant 0 : i32
      %dma_start3A_534 = arith.constant 0 : i32
      %dma_start3A_535 = tpu.memref_slice %arg7[%dma_start3A_524, %dma_start3A_533, %dma_start3A_534] : memref<2x64x129xf32, #tpu.memory_space<vmem>> -> memref<1x8x128xf32, #tpu.memory_space<vmem>>
      %dma_start3A_536 = tpu.memref_squeeze %dma_start3A_535 : memref<1x8x128xf32, #tpu.memory_space<vmem>> -> memref<8x128xf32, #tpu.memory_space<vmem>>
      tpu.enqueue_dma source(%dma_start3A_536 : memref<8x128xf32, #tpu.memory_space<vmem>>) target(%dma_start3A_532 : memref<8x128xf32, #tpu.memory_space<hbm>>) target_semaphore(%arg11 : memref<!tpu.dma_semaphore, #tpu.memory_space<semaphore_mem>>)
      %add3A_537 = arith.constant 1024 : i32
      %add3A_538 = arith.addi %add3A_521, %add3A_537 : i32
      %dma_start3A_539 = arith.constant 1 : i32
      %dma_start3A_540 = arith.constant 8 : i32
      %dma_start3A_541 = arith.constant 0 : i32
      %dma_start3A_542 = tpu.memref_slice %arg7[%dma_start3A_539, %dma_start3A_540, %dma_start3A_541] : memref<2x64x129xf32, #tpu.memory_space<vmem>> -> memref<1x8x128xf32, #tpu.memory_space<vmem>>
      %dma_start3A_543 = tpu.memref_squeeze %dma_start3A_542 : memref<1x8x128xf32, #tpu.memory_space<vmem>> -> memref<8x128xf32, #tpu.memory_space<vmem>>
      %dma_start3A_544 = arith.constant 0 : i32
      %dma_start3A_545 = tpu.memref_slice %arg4[%add3A_538, %dma_start3A_544] : memref<409600x128xf32, #tpu.memory_space<hbm>> -> memref<8x128xf32, #tpu.memory_space<hbm>>
      %dma_start3A_546 = arith.constant 0 : i32
      %dma_start3A_547 = tpu.memref_slice %arg4[%add3A_538, %dma_start3A_546] : memref<409600x128xf32, #tpu.memory_space<hbm>> -> memref<8x128xf32, #tpu.memory_space<hbm>>
      %dma_start3A_548 = arith.constant 8 : i32
      %dma_start3A_549 = arith.constant 0 : i32
      %dma_start3A_550 = tpu.memref_slice %arg7[%dma_start3A_539, %dma_start3A_548, %dma_start3A_549] : memref<2x64x129xf32, #tpu.memory_space<vmem>> -> memref<1x8x128xf32, #tpu.memory_space<vmem>>
      %dma_start3A_551 = tpu.memref_squeeze %dma_start3A_550 : memref<1x8x128xf32, #tpu.memory_space<vmem>> -> memref<8x128xf32, #tpu.memory_space<vmem>>
      tpu.enqueue_dma source(%dma_start3A_551 : memref<8x128xf32, #tpu.memory_space<vmem>>) target(%dma_start3A_547 : memref<8x128xf32, #tpu.memory_space<hbm>>) target_semaphore(%arg11 : memref<!tpu.dma_semaphore, #tpu.memory_space<semaphore_mem>>)
      %add3A_552 = arith.constant 2048 : i32
      %add3A_553 = arith.addi %add3A_521, %add3A_552 : i32
      %dma_start3A_554 = arith.constant 1 : i32
      %dma_start3A_555 = arith.constant 16 : i32
      %dma_start3A_556 = arith.constant 0 : i32
      %dma_start3A_557 = tpu.memref_slice %arg7[%dma_start3A_554, %dma_start3A_555, %dma_start3A_556] : memref<2x64x129xf32, #tpu.memory_space<vmem>> -> memref<1x8x128xf32, #tpu.memory_space<vmem>>
      %dma_start3A_558 = tpu.memref_squeeze %dma_start3A_557 : memref<1x8x128xf32, #tpu.memory_space<vmem>> -> memref<8x128xf32, #tpu.memory_space<vmem>>
      %dma_start3A_559 = arith.constant 0 : i32
      %dma_start3A_560 = tpu.memref_slice %arg4[%add3A_553, %dma_start3A_559] : memref<409600x128xf32, #tpu.memory_space<hbm>> -> memref<8x128xf32, #tpu.memory_space<hbm>>
      %dma_start3A_561 = arith.constant 0 : i32
      %dma_start3A_562 = tpu.memref_slice %arg4[%add3A_553, %dma_start3A_561] : memref<409600x128xf32, #tpu.memory_space<hbm>> -> memref<8x128xf32, #tpu.memory_space<hbm>>
      %dma_start3A_563 = arith.constant 16 : i32
      %dma_start3A_564 = arith.constant 0 : i32
      %dma_start3A_565 = tpu.memref_slice %arg7[%dma_start3A_554, %dma_start3A_563, %dma_start3A_564] : memref<2x64x129xf32, #tpu.memory_space<vmem>> -> memref<1x8x128xf32, #tpu.memory_space<vmem>>
      %dma_start3A_566 = tpu.memref_squeeze %dma_start3A_565 : memref<1x8x128xf32, #tpu.memory_space<vmem>> -> memref<8x128xf32, #tpu.memory_space<vmem>>
      tpu.enqueue_dma source(%dma_start3A_566 : memref<8x128xf32, #tpu.memory_space<vmem>>) target(%dma_start3A_562 : memref<8x128xf32, #tpu.memory_space<hbm>>) target_semaphore(%arg11 : memref<!tpu.dma_semaphore, #tpu.memory_space<semaphore_mem>>)
      %add3A_567 = arith.constant 3072 : i32
      %add3A_568 = arith.addi %add3A_521, %add3A_567 : i32
      %dma_start3A_569 = arith.constant 1 : i32
      %dma_start3A_570 = arith.constant 24 : i32
      %dma_start3A_571 = arith.constant 0 : i32
      %dma_start3A_572 = tpu.memref_slice %arg7[%dma_start3A_569, %dma_start3A_570, %dma_start3A_571] : memref<2x64x129xf32, #tpu.memory_space<vmem>> -> memref<1x8x128xf32, #tpu.memory_space<vmem>>
      %dma_start3A_573 = tpu.memref_squeeze %dma_start3A_572 : memref<1x8x128xf32, #tpu.memory_space<vmem>> -> memref<8x128xf32, #tpu.memory_space<vmem>>
      %dma_start3A_574 = arith.constant 0 : i32
      %dma_start3A_575 = tpu.memref_slice %arg4[%add3A_568, %dma_start3A_574] : memref<409600x128xf32, #tpu.memory_space<hbm>> -> memref<8x128xf32, #tpu.memory_space<hbm>>
      %dma_start3A_576 = arith.constant 0 : i32
      %dma_start3A_577 = tpu.memref_slice %arg4[%add3A_568, %dma_start3A_576] : memref<409600x128xf32, #tpu.memory_space<hbm>> -> memref<8x128xf32, #tpu.memory_space<hbm>>
      %dma_start3A_578 = arith.constant 24 : i32
      %dma_start3A_579 = arith.constant 0 : i32
      %dma_start3A_580 = tpu.memref_slice %arg7[%dma_start3A_569, %dma_start3A_578, %dma_start3A_579] : memref<2x64x129xf32, #tpu.memory_space<vmem>> -> memref<1x8x128xf32, #tpu.memory_space<vmem>>
      %dma_start3A_581 = tpu.memref_squeeze %dma_start3A_580 : memref<1x8x128xf32, #tpu.memory_space<vmem>> -> memref<8x128xf32, #tpu.memory_space<vmem>>
      tpu.enqueue_dma source(%dma_start3A_581 : memref<8x128xf32, #tpu.memory_space<vmem>>) target(%dma_start3A_577 : memref<8x128xf32, #tpu.memory_space<hbm>>) target_semaphore(%arg11 : memref<!tpu.dma_semaphore, #tpu.memory_space<semaphore_mem>>)
      %add3A_582 = arith.constant 4096 : i32
      %add3A_583 = arith.addi %add3A_521, %add3A_582 : i32
      %dma_start3A_584 = arith.constant 1 : i32
      %dma_start3A_585 = arith.constant 32 : i32
      %dma_start3A_586 = arith.constant 0 : i32
      %dma_start3A_587 = tpu.memref_slice %arg7[%dma_start3A_584, %dma_start3A_585, %dma_start3A_586] : memref<2x64x129xf32, #tpu.memory_space<vmem>> -> memref<1x8x128xf32, #tpu.memory_space<vmem>>
      %dma_start3A_588 = tpu.memref_squeeze %dma_start3A_587 : memref<1x8x128xf32, #tpu.memory_space<vmem>> -> memref<8x128xf32, #tpu.memory_space<vmem>>
      %dma_start3A_589 = arith.constant 0 : i32
      %dma_start3A_590 = tpu.memref_slice %arg4[%add3A_583, %dma_start3A_589] : memref<409600x128xf32, #tpu.memory_space<hbm>> -> memref<8x128xf32, #tpu.memory_space<hbm>>
      %dma_start3A_591 = arith.constant 0 : i32
      %dma_start3A_592 = tpu.memref_slice %arg4[%add3A_583, %dma_start3A_591] : memref<409600x128xf32, #tpu.memory_space<hbm>> -> memref<8x128xf32, #tpu.memory_space<hbm>>
      %dma_start3A_593 = arith.constant 32 : i32
      %dma_start3A_594 = arith.constant 0 : i32
      %dma_start3A_595 = tpu.memref_slice %arg7[%dma_start3A_584, %dma_start3A_593, %dma_start3A_594] : memref<2x64x129xf32, #tpu.memory_space<vmem>> -> memref<1x8x128xf32, #tpu.memory_space<vmem>>
      %dma_start3A_596 = tpu.memref_squeeze %dma_start3A_595 : memref<1x8x128xf32, #tpu.memory_space<vmem>> -> memref<8x128xf32, #tpu.memory_space<vmem>>
      tpu.enqueue_dma source(%dma_start3A_596 : memref<8x128xf32, #tpu.memory_space<vmem>>) target(%dma_start3A_592 : memref<8x128xf32, #tpu.memory_space<hbm>>) target_semaphore(%arg11 : memref<!tpu.dma_semaphore, #tpu.memory_space<semaphore_mem>>)
      %add3A_597 = arith.constant 5120 : i32
      %add3A_598 = arith.addi %add3A_521, %add3A_597 : i32
      %dma_start3A_599 = arith.constant 1 : i32
      %dma_start3A_600 = arith.constant 40 : i32
      %dma_start3A_601 = arith.constant 0 : i32
      %dma_start3A_602 = tpu.memref_slice %arg7[%dma_start3A_599, %dma_start3A_600, %dma_start3A_601] : memref<2x64x129xf32, #tpu.memory_space<vmem>> -> memref<1x8x128xf32, #tpu.memory_space<vmem>>
      %dma_start3A_603 = tpu.memref_squeeze %dma_start3A_602 : memref<1x8x128xf32, #tpu.memory_space<vmem>> -> memref<8x128xf32, #tpu.memory_space<vmem>>
      %dma_start3A_604 = arith.constant 0 : i32
      %dma_start3A_605 = tpu.memref_slice %arg4[%add3A_598, %dma_start3A_604] : memref<409600x128xf32, #tpu.memory_space<hbm>> -> memref<8x128xf32, #tpu.memory_space<hbm>>
      %dma_start3A_606 = arith.constant 0 : i32
      %dma_start3A_607 = tpu.memref_slice %arg4[%add3A_598, %dma_start3A_606] : memref<409600x128xf32, #tpu.memory_space<hbm>> -> memref<8x128xf32, #tpu.memory_space<hbm>>
      %dma_start3A_608 = arith.constant 40 : i32
      %dma_start3A_609 = arith.constant 0 : i32
      %dma_start3A_610 = tpu.memref_slice %arg7[%dma_start3A_599, %dma_start3A_608, %dma_start3A_609] : memref<2x64x129xf32, #tpu.memory_space<vmem>> -> memref<1x8x128xf32, #tpu.memory_space<vmem>>
      %dma_start3A_611 = tpu.memref_squeeze %dma_start3A_610 : memref<1x8x128xf32, #tpu.memory_space<vmem>> -> memref<8x128xf32, #tpu.memory_space<vmem>>
      tpu.enqueue_dma source(%dma_start3A_611 : memref<8x128xf32, #tpu.memory_space<vmem>>) target(%dma_start3A_607 : memref<8x128xf32, #tpu.memory_space<hbm>>) target_semaphore(%arg11 : memref<!tpu.dma_semaphore, #tpu.memory_space<semaphore_mem>>)
      %add3A_612 = arith.constant 6144 : i32
      %add3A_613 = arith.addi %add3A_521, %add3A_612 : i32
      %dma_start3A_614 = arith.constant 1 : i32
      %dma_start3A_615 = arith.constant 48 : i32
      %dma_start3A_616 = arith.constant 0 : i32
      %dma_start3A_617 = tpu.memref_slice %arg7[%dma_start3A_614, %dma_start3A_615, %dma_start3A_616] : memref<2x64x129xf32, #tpu.memory_space<vmem>> -> memref<1x8x128xf32, #tpu.memory_space<vmem>>
      %dma_start3A_618 = tpu.memref_squeeze %dma_start3A_617 : memref<1x8x128xf32, #tpu.memory_space<vmem>> -> memref<8x128xf32, #tpu.memory_space<vmem>>
      %dma_start3A_619 = arith.constant 0 : i32
      %dma_start3A_620 = tpu.memref_slice %arg4[%add3A_613, %dma_start3A_619] : memref<409600x128xf32, #tpu.memory_space<hbm>> -> memref<8x128xf32, #tpu.memory_space<hbm>>
      %dma_start3A_621 = arith.constant 0 : i32
      %dma_start3A_622 = tpu.memref_slice %arg4[%add3A_613, %dma_start3A_621] : memref<409600x128xf32, #tpu.memory_space<hbm>> -> memref<8x128xf32, #tpu.memory_space<hbm>>
      %dma_start3A_623 = arith.constant 48 : i32
      %dma_start3A_624 = arith.constant 0 : i32
      %dma_start3A_625 = tpu.memref_slice %arg7[%dma_start3A_614, %dma_start3A_623, %dma_start3A_624] : memref<2x64x129xf32, #tpu.memory_space<vmem>> -> memref<1x8x128xf32, #tpu.memory_space<vmem>>
      %dma_start3A_626 = tpu.memref_squeeze %dma_start3A_625 : memref<1x8x128xf32, #tpu.memory_space<vmem>> -> memref<8x128xf32, #tpu.memory_space<vmem>>
      tpu.enqueue_dma source(%dma_start3A_626 : memref<8x128xf32, #tpu.memory_space<vmem>>) target(%dma_start3A_622 : memref<8x128xf32, #tpu.memory_space<hbm>>) target_semaphore(%arg11 : memref<!tpu.dma_semaphore, #tpu.memory_space<semaphore_mem>>)
      %add3A_627 = arith.constant 7168 : i32
      %add3A_628 = arith.addi %add3A_521, %add3A_627 : i32
      %dma_start3A_629 = arith.constant 1 : i32
      %dma_start3A_630 = arith.constant 56 : i32
      %dma_start3A_631 = arith.constant 0 : i32
      %dma_start3A_632 = tpu.memref_slice %arg7[%dma_start3A_629, %dma_start3A_630, %dma_start3A_631] : memref<2x64x129xf32, #tpu.memory_space<vmem>> -> memref<1x8x128xf32, #tpu.memory_space<vmem>>
      %dma_start3A_633 = tpu.memref_squeeze %dma_start3A_632 : memref<1x8x128xf32, #tpu.memory_space<vmem>> -> memref<8x128xf32, #tpu.memory_space<vmem>>
      %dma_start3A_634 = arith.constant 0 : i32
      %dma_start3A_635 = tpu.memref_slice %arg4[%add3A_628, %dma_start3A_634] : memref<409600x128xf32, #tpu.memory_space<hbm>> -> memref<8x128xf32, #tpu.memory_space<hbm>>
      %dma_start3A_636 = arith.constant 0 : i32
      %dma_start3A_637 = tpu.memref_slice %arg4[%add3A_628, %dma_start3A_636] : memref<409600x128xf32, #tpu.memory_space<hbm>> -> memref<8x128xf32, #tpu.memory_space<hbm>>
      %dma_start3A_638 = arith.constant 56 : i32
      %dma_start3A_639 = arith.constant 0 : i32
      %dma_start3A_640 = tpu.memref_slice %arg7[%dma_start3A_629, %dma_start3A_638, %dma_start3A_639] : memref<2x64x129xf32, #tpu.memory_space<vmem>> -> memref<1x8x128xf32, #tpu.memory_space<vmem>>
      %dma_start3A_641 = tpu.memref_squeeze %dma_start3A_640 : memref<1x8x128xf32, #tpu.memory_space<vmem>> -> memref<8x128xf32, #tpu.memory_space<vmem>>
      tpu.enqueue_dma source(%dma_start3A_641 : memref<8x128xf32, #tpu.memory_space<vmem>>) target(%dma_start3A_637 : memref<8x128xf32, #tpu.memory_space<hbm>>) target_semaphore(%arg11 : memref<!tpu.dma_semaphore, #tpu.memory_space<semaphore_mem>>)
      %add3A_642 = arith.constant 2 : i32
      %add3A_643 = arith.addi %add3A_454, %add3A_642 : i32
      %lt3A_644 = arith.constant 200 : i32
      %lt3A_645 = arith.cmpi slt, %add3A_643, %lt3A_644 : i32
      %convert_element_type3A_646 = arith.extui %lt3A_645 : i1 to i32
      %cond3A_647 = arith.constant 0 : i32
      %cond3A_648 = arith.cmpi ne, %convert_element_type3A_646, %cond3A_647 : i32
      scf.if %cond3A_648 {
        %add3A_649 = arith.constant 2 : i32
        %add3A_650 = arith.addi %add3A_454, %add3A_649 : i32
        %dma_start3A_651 = arith.constant 1 : i32
        %dma_start3A_652 = arith.constant 0 : i32
        %dma_start3A_653 = arith.constant 0 : i32
        %dma_start3A_654 = tpu.memref_slice %arg6[%dma_start3A_651, %dma_start3A_652, %dma_start3A_653] : memref<2x128x64xf32, #tpu.memory_space<vmem>> -> memref<1x128x64xf32, #tpu.memory_space<vmem>>
        %dma_start3A_655 = tpu.memref_squeeze %dma_start3A_654 : memref<1x128x64xf32, #tpu.memory_space<vmem>> -> memref<128x64xf32, #tpu.memory_space<vmem>>
        %dma_start3A_656 = arith.constant 0 : i32
        %dma_start3A_657 = tpu.memref_slice %arg5[%add3A_650, %dma_start3A_656] : memref<200x128xi32, #tpu.memory_space<vmem>> -> memref<1x128xi32, #tpu.memory_space<vmem>>
        %dma_start3A_658 = tpu.memref_squeeze %dma_start3A_657 : memref<1x128xi32, #tpu.memory_space<vmem>> -> memref<128xi32, #tpu.memory_space<vmem>>
        %dma_start3A_659 = arith.constant 0 : i32
        %dma_start3A_660 = arith.constant 0 : i32
        %dma_start3A_661 = tpu.memref_slice %arg2[%dma_start3A_659, %dma_start3A_660] : memref<1000000x64xf32, #tpu.memory_space<hbm>> -> memref<1000000x64xf32, #tpu.memory_space<hbm>>
        tpu.enqueue_indirect_dma source(%dma_start3A_661 : memref<1000000x64xf32, #tpu.memory_space<hbm>>) target(%dma_start3A_655 : memref<128x64xf32, #tpu.memory_space<vmem>>) offsets(%dma_start3A_658 : memref<128xi32, #tpu.memory_space<vmem>>) semaphore(%arg9 : memref<!tpu.dma_semaphore, #tpu.memory_space<semaphore_mem>>)
      } else {
      }
    }
    %scan3A_30 = arith.constant 100 : i32
    %dma_wait3A = arith.constant 0 : i32
    %dma_wait3A_31 = arith.constant 0 : i32
    %dma_wait3A_32 = arith.constant 0 : i32
    %dma_wait3A_33 = tpu.memref_slice %arg7[%dma_wait3A, %dma_wait3A_31, %dma_wait3A_32] : memref<2x64x129xf32, #tpu.memory_space<vmem>> -> memref<1x8x128xf32, #tpu.memory_space<vmem>>
    %dma_wait3A_34 = tpu.memref_squeeze %dma_wait3A_33 : memref<1x8x128xf32, #tpu.memory_space<vmem>> -> memref<8x128xf32, #tpu.memory_space<vmem>>
    %dma_wait3A_35 = arith.constant 0 : i32
    %dma_wait3A_36 = arith.constant 0 : i32
    %dma_wait3A_37 = tpu.memref_slice %arg4[%dma_wait3A_35, %dma_wait3A_36] : memref<409600x128xf32, #tpu.memory_space<hbm>> -> memref<8x128xf32, #tpu.memory_space<hbm>>
    %dma_wait3A_38 = arith.constant 0 : i32
    %dma_wait3A_39 = arith.constant 0 : i32
    %dma_wait3A_40 = tpu.memref_slice %arg4[%dma_wait3A_38, %dma_wait3A_39] : memref<409600x128xf32, #tpu.memory_space<hbm>> -> memref<8x128xf32, #tpu.memory_space<hbm>>
    %dma_wait3A_41 = arith.constant 0 : i32
    %dma_wait3A_42 = arith.constant 0 : i32
    %dma_wait3A_43 = tpu.memref_slice %arg7[%dma_wait3A, %dma_wait3A_41, %dma_wait3A_42] : memref<2x64x129xf32, #tpu.memory_space<vmem>> -> memref<1x8x128xf32, #tpu.memory_space<vmem>>
    %dma_wait3A_44 = tpu.memref_squeeze %dma_wait3A_43 : memref<1x8x128xf32, #tpu.memory_space<vmem>> -> memref<8x128xf32, #tpu.memory_space<vmem>>
    tpu.wait_dma2 semaphore(%arg10 : memref<!tpu.dma_semaphore, #tpu.memory_space<semaphore_mem>>) src(%dma_wait3A_44 : memref<8x128xf32, #tpu.memory_space<vmem>>) dst(%dma_wait3A_40 : memref<8x128xf32, #tpu.memory_space<hbm>>)
    %dma_wait3A_45 = arith.constant 0 : i32
    %dma_wait3A_46 = arith.constant 8 : i32
    %dma_wait3A_47 = arith.constant 0 : i32
    %dma_wait3A_48 = tpu.memref_slice %arg7[%dma_wait3A_45, %dma_wait3A_46, %dma_wait3A_47] : memref<2x64x129xf32, #tpu.memory_space<vmem>> -> memref<1x8x128xf32, #tpu.memory_space<vmem>>
    %dma_wait3A_49 = tpu.memref_squeeze %dma_wait3A_48 : memref<1x8x128xf32, #tpu.memory_space<vmem>> -> memref<8x128xf32, #tpu.memory_space<vmem>>
    %dma_wait3A_50 = arith.constant 1024 : i32
    %dma_wait3A_51 = arith.constant 0 : i32
    %dma_wait3A_52 = tpu.memref_slice %arg4[%dma_wait3A_50, %dma_wait3A_51] : memref<409600x128xf32, #tpu.memory_space<hbm>> -> memref<8x128xf32, #tpu.memory_space<hbm>>
    %dma_wait3A_53 = arith.constant 1024 : i32
    %dma_wait3A_54 = arith.constant 0 : i32
    %dma_wait3A_55 = tpu.memref_slice %arg4[%dma_wait3A_53, %dma_wait3A_54] : memref<409600x128xf32, #tpu.memory_space<hbm>> -> memref<8x128xf32, #tpu.memory_space<hbm>>
    %dma_wait3A_56 = arith.constant 8 : i32
    %dma_wait3A_57 = arith.constant 0 : i32
    %dma_wait3A_58 = tpu.memref_slice %arg7[%dma_wait3A_45, %dma_wait3A_56, %dma_wait3A_57] : memref<2x64x129xf32, #tpu.memory_space<vmem>> -> memref<1x8x128xf32, #tpu.memory_space<vmem>>
    %dma_wait3A_59 = tpu.memref_squeeze %dma_wait3A_58 : memref<1x8x128xf32, #tpu.memory_space<vmem>> -> memref<8x128xf32, #tpu.memory_space<vmem>>
    tpu.wait_dma2 semaphore(%arg10 : memref<!tpu.dma_semaphore, #tpu.memory_space<semaphore_mem>>) src(%dma_wait3A_59 : memref<8x128xf32, #tpu.memory_space<vmem>>) dst(%dma_wait3A_55 : memref<8x128xf32, #tpu.memory_space<hbm>>)
    %dma_wait3A_60 = arith.constant 0 : i32
    %dma_wait3A_61 = arith.constant 16 : i32
    %dma_wait3A_62 = arith.constant 0 : i32
    %dma_wait3A_63 = tpu.memref_slice %arg7[%dma_wait3A_60, %dma_wait3A_61, %dma_wait3A_62] : memref<2x64x129xf32, #tpu.memory_space<vmem>> -> memref<1x8x128xf32, #tpu.memory_space<vmem>>
    %dma_wait3A_64 = tpu.memref_squeeze %dma_wait3A_63 : memref<1x8x128xf32, #tpu.memory_space<vmem>> -> memref<8x128xf32, #tpu.memory_space<vmem>>
    %dma_wait3A_65 = arith.constant 2048 : i32
    %dma_wait3A_66 = arith.constant 0 : i32
    %dma_wait3A_67 = tpu.memref_slice %arg4[%dma_wait3A_65, %dma_wait3A_66] : memref<409600x128xf32, #tpu.memory_space<hbm>> -> memref<8x128xf32, #tpu.memory_space<hbm>>
    %dma_wait3A_68 = arith.constant 2048 : i32
    %dma_wait3A_69 = arith.constant 0 : i32
    %dma_wait3A_70 = tpu.memref_slice %arg4[%dma_wait3A_68, %dma_wait3A_69] : memref<409600x128xf32, #tpu.memory_space<hbm>> -> memref<8x128xf32, #tpu.memory_space<hbm>>
    %dma_wait3A_71 = arith.constant 16 : i32
    %dma_wait3A_72 = arith.constant 0 : i32
    %dma_wait3A_73 = tpu.memref_slice %arg7[%dma_wait3A_60, %dma_wait3A_71, %dma_wait3A_72] : memref<2x64x129xf32, #tpu.memory_space<vmem>> -> memref<1x8x128xf32, #tpu.memory_space<vmem>>
    %dma_wait3A_74 = tpu.memref_squeeze %dma_wait3A_73 : memref<1x8x128xf32, #tpu.memory_space<vmem>> -> memref<8x128xf32, #tpu.memory_space<vmem>>
    tpu.wait_dma2 semaphore(%arg10 : memref<!tpu.dma_semaphore, #tpu.memory_space<semaphore_mem>>) src(%dma_wait3A_74 : memref<8x128xf32, #tpu.memory_space<vmem>>) dst(%dma_wait3A_70 : memref<8x128xf32, #tpu.memory_space<hbm>>)
    %dma_wait3A_75 = arith.constant 0 : i32
    %dma_wait3A_76 = arith.constant 24 : i32
    %dma_wait3A_77 = arith.constant 0 : i32
    %dma_wait3A_78 = tpu.memref_slice %arg7[%dma_wait3A_75, %dma_wait3A_76, %dma_wait3A_77] : memref<2x64x129xf32, #tpu.memory_space<vmem>> -> memref<1x8x128xf32, #tpu.memory_space<vmem>>
    %dma_wait3A_79 = tpu.memref_squeeze %dma_wait3A_78 : memref<1x8x128xf32, #tpu.memory_space<vmem>> -> memref<8x128xf32, #tpu.memory_space<vmem>>
    %dma_wait3A_80 = arith.constant 3072 : i32
    %dma_wait3A_81 = arith.constant 0 : i32
    %dma_wait3A_82 = tpu.memref_slice %arg4[%dma_wait3A_80, %dma_wait3A_81] : memref<409600x128xf32, #tpu.memory_space<hbm>> -> memref<8x128xf32, #tpu.memory_space<hbm>>
    %dma_wait3A_83 = arith.constant 3072 : i32
    %dma_wait3A_84 = arith.constant 0 : i32
    %dma_wait3A_85 = tpu.memref_slice %arg4[%dma_wait3A_83, %dma_wait3A_84] : memref<409600x128xf32, #tpu.memory_space<hbm>> -> memref<8x128xf32, #tpu.memory_space<hbm>>
    %dma_wait3A_86 = arith.constant 24 : i32
    %dma_wait3A_87 = arith.constant 0 : i32
    %dma_wait3A_88 = tpu.memref_slice %arg7[%dma_wait3A_75, %dma_wait3A_86, %dma_wait3A_87] : memref<2x64x129xf32, #tpu.memory_space<vmem>> -> memref<1x8x128xf32, #tpu.memory_space<vmem>>
    %dma_wait3A_89 = tpu.memref_squeeze %dma_wait3A_88 : memref<1x8x128xf32, #tpu.memory_space<vmem>> -> memref<8x128xf32, #tpu.memory_space<vmem>>
    tpu.wait_dma2 semaphore(%arg10 : memref<!tpu.dma_semaphore, #tpu.memory_space<semaphore_mem>>) src(%dma_wait3A_89 : memref<8x128xf32, #tpu.memory_space<vmem>>) dst(%dma_wait3A_85 : memref<8x128xf32, #tpu.memory_space<hbm>>)
    %dma_wait3A_90 = arith.constant 0 : i32
    %dma_wait3A_91 = arith.constant 32 : i32
    %dma_wait3A_92 = arith.constant 0 : i32
    %dma_wait3A_93 = tpu.memref_slice %arg7[%dma_wait3A_90, %dma_wait3A_91, %dma_wait3A_92] : memref<2x64x129xf32, #tpu.memory_space<vmem>> -> memref<1x8x128xf32, #tpu.memory_space<vmem>>
    %dma_wait3A_94 = tpu.memref_squeeze %dma_wait3A_93 : memref<1x8x128xf32, #tpu.memory_space<vmem>> -> memref<8x128xf32, #tpu.memory_space<vmem>>
    %dma_wait3A_95 = arith.constant 4096 : i32
    %dma_wait3A_96 = arith.constant 0 : i32
    %dma_wait3A_97 = tpu.memref_slice %arg4[%dma_wait3A_95, %dma_wait3A_96] : memref<409600x128xf32, #tpu.memory_space<hbm>> -> memref<8x128xf32, #tpu.memory_space<hbm>>
    %dma_wait3A_98 = arith.constant 4096 : i32
    %dma_wait3A_99 = arith.constant 0 : i32
    %dma_wait3A_100 = tpu.memref_slice %arg4[%dma_wait3A_98, %dma_wait3A_99] : memref<409600x128xf32, #tpu.memory_space<hbm>> -> memref<8x128xf32, #tpu.memory_space<hbm>>
    %dma_wait3A_101 = arith.constant 32 : i32
    %dma_wait3A_102 = arith.constant 0 : i32
    %dma_wait3A_103 = tpu.memref_slice %arg7[%dma_wait3A_90, %dma_wait3A_101, %dma_wait3A_102] : memref<2x64x129xf32, #tpu.memory_space<vmem>> -> memref<1x8x128xf32, #tpu.memory_space<vmem>>
    %dma_wait3A_104 = tpu.memref_squeeze %dma_wait3A_103 : memref<1x8x128xf32, #tpu.memory_space<vmem>> -> memref<8x128xf32, #tpu.memory_space<vmem>>
    tpu.wait_dma2 semaphore(%arg10 : memref<!tpu.dma_semaphore, #tpu.memory_space<semaphore_mem>>) src(%dma_wait3A_104 : memref<8x128xf32, #tpu.memory_space<vmem>>) dst(%dma_wait3A_100 : memref<8x128xf32, #tpu.memory_space<hbm>>)
    %dma_wait3A_105 = arith.constant 0 : i32
    %dma_wait3A_106 = arith.constant 40 : i32
    %dma_wait3A_107 = arith.constant 0 : i32
    %dma_wait3A_108 = tpu.memref_slice %arg7[%dma_wait3A_105, %dma_wait3A_106, %dma_wait3A_107] : memref<2x64x129xf32, #tpu.memory_space<vmem>> -> memref<1x8x128xf32, #tpu.memory_space<vmem>>
    %dma_wait3A_109 = tpu.memref_squeeze %dma_wait3A_108 : memref<1x8x128xf32, #tpu.memory_space<vmem>> -> memref<8x128xf32, #tpu.memory_space<vmem>>
    %dma_wait3A_110 = arith.constant 5120 : i32
    %dma_wait3A_111 = arith.constant 0 : i32
    %dma_wait3A_112 = tpu.memref_slice %arg4[%dma_wait3A_110, %dma_wait3A_111] : memref<409600x128xf32, #tpu.memory_space<hbm>> -> memref<8x128xf32, #tpu.memory_space<hbm>>
    %dma_wait3A_113 = arith.constant 5120 : i32
    %dma_wait3A_114 = arith.constant 0 : i32
    %dma_wait3A_115 = tpu.memref_slice %arg4[%dma_wait3A_113, %dma_wait3A_114] : memref<409600x128xf32, #tpu.memory_space<hbm>> -> memref<8x128xf32, #tpu.memory_space<hbm>>
    %dma_wait3A_116 = arith.constant 40 : i32
    %dma_wait3A_117 = arith.constant 0 : i32
    %dma_wait3A_118 = tpu.memref_slice %arg7[%dma_wait3A_105, %dma_wait3A_116, %dma_wait3A_117] : memref<2x64x129xf32, #tpu.memory_space<vmem>> -> memref<1x8x128xf32, #tpu.memory_space<vmem>>
    %dma_wait3A_119 = tpu.memref_squeeze %dma_wait3A_118 : memref<1x8x128xf32, #tpu.memory_space<vmem>> -> memref<8x128xf32, #tpu.memory_space<vmem>>
    tpu.wait_dma2 semaphore(%arg10 : memref<!tpu.dma_semaphore, #tpu.memory_space<semaphore_mem>>) src(%dma_wait3A_119 : memref<8x128xf32, #tpu.memory_space<vmem>>) dst(%dma_wait3A_115 : memref<8x128xf32, #tpu.memory_space<hbm>>)
    %dma_wait3A_120 = arith.constant 0 : i32
    %dma_wait3A_121 = arith.constant 48 : i32
    %dma_wait3A_122 = arith.constant 0 : i32
    %dma_wait3A_123 = tpu.memref_slice %arg7[%dma_wait3A_120, %dma_wait3A_121, %dma_wait3A_122] : memref<2x64x129xf32, #tpu.memory_space<vmem>> -> memref<1x8x128xf32, #tpu.memory_space<vmem>>
    %dma_wait3A_124 = tpu.memref_squeeze %dma_wait3A_123 : memref<1x8x128xf32, #tpu.memory_space<vmem>> -> memref<8x128xf32, #tpu.memory_space<vmem>>
    %dma_wait3A_125 = arith.constant 6144 : i32
    %dma_wait3A_126 = arith.constant 0 : i32
    %dma_wait3A_127 = tpu.memref_slice %arg4[%dma_wait3A_125, %dma_wait3A_126] : memref<409600x128xf32, #tpu.memory_space<hbm>> -> memref<8x128xf32, #tpu.memory_space<hbm>>
    %dma_wait3A_128 = arith.constant 6144 : i32
    %dma_wait3A_129 = arith.constant 0 : i32
    %dma_wait3A_130 = tpu.memref_slice %arg4[%dma_wait3A_128, %dma_wait3A_129] : memref<409600x128xf32, #tpu.memory_space<hbm>> -> memref<8x128xf32, #tpu.memory_space<hbm>>
    %dma_wait3A_131 = arith.constant 48 : i32
    %dma_wait3A_132 = arith.constant 0 : i32
    %dma_wait3A_133 = tpu.memref_slice %arg7[%dma_wait3A_120, %dma_wait3A_131, %dma_wait3A_132] : memref<2x64x129xf32, #tpu.memory_space<vmem>> -> memref<1x8x128xf32, #tpu.memory_space<vmem>>
    %dma_wait3A_134 = tpu.memref_squeeze %dma_wait3A_133 : memref<1x8x128xf32, #tpu.memory_space<vmem>> -> memref<8x128xf32, #tpu.memory_space<vmem>>
    tpu.wait_dma2 semaphore(%arg10 : memref<!tpu.dma_semaphore, #tpu.memory_space<semaphore_mem>>) src(%dma_wait3A_134 : memref<8x128xf32, #tpu.memory_space<vmem>>) dst(%dma_wait3A_130 : memref<8x128xf32, #tpu.memory_space<hbm>>)
    %dma_wait3A_135 = arith.constant 0 : i32
    %dma_wait3A_136 = arith.constant 56 : i32
    %dma_wait3A_137 = arith.constant 0 : i32
    %dma_wait3A_138 = tpu.memref_slice %arg7[%dma_wait3A_135, %dma_wait3A_136, %dma_wait3A_137] : memref<2x64x129xf32, #tpu.memory_space<vmem>> -> memref<1x8x128xf32, #tpu.memory_space<vmem>>
    %dma_wait3A_139 = tpu.memref_squeeze %dma_wait3A_138 : memref<1x8x128xf32, #tpu.memory_space<vmem>> -> memref<8x128xf32, #tpu.memory_space<vmem>>
    %dma_wait3A_140 = arith.constant 7168 : i32
    %dma_wait3A_141 = arith.constant 0 : i32
    %dma_wait3A_142 = tpu.memref_slice %arg4[%dma_wait3A_140, %dma_wait3A_141] : memref<409600x128xf32, #tpu.memory_space<hbm>> -> memref<8x128xf32, #tpu.memory_space<hbm>>
    %dma_wait3A_143 = arith.constant 7168 : i32
    %dma_wait3A_144 = arith.constant 0 : i32
    %dma_wait3A_145 = tpu.memref_slice %arg4[%dma_wait3A_143, %dma_wait3A_144] : memref<409600x128xf32, #tpu.memory_space<hbm>> -> memref<8x128xf32, #tpu.memory_space<hbm>>
    %dma_wait3A_146 = arith.constant 56 : i32
    %dma_wait3A_147 = arith.constant 0 : i32
    %dma_wait3A_148 = tpu.memref_slice %arg7[%dma_wait3A_135, %dma_wait3A_146, %dma_wait3A_147] : memref<2x64x129xf32, #tpu.memory_space<vmem>> -> memref<1x8x128xf32, #tpu.memory_space<vmem>>
    %dma_wait3A_149 = tpu.memref_squeeze %dma_wait3A_148 : memref<1x8x128xf32, #tpu.memory_space<vmem>> -> memref<8x128xf32, #tpu.memory_space<vmem>>
    tpu.wait_dma2 semaphore(%arg10 : memref<!tpu.dma_semaphore, #tpu.memory_space<semaphore_mem>>) src(%dma_wait3A_149 : memref<8x128xf32, #tpu.memory_space<vmem>>) dst(%dma_wait3A_145 : memref<8x128xf32, #tpu.memory_space<hbm>>)
    %dma_wait3A_150 = arith.constant 1 : i32
    %dma_wait3A_151 = arith.constant 0 : i32
    %dma_wait3A_152 = arith.constant 0 : i32
    %dma_wait3A_153 = tpu.memref_slice %arg7[%dma_wait3A_150, %dma_wait3A_151, %dma_wait3A_152] : memref<2x64x129xf32, #tpu.memory_space<vmem>> -> memref<1x8x128xf32, #tpu.memory_space<vmem>>
    %dma_wait3A_154 = tpu.memref_squeeze %dma_wait3A_153 : memref<1x8x128xf32, #tpu.memory_space<vmem>> -> memref<8x128xf32, #tpu.memory_space<vmem>>
    %dma_wait3A_155 = arith.constant 0 : i32
    %dma_wait3A_156 = arith.constant 0 : i32
    %dma_wait3A_157 = tpu.memref_slice %arg4[%dma_wait3A_155, %dma_wait3A_156] : memref<409600x128xf32, #tpu.memory_space<hbm>> -> memref<8x128xf32, #tpu.memory_space<hbm>>
    %dma_wait3A_158 = arith.constant 0 : i32
    %dma_wait3A_159 = arith.constant 0 : i32
    %dma_wait3A_160 = tpu.memref_slice %arg4[%dma_wait3A_158, %dma_wait3A_159] : memref<409600x128xf32, #tpu.memory_space<hbm>> -> memref<8x128xf32, #tpu.memory_space<hbm>>
    %dma_wait3A_161 = arith.constant 0 : i32
    %dma_wait3A_162 = arith.constant 0 : i32
    %dma_wait3A_163 = tpu.memref_slice %arg7[%dma_wait3A_150, %dma_wait3A_161, %dma_wait3A_162] : memref<2x64x129xf32, #tpu.memory_space<vmem>> -> memref<1x8x128xf32, #tpu.memory_space<vmem>>
    %dma_wait3A_164 = tpu.memref_squeeze %dma_wait3A_163 : memref<1x8x128xf32, #tpu.memory_space<vmem>> -> memref<8x128xf32, #tpu.memory_space<vmem>>
    tpu.wait_dma2 semaphore(%arg11 : memref<!tpu.dma_semaphore, #tpu.memory_space<semaphore_mem>>) src(%dma_wait3A_164 : memref<8x128xf32, #tpu.memory_space<vmem>>) dst(%dma_wait3A_160 : memref<8x128xf32, #tpu.memory_space<hbm>>)
    %dma_wait3A_165 = arith.constant 1 : i32
    %dma_wait3A_166 = arith.constant 8 : i32
    %dma_wait3A_167 = arith.constant 0 : i32
    %dma_wait3A_168 = tpu.memref_slice %arg7[%dma_wait3A_165, %dma_wait3A_166, %dma_wait3A_167] : memref<2x64x129xf32, #tpu.memory_space<vmem>> -> memref<1x8x128xf32, #tpu.memory_space<vmem>>
    %dma_wait3A_169 = tpu.memref_squeeze %dma_wait3A_168 : memref<1x8x128xf32, #tpu.memory_space<vmem>> -> memref<8x128xf32, #tpu.memory_space<vmem>>
    %dma_wait3A_170 = arith.constant 1024 : i32
    %dma_wait3A_171 = arith.constant 0 : i32
    %dma_wait3A_172 = tpu.memref_slice %arg4[%dma_wait3A_170, %dma_wait3A_171] : memref<409600x128xf32, #tpu.memory_space<hbm>> -> memref<8x128xf32, #tpu.memory_space<hbm>>
    %dma_wait3A_173 = arith.constant 1024 : i32
    %dma_wait3A_174 = arith.constant 0 : i32
    %dma_wait3A_175 = tpu.memref_slice %arg4[%dma_wait3A_173, %dma_wait3A_174] : memref<409600x128xf32, #tpu.memory_space<hbm>> -> memref<8x128xf32, #tpu.memory_space<hbm>>
    %dma_wait3A_176 = arith.constant 8 : i32
    %dma_wait3A_177 = arith.constant 0 : i32
    %dma_wait3A_178 = tpu.memref_slice %arg7[%dma_wait3A_165, %dma_wait3A_176, %dma_wait3A_177] : memref<2x64x129xf32, #tpu.memory_space<vmem>> -> memref<1x8x128xf32, #tpu.memory_space<vmem>>
    %dma_wait3A_179 = tpu.memref_squeeze %dma_wait3A_178 : memref<1x8x128xf32, #tpu.memory_space<vmem>> -> memref<8x128xf32, #tpu.memory_space<vmem>>
    tpu.wait_dma2 semaphore(%arg11 : memref<!tpu.dma_semaphore, #tpu.memory_space<semaphore_mem>>) src(%dma_wait3A_179 : memref<8x128xf32, #tpu.memory_space<vmem>>) dst(%dma_wait3A_175 : memref<8x128xf32, #tpu.memory_space<hbm>>)
    %dma_wait3A_180 = arith.constant 1 : i32
    %dma_wait3A_181 = arith.constant 16 : i32
    %dma_wait3A_182 = arith.constant 0 : i32
    %dma_wait3A_183 = tpu.memref_slice %arg7[%dma_wait3A_180, %dma_wait3A_181, %dma_wait3A_182] : memref<2x64x129xf32, #tpu.memory_space<vmem>> -> memref<1x8x128xf32, #tpu.memory_space<vmem>>
    %dma_wait3A_184 = tpu.memref_squeeze %dma_wait3A_183 : memref<1x8x128xf32, #tpu.memory_space<vmem>> -> memref<8x128xf32, #tpu.memory_space<vmem>>
    %dma_wait3A_185 = arith.constant 2048 : i32
    %dma_wait3A_186 = arith.constant 0 : i32
    %dma_wait3A_187 = tpu.memref_slice %arg4[%dma_wait3A_185, %dma_wait3A_186] : memref<409600x128xf32, #tpu.memory_space<hbm>> -> memref<8x128xf32, #tpu.memory_space<hbm>>
    %dma_wait3A_188 = arith.constant 2048 : i32
    %dma_wait3A_189 = arith.constant 0 : i32
    %dma_wait3A_190 = tpu.memref_slice %arg4[%dma_wait3A_188, %dma_wait3A_189] : memref<409600x128xf32, #tpu.memory_space<hbm>> -> memref<8x128xf32, #tpu.memory_space<hbm>>
    %dma_wait3A_191 = arith.constant 16 : i32
    %dma_wait3A_192 = arith.constant 0 : i32
    %dma_wait3A_193 = tpu.memref_slice %arg7[%dma_wait3A_180, %dma_wait3A_191, %dma_wait3A_192] : memref<2x64x129xf32, #tpu.memory_space<vmem>> -> memref<1x8x128xf32, #tpu.memory_space<vmem>>
    %dma_wait3A_194 = tpu.memref_squeeze %dma_wait3A_193 : memref<1x8x128xf32, #tpu.memory_space<vmem>> -> memref<8x128xf32, #tpu.memory_space<vmem>>
    tpu.wait_dma2 semaphore(%arg11 : memref<!tpu.dma_semaphore, #tpu.memory_space<semaphore_mem>>) src(%dma_wait3A_194 : memref<8x128xf32, #tpu.memory_space<vmem>>) dst(%dma_wait3A_190 : memref<8x128xf32, #tpu.memory_space<hbm>>)
    %dma_wait3A_195 = arith.constant 1 : i32
    %dma_wait3A_196 = arith.constant 24 : i32
    %dma_wait3A_197 = arith.constant 0 : i32
    %dma_wait3A_198 = tpu.memref_slice %arg7[%dma_wait3A_195, %dma_wait3A_196, %dma_wait3A_197] : memref<2x64x129xf32, #tpu.memory_space<vmem>> -> memref<1x8x128xf32, #tpu.memory_space<vmem>>
    %dma_wait3A_199 = tpu.memref_squeeze %dma_wait3A_198 : memref<1x8x128xf32, #tpu.memory_space<vmem>> -> memref<8x128xf32, #tpu.memory_space<vmem>>
    %dma_wait3A_200 = arith.constant 3072 : i32
    %dma_wait3A_201 = arith.constant 0 : i32
    %dma_wait3A_202 = tpu.memref_slice %arg4[%dma_wait3A_200, %dma_wait3A_201] : memref<409600x128xf32, #tpu.memory_space<hbm>> -> memref<8x128xf32, #tpu.memory_space<hbm>>
    %dma_wait3A_203 = arith.constant 3072 : i32
    %dma_wait3A_204 = arith.constant 0 : i32
    %dma_wait3A_205 = tpu.memref_slice %arg4[%dma_wait3A_203, %dma_wait3A_204] : memref<409600x128xf32, #tpu.memory_space<hbm>> -> memref<8x128xf32, #tpu.memory_space<hbm>>
    %dma_wait3A_206 = arith.constant 24 : i32
    %dma_wait3A_207 = arith.constant 0 : i32
    %dma_wait3A_208 = tpu.memref_slice %arg7[%dma_wait3A_195, %dma_wait3A_206, %dma_wait3A_207] : memref<2x64x129xf32, #tpu.memory_space<vmem>> -> memref<1x8x128xf32, #tpu.memory_space<vmem>>
    %dma_wait3A_209 = tpu.memref_squeeze %dma_wait3A_208 : memref<1x8x128xf32, #tpu.memory_space<vmem>> -> memref<8x128xf32, #tpu.memory_space<vmem>>
    tpu.wait_dma2 semaphore(%arg11 : memref<!tpu.dma_semaphore, #tpu.memory_space<semaphore_mem>>) src(%dma_wait3A_209 : memref<8x128xf32, #tpu.memory_space<vmem>>) dst(%dma_wait3A_205 : memref<8x128xf32, #tpu.memory_space<hbm>>)
    %dma_wait3A_210 = arith.constant 1 : i32
    %dma_wait3A_211 = arith.constant 32 : i32
    %dma_wait3A_212 = arith.constant 0 : i32
    %dma_wait3A_213 = tpu.memref_slice %arg7[%dma_wait3A_210, %dma_wait3A_211, %dma_wait3A_212] : memref<2x64x129xf32, #tpu.memory_space<vmem>> -> memref<1x8x128xf32, #tpu.memory_space<vmem>>
    %dma_wait3A_214 = tpu.memref_squeeze %dma_wait3A_213 : memref<1x8x128xf32, #tpu.memory_space<vmem>> -> memref<8x128xf32, #tpu.memory_space<vmem>>
    %dma_wait3A_215 = arith.constant 4096 : i32
    %dma_wait3A_216 = arith.constant 0 : i32
    %dma_wait3A_217 = tpu.memref_slice %arg4[%dma_wait3A_215, %dma_wait3A_216] : memref<409600x128xf32, #tpu.memory_space<hbm>> -> memref<8x128xf32, #tpu.memory_space<hbm>>
    %dma_wait3A_218 = arith.constant 4096 : i32
    %dma_wait3A_219 = arith.constant 0 : i32
    %dma_wait3A_220 = tpu.memref_slice %arg4[%dma_wait3A_218, %dma_wait3A_219] : memref<409600x128xf32, #tpu.memory_space<hbm>> -> memref<8x128xf32, #tpu.memory_space<hbm>>
    %dma_wait3A_221 = arith.constant 32 : i32
    %dma_wait3A_222 = arith.constant 0 : i32
    %dma_wait3A_223 = tpu.memref_slice %arg7[%dma_wait3A_210, %dma_wait3A_221, %dma_wait3A_222] : memref<2x64x129xf32, #tpu.memory_space<vmem>> -> memref<1x8x128xf32, #tpu.memory_space<vmem>>
    %dma_wait3A_224 = tpu.memref_squeeze %dma_wait3A_223 : memref<1x8x128xf32, #tpu.memory_space<vmem>> -> memref<8x128xf32, #tpu.memory_space<vmem>>
    tpu.wait_dma2 semaphore(%arg11 : memref<!tpu.dma_semaphore, #tpu.memory_space<semaphore_mem>>) src(%dma_wait3A_224 : memref<8x128xf32, #tpu.memory_space<vmem>>) dst(%dma_wait3A_220 : memref<8x128xf32, #tpu.memory_space<hbm>>)
    %dma_wait3A_225 = arith.constant 1 : i32
    %dma_wait3A_226 = arith.constant 40 : i32
    %dma_wait3A_227 = arith.constant 0 : i32
    %dma_wait3A_228 = tpu.memref_slice %arg7[%dma_wait3A_225, %dma_wait3A_226, %dma_wait3A_227] : memref<2x64x129xf32, #tpu.memory_space<vmem>> -> memref<1x8x128xf32, #tpu.memory_space<vmem>>
    %dma_wait3A_229 = tpu.memref_squeeze %dma_wait3A_228 : memref<1x8x128xf32, #tpu.memory_space<vmem>> -> memref<8x128xf32, #tpu.memory_space<vmem>>
    %dma_wait3A_230 = arith.constant 5120 : i32
    %dma_wait3A_231 = arith.constant 0 : i32
    %dma_wait3A_232 = tpu.memref_slice %arg4[%dma_wait3A_230, %dma_wait3A_231] : memref<409600x128xf32, #tpu.memory_space<hbm>> -> memref<8x128xf32, #tpu.memory_space<hbm>>
    %dma_wait3A_233 = arith.constant 5120 : i32
    %dma_wait3A_234 = arith.constant 0 : i32
    %dma_wait3A_235 = tpu.memref_slice %arg4[%dma_wait3A_233, %dma_wait3A_234] : memref<409600x128xf32, #tpu.memory_space<hbm>> -> memref<8x128xf32, #tpu.memory_space<hbm>>
    %dma_wait3A_236 = arith.constant 40 : i32
    %dma_wait3A_237 = arith.constant 0 : i32
    %dma_wait3A_238 = tpu.memref_slice %arg7[%dma_wait3A_225, %dma_wait3A_236, %dma_wait3A_237] : memref<2x64x129xf32, #tpu.memory_space<vmem>> -> memref<1x8x128xf32, #tpu.memory_space<vmem>>
    %dma_wait3A_239 = tpu.memref_squeeze %dma_wait3A_238 : memref<1x8x128xf32, #tpu.memory_space<vmem>> -> memref<8x128xf32, #tpu.memory_space<vmem>>
    tpu.wait_dma2 semaphore(%arg11 : memref<!tpu.dma_semaphore, #tpu.memory_space<semaphore_mem>>) src(%dma_wait3A_239 : memref<8x128xf32, #tpu.memory_space<vmem>>) dst(%dma_wait3A_235 : memref<8x128xf32, #tpu.memory_space<hbm>>)
    %dma_wait3A_240 = arith.constant 1 : i32
    %dma_wait3A_241 = arith.constant 48 : i32
    %dma_wait3A_242 = arith.constant 0 : i32
    %dma_wait3A_243 = tpu.memref_slice %arg7[%dma_wait3A_240, %dma_wait3A_241, %dma_wait3A_242] : memref<2x64x129xf32, #tpu.memory_space<vmem>> -> memref<1x8x128xf32, #tpu.memory_space<vmem>>
    %dma_wait3A_244 = tpu.memref_squeeze %dma_wait3A_243 : memref<1x8x128xf32, #tpu.memory_space<vmem>> -> memref<8x128xf32, #tpu.memory_space<vmem>>
    %dma_wait3A_245 = arith.constant 6144 : i32
    %dma_wait3A_246 = arith.constant 0 : i32
    %dma_wait3A_247 = tpu.memref_slice %arg4[%dma_wait3A_245, %dma_wait3A_246] : memref<409600x128xf32, #tpu.memory_space<hbm>> -> memref<8x128xf32, #tpu.memory_space<hbm>>
    %dma_wait3A_248 = arith.constant 6144 : i32
    %dma_wait3A_249 = arith.constant 0 : i32
    %dma_wait3A_250 = tpu.memref_slice %arg4[%dma_wait3A_248, %dma_wait3A_249] : memref<409600x128xf32, #tpu.memory_space<hbm>> -> memref<8x128xf32, #tpu.memory_space<hbm>>
    %dma_wait3A_251 = arith.constant 48 : i32
    %dma_wait3A_252 = arith.constant 0 : i32
    %dma_wait3A_253 = tpu.memref_slice %arg7[%dma_wait3A_240, %dma_wait3A_251, %dma_wait3A_252] : memref<2x64x129xf32, #tpu.memory_space<vmem>> -> memref<1x8x128xf32, #tpu.memory_space<vmem>>
    %dma_wait3A_254 = tpu.memref_squeeze %dma_wait3A_253 : memref<1x8x128xf32, #tpu.memory_space<vmem>> -> memref<8x128xf32, #tpu.memory_space<vmem>>
    tpu.wait_dma2 semaphore(%arg11 : memref<!tpu.dma_semaphore, #tpu.memory_space<semaphore_mem>>) src(%dma_wait3A_254 : memref<8x128xf32, #tpu.memory_space<vmem>>) dst(%dma_wait3A_250 : memref<8x128xf32, #tpu.memory_space<hbm>>)
    %dma_wait3A_255 = arith.constant 1 : i32
    %dma_wait3A_256 = arith.constant 56 : i32
    %dma_wait3A_257 = arith.constant 0 : i32
    %dma_wait3A_258 = tpu.memref_slice %arg7[%dma_wait3A_255, %dma_wait3A_256, %dma_wait3A_257] : memref<2x64x129xf32, #tpu.memory_space<vmem>> -> memref<1x8x128xf32, #tpu.memory_space<vmem>>
    %dma_wait3A_259 = tpu.memref_squeeze %dma_wait3A_258 : memref<1x8x128xf32, #tpu.memory_space<vmem>> -> memref<8x128xf32, #tpu.memory_space<vmem>>
    %dma_wait3A_260 = arith.constant 7168 : i32
    %dma_wait3A_261 = arith.constant 0 : i32
    %dma_wait3A_262 = tpu.memref_slice %arg4[%dma_wait3A_260, %dma_wait3A_261] : memref<409600x128xf32, #tpu.memory_space<hbm>> -> memref<8x128xf32, #tpu.memory_space<hbm>>
    %dma_wait3A_263 = arith.constant 7168 : i32
    %dma_wait3A_264 = arith.constant 0 : i32
    %dma_wait3A_265 = tpu.memref_slice %arg4[%dma_wait3A_263, %dma_wait3A_264] : memref<409600x128xf32, #tpu.memory_space<hbm>> -> memref<8x128xf32, #tpu.memory_space<hbm>>
    %dma_wait3A_266 = arith.constant 56 : i32
    %dma_wait3A_267 = arith.constant 0 : i32
    %dma_wait3A_268 = tpu.memref_slice %arg7[%dma_wait3A_255, %dma_wait3A_266, %dma_wait3A_267] : memref<2x64x129xf32, #tpu.memory_space<vmem>> -> memref<1x8x128xf32, #tpu.memory_space<vmem>>
    %dma_wait3A_269 = tpu.memref_squeeze %dma_wait3A_268 : memref<1x8x128xf32, #tpu.memory_space<vmem>> -> memref<8x128xf32, #tpu.memory_space<vmem>>
    tpu.wait_dma2 semaphore(%arg11 : memref<!tpu.dma_semaphore, #tpu.memory_space<semaphore_mem>>) src(%dma_wait3A_269 : memref<8x128xf32, #tpu.memory_space<vmem>>) dst(%dma_wait3A_265 : memref<8x128xf32, #tpu.memory_space<hbm>>)
    return
  }
}

</mosaic_0001>

<sc_bundles>
// kernel: kernel.3.cloned.1.call-start
scs
__scs_entry_jumppad:
0x0: {  	(pc) =	sbr.rel $0x88, $3  }
0x1: {  	(tag) =	ssettag $0x0;
	lr =	simm.s32 $0x1  }
0x2: {  	[smem:$0x3F9F] =	sst lr;
	_ =	strace $0xD0000000  }
0x3: {  	_ = 	snop  }
0x4: {  	_ = 	snop  }
0x5: {  	_ = 	snop  }
0x6: {  	_ = 	snop  }
0x7: {  	_ = 	snop  }
__scs_overlays_trampoline_lowered:
0x8: {  	[smem:$0x3FAE] =	sst s0  }
0x9: {  	[smem:$0x3FAF] =	sst s1  }
0xa: {  	[smem:$0x3FB0] =	sst s2  }
0xb: {  	[smem:$0x3FB1] =	sst s3  }
0xc: {  	[smem:$0x3FB2] =	sst s4  }
0xd: {  	[smem:$0x3FB3] =	sst s5  }
0xe: {  	[smem:$0x3FB4] =	sst s6  }
0xf: {  	[smem:$0x3FB5] =	sst s7  }
0x10: {  	[smem:$0x3FB6] =	sst s8  }
0x11: {  	[smem:$0x3FB7] =	sst s9;
	s0 =	simm.s32 @!p0 $0x0  }
0x12: {  	s1 =	sld [smem:$0x3F9D];
	s0 =	simm.s32 @p0 $0x1  }
0x13: {  	[smem:$0x3FB8] =	sst s0;
	s0 =	simm.s32 @!p1 $0x0  }
0x14: {  	s2 =	sld [smem:$0x3F9C];
	s0 =	simm.s32 @p1 $0x1  }
0x15: {  	[smem:$0x3FB9] =	sst s0;
	s0 =	simm.s32 @!p2 $0x0  }
0x16: {  	s3 =	sld [smem:$0x3FDB];
	s0 =	simm.s32 @p2 $0x1  }
0x17: {  	s4 =	simm.s32 $0x1BF5;
	[smem:$0x3FBB] =	sst s0  }
0x18: {  	s0 =	sld [smem:$0x3F9E];
	_ =	swait.ge [sflag:s4], $0x0  }
0x19: {  	s7 =	sld [smem:$0x3F9F]  }
0x1a: {  	s8 =	sadd.s32 $0xFFFFE003, lr  }
0x1b: {  	s9 =	sadd.s32 $0xFFFFFEF7, lr;
	s5 =	simm.s32 $0xFFFFFFFF;
	p2 =	slt.u32 s8, $0xFFFFF086  }
0x1c: {  	p1 =	slt.u32 s9, $0xF7A;
	s5 =	simm.s32 @!p2 $0x0  }
0x1d: {  	s5 =	simm.s32 @p1 $0x1;
	p0 =	seq.s32 s7, s2  }
0x1e: {  	s7 =	smul.u32 @!p0 $0xF7A, s2;
	p2 =	seq.s32 @!p0 s5, $0x0  }
0x1f: {  	s9 =	smul.u32 $0xF7A, s1;
	s8 =	simm.s32 @!p0 $0x1BF5;
	p2 =	por !p2, p0  }
0x20: {  	[sflag:s8] =	ssyncset.s32 @!p0 $0xFFFFF086;
	s6 =	sadd.s32 @!p0 s3, s7;
	s7 =	simm.s32 @!p0 $0x108  }
0x21: {  	s3 =	sadd.s32 s3, s9;
	s6 =	sadd.s32 @!p0 $0x88, s6;
	s7 =	simm.s32 @p2 $0x1082  }
0x22: {  	[simem:s7], [sflag:s8] =	dma.local @!p0 [hbm:s6], $0xF7A  }
0x23: {  	s9 =	sor.u32 $0xD0000000, s2;
	s6 =	simm.s32 $0x108;
	_ =	swait.ge @!p0 [sflag:s8], $0x0  }
0x24: {  	s3 =	sadd.s32 $0x88, s3;
	s6 =	simm.s32 @!p1 $0x1082;
	[sflag:s4] =	ssyncset.s32 $0xFFFFF086  }
0x25: {  	[simem:s6], [sflag:s4] =	dma.local [hbm:s3], $0xF7A  }
0x26: {  	[smem:$0x3F9F] =	sst s1;
	(tag) =	ssettag s2;
	_ =	strace s9  }
0x27: {  	s1 =	sld [smem:$0x3FAF]  }
0x28: {  	s2 =	sld [smem:$0x3FB0]  }
0x29: {  	s4 =	sld [smem:$0x3FB2]  }
0x2a: {  	p0 =	seq.s32 s5, $0x0;
	s5 =	sld [smem:$0x3FB3]  }
0x2b: {  	s6 =	sld [smem:$0x3FB4]  }
0x2c: {  	s7 =	sld [smem:$0x3FB5]  }
0x2d: {  	s3 =	simm.s32 $0x108;
	s8 =	sld [smem:$0x3FB6]  }
0x2e: {  	s3 =	simm.s32 @!p0 $0x1082;
	s9 =	sld [smem:$0x3FB7]  }
0x2f: {  	lr =	sadd.s32 s0, s3;
	s0 =	sld [smem:$0x3FAE]  }
0x30: {  	s3 =	sld [smem:$0x3FB1]  }
0x31: {  	[smem:$0x3FBA] =	sst s10  }
0x32: {  	s10 =	sld [smem:$0x3FB8];
	_ =	sdelay $0x3  }
0x33: {  	p0 =	seq.s32 s10, $0x1;
	s10 =	sld [smem:$0x3FBA];
	_ =	sdelay $0x3  }
0x34: {  	[smem:$0x3FBA] =	sst s10  }
0x35: {  	s10 =	sld [smem:$0x3FB9];
	_ =	sdelay $0x3  }
0x36: {  	p1 =	seq.s32 s10, $0x1;
	s10 =	sld [smem:$0x3FBA];
	_ =	sdelay $0x3  }
0x37: {  	[smem:$0x3FBA] =	sst s10  }
0x38: {  	s10 =	sld [smem:$0x3FBB]  }
0x39: {  	_ = 	snop;
	(pc) =	sbr.ind lr, $3  }
0x3a: {  	_ = 	snop  }
0x3b: {  	_ = 	snop  }
0x3c: {  	p2 =	seq.s32 s10, $0x1;
	s10 =	sld [smem:$0x3FBA]  }
0x3d: {  	_ =	shalt  }
0x3e: {  	_ =	shalt  }
0x3f: {  	_ =	shalt  }
0x40: {  	_ =	shalt  }
0x41: {  	_ =	shalt  }
0x42: {  	_ =	shalt  }
0x43: {  	_ =	shalt  }
0x44: {  	_ =	shalt  }
0x45: {  	_ =	shalt  }
0x46: {  	_ =	shalt  }
0x47: {  	_ =	shalt  }
0x48: {  	_ =	shalt  }
0x49: {  	_ =	shalt  }
0x4a: {  	_ =	shalt  }
0x4b: {  	_ =	shalt  }
0x4c: {  	_ =	shalt  }
0x4d: {  	_ =	shalt  }
0x4e: {  	_ =	shalt  }
0x4f: {  	_ =	shalt  }
0x50: {  	_ =	shalt  }
0x51: {  	_ =	shalt  }
0x52: {  	_ =	shalt  }
0x53: {  	_ =	shalt  }
0x54: {  	_ =	shalt  }
0x55: {  	_ =	shalt  }
0x56: {  	_ =	shalt  }
0x57: {  	_ =	shalt  }
0x58: {  	_ =	shalt  }
0x59: {  	_ =	shalt  }
0x5a: {  	_ =	shalt  }
0x5b: {  	_ =	shalt  }
0x5c: {  	_ =	shalt  }
0x5d: {  	_ =	shalt  }
0x5e: {  	_ =	shalt  }
0x5f: {  	_ =	shalt  }
0x60: {  	_ =	shalt  }
0x61: {  	_ =	shalt  }
0x62: {  	_ =	shalt  }
0x63: {  	_ =	shalt  }
0x64: {  	_ =	shalt  }
0x65: {  	_ =	shalt  }
0x66: {  	_ =	shalt  }
0x67: {  	_ =	shalt  }
0x68: {  	_ =	shalt  }
0x69: {  	_ =	shalt  }
0x6a: {  	_ =	shalt  }
0x6b: {  	_ =	shalt  }
0x6c: {  	_ =	shalt  }
0x6d: {  	_ =	shalt  }
0x6e: {  	_ =	shalt  }
0x6f: {  	_ =	shalt  }
0x70: {  	_ =	shalt  }
0x71: {  	_ =	shalt  }
0x72: {  	_ =	shalt  }
0x73: {  	_ =	shalt  }
0x74: {  	_ =	shalt  }
0x75: {  	_ =	shalt  }
0x76: {  	_ =	shalt  }
0x77: {  	_ =	shalt  }
0x78: {  	_ =	shalt  }
0x79: {  	_ =	shalt  }
0x7a: {  	_ =	shalt  }
0x7b: {  	_ =	shalt  }
0x7c: {  	_ =	shalt  }
0x7d: {  	_ =	shalt  }
0x7e: {  	_ =	shalt  }
0x7f: {  	_ =	shalt  }
0x80: {  	_ =	shalt  }
0x81: {  	_ =	shalt  }
0x82: {  	_ =	shalt  }
0x83: {  	_ =	shalt  }
0x84: {  	_ =	shalt  }
0x85: {  	_ =	shalt  }
0x86: {  	_ =	shalt  }
0x87: {  	_ =	shalt  }
.Lfunc_end0:
.L_simem_size_0:
called_computation_lowered:
.L_overlay_start_0:
0x88: {  	s2 =	sld [smem:$0x3FD9]  }
0x89: {  	s3 =	sld [smem:$0x3FFE];
	_ =	sdelay $0x1  }
0x8a: {  	s1 =	srdreg.scid  }
0x8b: {  	s0 =	sand.u32 $0x1, s1  }
0x8c: {  	s17 =	sshll.u32 s0, $0xA;
	s2 =	sadd.s32 s3, s2  }
0x8d: {  	s2 =	sadd.s32 s2, s17  }
0x8e: {  	[smem:$0x3FC6] =	sst s2  }
0x8f: {  	_ = 	snop  }
0x90: {  	s2 =	sld [smem:$0x3FD0];
	(tm) =	ssettm $0x1  }
0x91: {  	s18 =	sld [smem:$0x3FFB];
	_ =	sdelay $0x3  }
0x92: {  	_ =	strace s18  }
0x93: {  	s3 =	sld [smem:$0x3FFC];
	_ =	sdelay $0x3  }
0x94: {  	_ =	strace s3  }
0x95: {  	s3 =	sld [smem:$0x3FFD];
	_ =	sdelay $0x3  }
0x96: {  	_ =	strace s3  }
0x97: {  	_ =	strace $0x8FFFFFFF  }
0x98: {  	s19 =	sld [smem:$0x3FDB];
	_ =	sdelay $0x1  }
0x99: {  	s4 =	simm.s32 $_scs_section_size  }
0x9a: {  	s5 =	simm.s32 $_size__tile_overlayer_lowered;
	s6 =	simm.s32 $_tile_overlayer_lowered  }
0x9b: {  	s22 =	simm.s32 $0x1BFF;
	s21 =	sshll.u32 s6, $0x1;
	s3 =	sadd.s32 s4, s19  }
0x9c: {  	s7 =	simm.s32 $0x0;
	s20 =	sshll.u32 s5, $0x1;
	s5 =	sadd.s32 s21, s3  }
0x9d: {  	[timem:s7], [sflag:s22] =	dma.local [hbm:s5], s20  }
0x9e: {  	_ =	swait.ge [sflag:s22], s20  }
0x9f: {  	s4 =	ssub.s32 $0x0, s20;
	[sflag:s22] =	ssyncset.done $0x0  }
0xa0: {  	[sflag:s22] =	ssyncadd.s32 s4;
	_ =	sdelay $0x1  }
0xa1: {  	s23 =	simm.s32 $0x1B8B  }
0xa2: {  	_ =	swait.ge [sflag:s23], $0x1  }
0xa3: {  	[sflag:s23] =	ssyncset.done $0x0  }
0xa4: {  	s25 =	simm.s32 $0x1B8E;
	s24 =	sld [smem:$0x3FFE];
	[sflag:s23] =	ssyncadd.s32 $0xFFFFFFFF  }
0xa5: {  	s26 =	simm.s32 $execute0_lowered;
	[smem:$0x3FD2] =	sst s25  }
0xa6: {  	s5 =	sshll.u32 s26, $0x1;
	_ =	strace $0x80000046;
	[dreg:$0x1] =	wrdreg $0xFFFFFFFF  }
0xa7: {  	s28 =	simm.s32 $_size_execute0_lowered;
	s3 =	sadd.s32 s3, s5;
	[dreg:$0x0] =	wrdreg $0x0  }
0xa8: {  	s5 =	sshll.u32 s28, $0x1;
	[dreg:$0x2] =	wrdreg s3  }
0xa9: {  	[dreg:$0x3] =	wrdreg s5  }
0xaa: {  	[dreg:$0x4] =	wrdreg $0xC0  }
0xab: {  	_ =	task [dreg:s7], $0x5FFFF  }
0xac: {  	[dreg:$0x1] =	wrdreg $0xFFFFFFFF  }
0xad: {  	[dreg:$0x0] =	wrdreg $0x60  }
0xae: {  	[dreg:$0x2] =	wrdreg s24  }
0xaf: {  	[dreg:$0x3] =	wrdreg s2  }
0xb0: {  	[dreg:$0x4] =	wrdreg $0x9  }
0xb1: {  	_ =	task.clear_ibuf [dreg:s7], $0x5FFFF;
	_ =	strace $0x90000046  }
0xb2: {  	s29 =	simm.s32 $0x9;
	_ =	strace $0x80000048  }
0xb3: {  	_ =	swait.ge [sflag:s29], $0x1  }
0xb4: {  	[sflag:s29] =	ssyncadd.s32 $0xFFFFFFFF  }
0xb5: {  	_ =	strace $0x90000048  }
0xb6: {  	_ =	sfence  }
0xb7: {  	s30 =	sld [smem:$0x0];
	_ =	sdelay $0x2  }
0xb8: {  	s31 =	sshll.u32 s1, $0xD;
	s1 =	sshrl.u32 s1, $0x2  }
0xb9: {  	s3 =	sand.u32 $0x4000, s31;
	s1 =	sadd.s32 s1, s30  }
0xba: {  	s0 =	sor.u32 s3, s0;
	s1 =	sshll.u32 s1, $0x11  }
0xbb: {  	s0 =	sor.u32 s1, s0  }
0xbc: {  	s0 =	sadd.s32 $0x8F2B, s0  }
0xbd: {  	[sflag:s0] =	ssyncadd.remote.s32 $0x1  }
0xbe: {  	_ =	sfence.sel $0xFFFF  }
0xbf: {  	[dreg:$0x0] =	wrdreg $0xFFFFFFFF;
	(pc) =	sbr.abs _section_cstart, $3  }
0xc0: {  	[dreg:$0x1] =	wrdreg $0xFFFFFFFF  }
0xc1: {  	_ =	task.clear_ibuf [dreg:s7], $0x2FFFF;
	_ =	strace $0x9FFFFFFF  }
0xc2: {  	(tm) =	ssettm $0x7FFFFFFF  }
0xc3: {  	_ =	shalt  }
tec
execute0_lowered:
.L_overlay_start_1:
0x0: {  	(tag) =	ssettag $0x1  }
0x1: {  	s0 =	rddreg [dreg:$0x0];
	s1 =	srdreg.scid  }
0x2: {  	s3 =	stileid.u32;
	s2 =	rddreg [dreg:$0x1];
	s19 =	simm.s32 $0x1;
	v0 =	vlaneseq.u32  }
0x3: {  	s20 =	simm.s32 $0xA400;
	s17 =	simm.s32 $0xC600;
	s23 =	simm.s32 $0xE338;
	v0 =	vmul.u32 $0x88, v0  }
0x4: {  	v1 =	vimm.s32 $0x0;
	vm0 =	vcmask $0x300;
	s24 =	simm.s32 $0xE3C0;
	s25 =	simm.s32 $0xE448;
	s28 =	simm.s32 $0xE558  }
0x5: {  	s16 =	simm.s32 $0xE5E0;
	s29 =	simm.s32 $0xE668;
	s30 =	simm.s32 $0xE6F0;
	v1 =	vsel vm0, $0x3, v1;
	v2 =	vadd.s32 $0x880, v0  }
0x6: {  	s31 =	simm.s32 $0xE778;
	s14 =	simm.s32 $0x0;
	s22 =	simm.s32 $0x80;
	v3 =	vadd.s32 $0x1100, v0;
	v4 =	vadd.s32 $0x1980, v0;
	v5 =	vor.u32 $0x1, v0  }
0x7: {  	s1 =	sand.u32 $0x1, s1;
	s4 =	sshll.u32 s3, $0x1;
	s3 =	simm.s32 $0x0;
	v6 =	vadd.s32 $0x881, v0;
	v7 =	vadd.s32 $0x1101, v0;
	v8 =	vadd.s32 $0x1981, v0  }
0x8: {  	s8 =	sadd.s32 $0x8000, s2;
	s9 =	sadd.s32 $0xC000, s2;
	s10 =	sadd.s32 $0x10000, s2;
	v9 =	vor.u32 $0x2, v0;
	v10 =	vadd.s32 $0x882, v0;
	v11 =	vadd.s32 $0x1102, v0  }
0x9: {  	s11 =	sadd.s32 $0x14000, s2;
	s12 =	sadd.s32 $0x18000, s2;
	s5 =	sor.u32 s1, s4;
	v12 =	vadd.s32 $0x1982, v0;
	v13 =	vor.u32 $0x3, v0;
	v14 =	vadd.s32 $0x883, v0  }
0xa: {  	s13 =	sadd.s32 $0x1C000, s2;
	s1 =	ssub.s32 $0x2, s1;
	s6 =	smul.u32 $0xC80, s5;
	v15 =	vadd.s32 $0x1103, v0;
	v16 =	vadd.s32 $0x1983, v0;
	v17 =	vor.u32 $0x4, v0  }
.Ltmp0:
0xb: {  	[smem:$0x7FF] =	sst s3;
	s7 =	sshrl.u32 s1, $0x1;
	v18 =	vadd.s32 $0x884, v0;
	v19 =	vadd.s32 $0x1104, v0;
	v20 =	vadd.s32 $0x1984, v0;
	(pc) =	sbr.rel .LBB2_1-.Ltmp0, $4  }
0xc: {  	s4 =	sadd.s32 $0xF42A00, s0;
	_ =	strace $0x80000047;
	v21 =	vor.u32 $0x5, v0;
	v22 =	vadd.s32 $0x885, v0;
	v23 =	vadd.s32 $0x1105, v0;
	s1 =	ssub.s32 s1, s7  }
0xd: {  	s5 =	smul.u32 $0xC8, s5;
	v24 =	vadd.s32 $0x1985, v0;
	v25 =	vor.u32 $0x6, v0;
	v26 =	vadd.s32 $0x886, v0;
	s0 =	sadd.s32 s6, s0;
	s26 =	smax.u32 s1, $0x1  }
0xe: {  	v27 =	vadd.s32 $0x1106, v0;
	v28 =	vadd.s32 $0x1986, v0;
	v29 =	vor.u32 $0x7, v0;
	s7 =	sadd.s32 $0x4000, s2;
	s0 =	sadd.s32 $0x600, s0;
	[dreg:$0x4] =	wrdreg s26  }
0xf: {  	v30 =	vadd.s32 $0x887, v0;
	v31 =	vadd.s32 $0x1107, v0;
	v32 =	vadd.s32 $0x1987, v0;
	s26 =	simm.s32 $0xE4D0;
	[dreg:$0x3] =	wrdreg s0;
	s0 =	simm.s32 $0x2  }
.LBB2_8:
0x10: {  	s1 =	simm.s32 $0x3  }
0x11: {  	_ =	swait.ge [sflag:s1], $0x400  }
0x12: {  	[sflag:s1] =	ssyncset.done $0x0  }
0x13: {  	[sflag:s1] =	ssyncadd.s32 $0xFFFFFC00  }
0x14: {  	_ =	swait.ge [sflag:s1], $0x400  }
0x15: {  	[sflag:s1] =	ssyncset.done $0x0  }
0x16: {  	[sflag:s1] =	ssyncadd.s32 $0xFFFFFC00  }
0x17: {  	_ =	swait.ge [sflag:s1], $0x400  }
0x18: {  	[sflag:s1] =	ssyncset.done $0x0  }
0x19: {  	[sflag:s1] =	ssyncadd.s32 $0xFFFFFC00  }
0x1a: {  	_ =	swait.ge [sflag:s1], $0x400  }
0x1b: {  	[sflag:s1] =	ssyncset.done $0x0  }
0x1c: {  	[sflag:s1] =	ssyncadd.s32 $0xFFFFFC00  }
0x1d: {  	_ =	swait.ge [sflag:s1], $0x400  }
0x1e: {  	[sflag:s1] =	ssyncset.done $0x0  }
0x1f: {  	[sflag:s1] =	ssyncadd.s32 $0xFFFFFC00  }
0x20: {  	_ =	swait.ge [sflag:s1], $0x400  }
0x21: {  	[sflag:s1] =	ssyncset.done $0x0  }
0x22: {  	[sflag:s1] =	ssyncadd.s32 $0xFFFFFC00  }
0x23: {  	_ =	swait.ge [sflag:s1], $0x400  }
0x24: {  	[sflag:s1] =	ssyncset.done $0x0  }
0x25: {  	[sflag:s1] =	ssyncadd.s32 $0xFFFFFC00  }
0x26: {  	_ =	swait.ge [sflag:s1], $0x400  }
0x27: {  	[sflag:s1] =	ssyncset.done $0x0  }
0x28: {  	s6 =	simm.s32 $0x4;
	[sflag:s1] =	ssyncadd.s32 $0xFFFFFC00  }
0x29: {  	_ =	swait.ge [sflag:s6], $0x400  }
0x2a: {  	[sflag:s6] =	ssyncset.done $0x0  }
0x2b: {  	[sflag:s6] =	ssyncadd.s32 $0xFFFFFC00  }
0x2c: {  	_ =	swait.ge [sflag:s6], $0x400  }
0x2d: {  	[sflag:s6] =	ssyncset.done $0x0  }
0x2e: {  	[sflag:s6] =	ssyncadd.s32 $0xFFFFFC00  }
0x2f: {  	_ =	swait.ge [sflag:s6], $0x400  }
0x30: {  	[sflag:s6] =	ssyncset.done $0x0  }
0x31: {  	[sflag:s6] =	ssyncadd.s32 $0xFFFFFC00  }
0x32: {  	_ =	swait.ge [sflag:s6], $0x400  }
0x33: {  	[sflag:s6] =	ssyncset.done $0x0  }
0x34: {  	[sflag:s6] =	ssyncadd.s32 $0xFFFFFC00  }
0x35: {  	_ =	swait.ge [sflag:s6], $0x400  }
0x36: {  	[sflag:s6] =	ssyncset.done $0x0  }
0x37: {  	[sflag:s6] =	ssyncadd.s32 $0xFFFFFC00  }
0x38: {  	_ =	swait.ge [sflag:s6], $0x400  }
0x39: {  	[sflag:s6] =	ssyncset.done $0x0  }
0x3a: {  	[sflag:s6] =	ssyncadd.s32 $0xFFFFFC00  }
0x3b: {  	_ =	swait.ge [sflag:s6], $0x400  }
0x3c: {  	[sflag:s6] =	ssyncset.done $0x0  }
0x3d: {  	[sflag:s6] =	ssyncadd.s32 $0xFFFFFC00  }
0x3e: {  	_ =	swait.ge [sflag:s6], $0x400  }
0x3f: {  	s14 =	rddreg [dreg:$0x5]  }
0x40: {  	s21 =	rddreg [dreg:$0x4];
	s14 =	sadd.s32 $0x1, s14  }
0x41: {  	p0 =	sne.s32 s14, s21  }
.Ltmp1:
0x42: {  	_ = 	snop;
	(pc) =	sbr.rel @!p0 .LBB2_9-.Ltmp1, $3  }
0x43: {  	_ =	sdelay $0x1  }
0x44: {  	[sflag:s6] =	ssyncset.done $0x0  }
0x45: {  	[sflag:s6] =	ssyncadd.s32 $0xFFFFFC00  }
.LBB2_1:
0x46: {  	[dreg:$0x5] =	wrdreg s14  }
0x47: {  	s1 =	rddreg [dreg:$0x3];
	s15 =	simm.s32 $0x5  }
0x48: {  	[tilespmem:s3], [sflag:$0x5] =	stream.linear.gather [hbm4b:s1+s3], $0x6400, $0x38;
	[tilespmem:$0xE800] =	vst v63  }
0x49: {  	_ =	swait.ge [sflag:s15], $0x6400  }
0x4a: {  	[sflag:s15] =	ssyncset.done $0x0  }
0x4b: {  	s18 =	simm.s32 $0x80;
	s6 =	simm.s32 $0x6400;
	[sflag:s15] =	ssyncadd.s32 $0xFFFF9C00  }
0x4c: {  	[tilespmem:s6], [sflag:$0x1] =	stream.indirect.gather [hbm4b:s4+s18], $0x40, s3, s18, $0xb8;
	[tilespmem:$0xE800] =	vst v63  }
0x4d: {  	s21 =	simm.s32 $0x8400;
	s1 =	simm.s32 $0x0  }
0x4e: {  	[tilespmem:s21], [sflag:$0x2] =	stream.indirect.gather [hbm4b:s4+s18], $0x40, s18, s18, $0xb8;
	[tilespmem:$0xE800] =	vst v63  }
.LBB2_2:
0x4f: {  	_ =	swait.ge [sflag:s19], $0x2000  }
0x50: {  	p0 =	seq.s32 s1, $0x0;
	[sflag:s19] =	ssyncset.done $0x0  }
0x51: {  	s6 =	simm.s32 @!p0 $0x3;
	[sflag:s19] =	ssyncadd.s32 $0xFFFFE000  }
0x52: {  	_ =	swait.ge @!p0 [sflag:s6], $0x400  }
0x53: {  	[sflag:s6] =	ssyncset.done @!p0 $0x0  }
0x54: {  	[sflag:s6] =	ssyncadd.s32 @!p0 $0xFFFFFC00  }
0x55: {  	_ =	swait.ge @!p0 [sflag:s6], $0x400  }
0x56: {  	[sflag:s6] =	ssyncset.done @!p0 $0x0  }
0x57: {  	[sflag:s6] =	ssyncadd.s32 @!p0 $0xFFFFFC00  }
0x58: {  	_ =	swait.ge @!p0 [sflag:s6], $0x400  }
0x59: {  	[sflag:s6] =	ssyncset.done @!p0 $0x0  }
0x5a: {  	[sflag:s6] =	ssyncadd.s32 @!p0 $0xFFFFFC00  }
0x5b: {  	_ =	swait.ge @!p0 [sflag:s6], $0x400  }
0x5c: {  	[sflag:s6] =	ssyncset.done @!p0 $0x0  }
0x5d: {  	[sflag:s6] =	ssyncadd.s32 @!p0 $0xFFFFFC00  }
0x5e: {  	_ =	swait.ge @!p0 [sflag:s6], $0x400  }
0x5f: {  	[sflag:s6] =	ssyncset.done @!p0 $0x0  }
0x60: {  	[sflag:s6] =	ssyncadd.s32 @!p0 $0xFFFFFC00  }
0x61: {  	s14 =	simm.s32 $0x0;
	_ =	swait.ge @!p0 [sflag:s6], $0x400  }
0x62: {  	s18 =	simm.s32 $0x1;
	s15 =	simm.s32 $0x2;
	[sflag:s6] =	ssyncset.done @!p0 $0x0  }
0x63: {  	s21 =	simm.s32 $0x3;
	v33 =	vmov s14;
	v34 =	vmov s18;
	v35 =	vmov s15;
	s15 =	simm.s32 $0x4;
	[sflag:s6] =	ssyncadd.s32 @!p0 $0xFFFFFC00  }
0x64: {  	s18 =	simm.s32 $0x7;
	v36 =	vmov s21;
	s21 =	simm.s32 $0x5;
	v33 =	vshrl.u32 v33, $0x3;
	v37 =	vmov s15;
	_ =	swait.ge @!p0 [sflag:s6], $0x400  }
0x65: {  	v38 =	vmov s18;
	v39 =	vmov s21;
	v34 =	vshrl.u32 v34, $0x3;
	[sflag:s6] =	ssyncset.done @!p0 $0x0  }
0x66: {  	s18 =	simm.s32 $0x6;
	v35 =	vshrl.u32 v35, $0x3;
	v36 =	vshrl.u32 v36, $0x3;
	v38 =	vshrl.u32 v38, $0x3;
	[sflag:s6] =	ssyncadd.s32 @!p0 $0xFFFFFC00  }
0x67: {  	v33 =	vshll.u32 v33, v1;
	v40 =	vmov s18;
	v38 =	vshll.u32 v38, v1;
	_ =	swait.ge @!p0 [sflag:s6], $0x400  }
0x68: {  	v37 =	vshrl.u32 v37, $0x3;
	v34 =	vshll.u32 v34, v1;
	v38 =	vbroadcast v38, $0x0;
	[sflag:s6] =	ssyncset.done @!p0 $0x0  }
0x69: {  	s14 =	simm.s32 $0x6500;
	v51 =	vshll.u32 v35, v1;
	v52 =	vshll.u32 v36, v1;
	v33 =	vbroadcast v33, $0x0;
	[sflag:s6] =	ssyncadd.s32 @!p0 $0xFFFFFC00  }
0x6a: {  	v55 =	vshrl.u32 v39, $0x3;
	v47 =	vbroadcast v34, $0x0;
	v42 =	vadd.s32 v29, v38;
	v41 =	vld [tilespmem:s14+$0xC0]  }
0x6b: {  	v53 =	vbroadcast v51, $0x0;
	v35 =	vbroadcast v52, $0x0;
	v44 =	vadd.s32 v0, v33;
	v43 =	vld [tilespmem:s14+$0xFFFFFF00]  }
0x6c: {  	v54 =	vshll.u32 v37, v1;
	v36 =	vshll.u32 v55, v1;
	v46 =	vadd.s32 v5, v47;
	v45 =	vld [tilespmem:s14+$0xFFFFFF40]  }
0x6d: {  	v40 =	vshrl.u32 v40, $0x3;
	v34 =	vbroadcast v54, $0x0;
	v49 =	vadd.s32 v9, v53;
	v48 =	vld [tilespmem:s14+$0xFFFFFF80]  }
0x6e: {  	v37 =	vbroadcast v36, $0x0;
	v56 =	vshll.u32 v40, v1;
	v50 =	vadd.s32 v13, v35;
	v39 =	vld [tilespmem:s14+$0xFFFFFFC0]  }
0x6f: {  	v36 =	vbroadcast v56, $0x0;
	v52 =	vadd.s32 v17, v34;
	v51 =	vld [tilespmem:s14+$0x0];
	[tilespmem:v42+s20+$0x0] =	vst.idx.msk $0xffff, v41  }
0x70: {  	v60 =	vadd.s32 v21, v37;
	v59 =	vld [tilespmem:s14+$0x40];
	[tilespmem:v44+s20+$0x0] =	vst.idx.msk $0xffff, v43  }
0x71: {  	v62 =	vadd.s32 v25, v36;
	v61 =	vld [tilespmem:s14+$0x80];
	[tilespmem:v46+s20+$0x0] =	vst.idx.msk $0xffff, v45  }
0x72: {  	v58 =	vadd.s32 v30, v38;
	[tilespmem:v49+s20+$0x0] =	vst.idx.msk $0xffff, v48;
	v57 =	vld [tilespmem:s14+$0xD0]  }
0x73: {  	v63 =	vadd.s32 v6, v47;
	[tilespmem:v50+s20+$0x0] =	vst.idx.msk $0xffff, v39;
	v46 =	vld [tilespmem:s14+$0xFFFFFF50]  }
0x74: {  	v55 =	vadd.s32 v10, v53;
	[tilespmem:v52+s20+$0x0] =	vst.idx.msk $0xffff, v51;
	v54 =	vld [tilespmem:s14+$0xFFFFFF90]  }
0x75: {  	v56 =	vadd.s32 v14, v35;
	[tilespmem:v60+s20+$0x0] =	vst.idx.msk $0xffff, v59;
	v50 =	vld [tilespmem:s14+$0xFFFFFFD0]  }
0x76: {  	[tilespmem:v62+s20+$0x0] =	vst.idx.msk $0xffff, v61;
	v45 =	vadd.s32 v22, v37;
	v44 =	vld [tilespmem:s14+$0x50]  }
0x77: {  	v59 =	vadd.s32 v18, v34;
	[tilespmem:v58+s20+$0x0] =	vst.idx.msk $0xffff, v57;
	v58 =	vld [tilespmem:s14+$0x10]  }
0x78: {  	v57 =	vadd.s32 v31, v38;
	[tilespmem:v63+s20+$0x0] =	vst.idx.msk $0xffff, v46;
	v40 =	vld [tilespmem:s14+$0xE0]  }
0x79: {  	v62 =	vadd.s32 v2, v33;
	v61 =	vld [tilespmem:s14+$0xFFFFFF10];
	[tilespmem:v55+s20+$0x0] =	vst.idx.msk $0xffff, v54  }
0x7a: {  	v60 =	vadd.s32 v26, v36;
	v63 =	vld [tilespmem:s14+$0x90];
	[tilespmem:v56+s20+$0x0] =	vst.idx.msk $0xffff, v50  }
0x7b: {  	v51 =	vadd.s32 v7, v47;
	[tilespmem:v45+s20+$0x0] =	vst.idx.msk $0xffff, v44;
	v50 =	vld [tilespmem:s14+$0xFFFFFF60]  }
0x7c: {  	v56 =	vadd.s32 v11, v53;
	v55 =	vld [tilespmem:s14+$0xFFFFFFA0];
	[tilespmem:v59+s20+$0x0] =	vst.idx.msk $0xffff, v58  }
0x7d: {  	v58 =	vadd.s32 v15, v35;
	[tilespmem:v57+s20+$0x0] =	vst.idx.msk $0xffff, v40;
	v57 =	vld [tilespmem:s14+$0xFFFFFFE0]  }
0x7e: {  	v38 =	vadd.s32 v32, v38;
	[tilespmem:v62+s20+$0x0] =	vst.idx.msk $0xffff, v61;
	v54 =	vld [tilespmem:s14+$0xF0]  }
0x7f: {  	s15 =	simm.s32 $0x9;
	[tilespmem:v60+s20+$0x0] =	vst.idx.msk $0xffff, v63;
	v60 =	vadd.s32 v19, v34;
	v59 =	vld [tilespmem:s14+$0x20]  }
0x80: {  	s21 =	simm.s32 $0x8;
	v41 =	vadd.s32 v23, v37;
	v52 =	vmov s15;
	[tilespmem:v51+s20+$0x0] =	vst.idx.msk $0xffff, v50;
	v40 =	vld [tilespmem:s14+$0x60]  }
0x81: {  	v43 =	vadd.s32 v27, v36;
	s15 =	simm.s32 $0xC;
	v48 =	vadd.s32 v3, v33;
	v63 =	vmov s21;
	v42 =	vld [tilespmem:s14+$0xA0];
	[tilespmem:v56+s20+$0x0] =	vst.idx.msk $0xffff, v55  }
0x82: {  	s18 =	simm.s32 $0xA;
	v46 =	vmov s15;
	v53 =	vadd.s32 v12, v53;
	v45 =	vld [tilespmem:s14+$0xFFFFFF20];
	s21 =	simm.s32 $0xB;
	v39 =	vshrl.u32 v63, $0x3;
	[tilespmem:v58+s20+$0x0] =	vst.idx.msk $0xffff, v57  }
0x83: {  	v44 =	vmov s21;
	s21 =	simm.s32 $0xE;
	v51 =	vadd.s32 v8, v47;
	v49 =	vld [tilespmem:s14+$0xFFFFFF70];
	[tilespmem:v38+s20+$0x0] =	vst.idx.msk $0xffff, v54;
	v54 =	vmov s18;
	s18 =	simm.s32 $0xD  }
0x84: {  	s6 =	sshll.u32 s1, $0x1;
	s15 =	simm.s32 $0x10;
	v47 =	vshll.u32 v39, v1;
	v39 =	vmov s21;
	v50 =	vld [tilespmem:s14+$0xFFFFFFB0];
	[tilespmem:v60+s20+$0x0] =	vst.idx.msk $0xffff, v59;
	v38 =	vmov s18;
	s18 =	simm.s32 $0xF  }
.LBB2_3:
0x85: {  	p1 =	slt.u32 s15, $0x78;
	v52 =	vshrl.u32 v52, $0x3;
	v55 =	vmov s18;
	v56 =	vld [tilespmem:s14+$0xFFFFFFF0];
	v35 =	vadd.s32 v16, v35;
	[tilespmem:v41+s20+$0x0] =	vst.idx.msk $0xffff, v40  }
0x86: {  	v40 =	vshrl.u32 v54, $0x3;
	v34 =	vadd.s32 v20, v34;
	v41 =	vshrl.u32 v55, $0x3;
	v54 =	vld [tilespmem:s14+$0x30];
	[tilespmem:v43+s20+$0x0] =	vst.idx.msk $0xffff, v42  }
0x87: {  	v37 =	vadd.s32 v24, v37;
	v42 =	vshrl.u32 v44, $0x3;
	v41 =	vshll.u32 v41, v1;
	[tilespmem:v48+s20+$0x0] =	vst.idx.msk $0xffff, v45;
	v43 =	vld [tilespmem:s14+$0x70]  }
0x88: {  	v36 =	vadd.s32 v28, v36;
	v44 =	vshrl.u32 v46, $0x3;
	v41 =	vbroadcast v41, $0x0;
	[tilespmem:v51+s20+$0x0] =	vst.idx.msk $0xffff, v49;
	v45 =	vld [tilespmem:s14+$0xB0]  }
0x89: {  	v46 =	vshll.u32 v52, v1;
	v49 =	vadd.s32 v4, v33;
	v33 =	vbroadcast v47, $0x0;
	v48 =	vld [tilespmem:s14+$0xFFFFFF30];
	[tilespmem:v53+s20+$0x0] =	vst.idx.msk $0xffff, v50;
	s14 =	sadd.s32 $0x200, s14  }
0x8a: {  	v40 =	vshll.u32 v40, v1;
	v47 =	vbroadcast v46, $0x0;
	v46 =	vld [tilespmem:s14+$0xC0];
	v50 =	vadd.s32 v29, v41;
	[tilespmem:v35+s20+$0x0] =	vst.idx.msk $0xffff, v56  }
0x8b: {  	v53 =	vbroadcast v40, $0x0;
	v52 =	vadd.s32 v0, v33;
	v35 =	vshll.u32 v42, v1;
	v51 =	vld [tilespmem:s14+$0xFFFFFF00];
	[tilespmem:v34+s20+$0x0] =	vst.idx.msk $0xffff, v54  }
0x8c: {  	v42 =	vadd.s32 v5, v47;
	v35 =	vbroadcast v35, $0x0;
	v34 =	vshll.u32 v44, v1;
	v40 =	vld [tilespmem:s14+$0xFFFFFF40];
	[tilespmem:v37+s20+$0x0] =	vst.idx.msk $0xffff, v43  }
0x8d: {  	v44 =	vadd.s32 v9, v53;
	v34 =	vbroadcast v34, $0x0;
	v37 =	vshrl.u32 v38, $0x3;
	v43 =	vld [tilespmem:s14+$0xFFFFFF80];
	[tilespmem:v36+s20+$0x0] =	vst.idx.msk $0xffff, v45  }
0x8e: {  	v39 =	vshrl.u32 v39, $0x3;
	v45 =	vadd.s32 v13, v35;
	v36 =	vshll.u32 v37, v1;
	v38 =	vld [tilespmem:s14+$0xFFFFFFC0];
	[tilespmem:v49+s20+$0x0] =	vst.idx.msk $0xffff, v48  }
0x8f: {  	v49 =	vadd.s32 v17, v34;
	v37 =	vbroadcast v36, $0x0;
	v36 =	vshll.u32 v39, v1;
	v48 =	vld [tilespmem:s14+$0x0];
	[tilespmem:v50+s20+$0x0] =	vst.idx.msk $0xffff, v46  }
0x90: {  	v36 =	vbroadcast v36, $0x0;
	v46 =	vadd.s32 v30, v41;
	[tilespmem:v52+s20+$0x0] =	vst.idx.msk $0xffff, v51;
	v39 =	vld [tilespmem:s14+$0xD0]  }
0x91: {  	[tilespmem:v42+s20+$0x0] =	vst.idx.msk $0xffff, v40;
	v40 =	vld [tilespmem:s14+$0x40];
	v42 =	vadd.s32 v21, v37  }
0x92: {  	[tilespmem:v44+s20+$0x0] =	vst.idx.msk $0xffff, v43;
	v43 =	vld [tilespmem:s14+$0x80];
	v44 =	vadd.s32 v25, v36  }
0x93: {  	v51 =	vadd.s32 v6, v47;
	v50 =	vld [tilespmem:s14+$0xFFFFFF50];
	[tilespmem:v45+s20+$0x0] =	vst.idx.msk $0xffff, v38  }
0x94: {  	v45 =	vadd.s32 v10, v53;
	v38 =	vld [tilespmem:s14+$0xFFFFFF90];
	[tilespmem:v49+s20+$0x0] =	vst.idx.msk $0xffff, v48  }
0x95: {  	v49 =	vadd.s32 v14, v35;
	v48 =	vld [tilespmem:s14+$0xFFFFFFD0];
	[tilespmem:v46+s20+$0x0] =	vst.idx.msk $0xffff, v39  }
0x96: {  	[tilespmem:v42+s20+$0x0] =	vst.idx.msk $0xffff, v40;
	v39 =	vld [tilespmem:s14+$0xE0];
	v40 =	vadd.s32 v31, v41  }
0x97: {  	v46 =	vadd.s32 v18, v34;
	v42 =	vld [tilespmem:s14+$0x10];
	[tilespmem:v44+s20+$0x0] =	vst.idx.msk $0xffff, v43  }
0x98: {  	v44 =	vadd.s32 v22, v37;
	[tilespmem:v51+s20+$0x0] =	vst.idx.msk $0xffff, v50;
	v43 =	vld [tilespmem:s14+$0x50]  }
0x99: {  	[tilespmem:v45+s20+$0x0] =	vst.idx.msk $0xffff, v38;
	v38 =	vld [tilespmem:s14+$0x90];
	v45 =	vadd.s32 v26, v36  }
0x9a: {  	v51 =	vadd.s32 v2, v33;
	v50 =	vld [tilespmem:s14+$0xFFFFFF10];
	[tilespmem:v49+s20+$0x0] =	vst.idx.msk $0xffff, v48  }
0x9b: {  	v49 =	vadd.s32 v7, v47;
	v48 =	vld [tilespmem:s14+$0xFFFFFF60];
	[tilespmem:v40+s20+$0x0] =	vst.idx.msk $0xffff, v39  }
0x9c: {  	[tilespmem:v46+s20+$0x0] =	vst.idx.msk $0xffff, v42;
	v39 =	vld [tilespmem:s14+$0xF0];
	v46 =	vadd.s32 v32, v41  }
0x9d: {  	v56 =	vadd.s32 v11, v53;
	v55 =	vld [tilespmem:s14+$0xFFFFFFA0];
	[tilespmem:v44+s20+$0x0] =	vst.idx.msk $0xffff, v43  }
0x9e: {  	v58 =	vadd.s32 v15, v35;
	v57 =	vld [tilespmem:s14+$0xFFFFFFE0];
	[tilespmem:v45+s20+$0x0] =	vst.idx.msk $0xffff, v38  }
0x9f: {  	v60 =	vadd.s32 v19, v34;
	[tilespmem:v51+s20+$0x0] =	vst.idx.msk $0xffff, v50;
	v59 =	vld [tilespmem:s14+$0x20]  }
.Ltmp2:
0xa0: {  	s18 =	sadd.s32 $0x1, s15;
	v41 =	vadd.s32 v23, v37;
	v38 =	vmov s15;
	[tilespmem:v49+s20+$0x0] =	vst.idx.msk $0xffff, v48;
	v40 =	vld [tilespmem:s14+$0x60];
	(pc) =	sbr.rel @p1 .LBB2_3-.Ltmp2, $4  }
0xa1: {  	s21 =	sadd.s32 $0x3, s15;
	v52 =	vmov s18;
	s18 =	sadd.s32 $0x2, s15;
	v43 =	vadd.s32 v27, v36;
	v50 =	vshrl.u32 v38, $0x3;
	v42 =	vld [tilespmem:s14+$0xA0];
	[tilespmem:v46+s20+$0x0] =	vst.idx.msk $0xffff, v39  }
0xa2: {  	v54 =	vmov s18;
	s18 =	sadd.s32 $0x4, s15;
	v44 =	vmov s21;
	s21 =	sadd.s32 $0x5, s15;
	v48 =	vadd.s32 v3, v33;
	v45 =	vld [tilespmem:s14+$0xFFFFFF20];
	[tilespmem:v56+s20+$0x0] =	vst.idx.msk $0xffff, v55  }
0xa3: {  	v38 =	vmov s21;
	v51 =	vadd.s32 v8, v47;
	v46 =	vmov s18;
	s18 =	sadd.s32 $0x6, s15;
	v49 =	vld [tilespmem:s14+$0xFFFFFF70];
	[tilespmem:v58+s20+$0x0] =	vst.idx.msk $0xffff, v57  }
0xa4: {  	v53 =	vadd.s32 v12, v53;
	v47 =	vshll.u32 v50, v1;
	v39 =	vmov s18;
	s18 =	sadd.s32 $0x7, s15;
	s15 =	sadd.s32 $0x8, s15;
	v50 =	vld [tilespmem:s14+$0xFFFFFFB0];
	[tilespmem:v60+s20+$0x0] =	vst.idx.msk $0xffff, v59  }
0xa5: {  	_ =	sdelay $0x2  }
0xa6: {  	v52 =	vshrl.u32 v52, $0x3  }
0xa7: {  	v55 =	vmov s18;
	v56 =	vld [tilespmem:s14+$0xFFFFFFF0];
	v35 =	vadd.s32 v16, v35;
	[tilespmem:v41+s20+$0x0] =	vst.idx.msk $0xffff, v40;
	v34 =	vadd.s32 v20, v34  }
0xa8: {  	v61 =	vshrl.u32 v54, $0x3;
	v63 =	vld [tilespmem:s14+$0x30];
	v37 =	vadd.s32 v24, v37;
	v36 =	vadd.s32 v28, v36;
	[tilespmem:v43+s20+$0x0] =	vst.idx.msk $0xffff, v42  }
0xa9: {  	v33 =	vadd.s32 v4, v33;
	v62 =	vshrl.u32 v55, $0x3;
	v55 =	vshrl.u32 v44, $0x3;
	v43 =	vld [tilespmem:s14+$0x70];
	[tilespmem:v48+s20+$0x0] =	vst.idx.msk $0xffff, v45  }
0xaa: {  	v44 =	vshrl.u32 v46, $0x3;
	v46 =	vbroadcast v47, $0x0;
	v41 =	vshll.u32 v62, v1;
	v45 =	vld [tilespmem:s14+$0xB0];
	[tilespmem:v51+s20+$0x0] =	vst.idx.msk $0xffff, v49  }
0xab: {  	s15 =	sadd.s32 $0x200, s14;
	v38 =	vshrl.u32 v38, $0x3;
	v40 =	vshll.u32 v61, v1;
	v41 =	vbroadcast v41, $0x0;
	v48 =	vld [tilespmem:s14+$0xFFFFFF30];
	[tilespmem:v53+s20+$0x0] =	vst.idx.msk $0xffff, v50  }
0xac: {  	v57 =	vshll.u32 v52, v1;
	v60 =	vld [tilespmem:s15+$0xFFFFFF00];
	v40 =	vbroadcast v40, $0x0;
	v61 =	vadd.s32 v0, v46;
	[tilespmem:v35+s20+$0x0] =	vst.idx.msk $0xffff, v56  }
0xad: {  	v58 =	vld [tilespmem:s15+$0xC0];
	v47 =	vbroadcast v57, $0x0;
	v42 =	vshll.u32 v55, v1;
	v59 =	vadd.s32 v29, v41;
	[tilespmem:v34+s20+$0x0] =	vst.idx.msk $0xffff, v63  }
0xae: {  	v54 =	vld [tilespmem:s15+$0xFFFFFF80];
	v44 =	vshll.u32 v44, v1;
	v42 =	vbroadcast v42, $0x0;
	v55 =	vadd.s32 v9, v40;
	[tilespmem:v37+s20+$0x0] =	vst.idx.msk $0xffff, v43  }
0xaf: {  	v38 =	vshll.u32 v38, v1;
	v62 =	vld [tilespmem:s15+$0xFFFFFF40];
	v44 =	vbroadcast v44, $0x0;
	v63 =	vadd.s32 v5, v47;
	[tilespmem:v36+s20+$0x0] =	vst.idx.msk $0xffff, v45  }
0xb0: {  	v39 =	vshrl.u32 v39, $0x3;
	v38 =	vbroadcast v38, $0x0;
	v36 =	vld [tilespmem:s15+$0xFFFFFFC0];
	v45 =	vadd.s32 v13, v42;
	[tilespmem:v33+s20+$0x0] =	vst.idx.msk $0xffff, v48  }
0xb1: {  	v39 =	vshll.u32 v39, v1;
	v33 =	vld [tilespmem:s15+$0x0];
	v48 =	vadd.s32 v17, v44;
	[tilespmem:v61+s20+$0x0] =	vst.idx.msk $0xffff, v60  }
0xb2: {  	v35 =	vbroadcast v39, $0x0;
	[tilespmem:v59+s20+$0x0] =	vst.idx.msk $0xffff, v58;
	v58 =	vld [tilespmem:s15+$0x40];
	v59 =	vadd.s32 v21, v38  }
0xb3: {  	v57 =	vadd.s32 v30, v41;
	[tilespmem:v55+s20+$0x0] =	vst.idx.msk $0xffff, v54;
	v56 =	vld [tilespmem:s15+$0xD0]  }
0xb4: {  	v60 =	vld [tilespmem:s15+$0x80];
	v61 =	vadd.s32 v25, v35;
	[tilespmem:v63+s20+$0x0] =	vst.idx.msk $0xffff, v62  }
0xb5: {  	v55 =	vadd.s32 v10, v40;
	v54 =	vld [tilespmem:s15+$0xFFFFFF90];
	[tilespmem:v45+s20+$0x0] =	vst.idx.msk $0xffff, v36  }
0xb6: {  	v63 =	vadd.s32 v6, v47;
	v62 =	vld [tilespmem:s15+$0xFFFFFF50];
	[tilespmem:v48+s20+$0x0] =	vst.idx.msk $0xffff, v33  }
0xb7: {  	v33 =	vld [tilespmem:s15+$0xFFFFFFD0];
	v48 =	vadd.s32 v14, v42;
	[tilespmem:v59+s20+$0x0] =	vst.idx.msk $0xffff, v58  }
0xb8: {  	[tilespmem:v57+s20+$0x0] =	vst.idx.msk $0xffff, v56;
	v56 =	vld [tilespmem:s15+$0x10];
	v57 =	vadd.s32 v18, v44  }
0xb9: {  	[tilespmem:v61+s20+$0x0] =	vst.idx.msk $0xffff, v60;
	v59 =	vadd.s32 v22, v38;
	v58 =	vld [tilespmem:s15+$0x50]  }
0xba: {  	v39 =	vadd.s32 v31, v41;
	[tilespmem:v55+s20+$0x0] =	vst.idx.msk $0xffff, v54;
	v34 =	vld [tilespmem:s15+$0xE0]  }
0xbb: {  	v61 =	vadd.s32 v26, v35;
	v60 =	vld [tilespmem:s15+$0x90];
	[tilespmem:v63+s20+$0x0] =	vst.idx.msk $0xffff, v62  }
0xbc: {  	v62 =	vld [tilespmem:s15+$0xFFFFFF10];
	v63 =	vadd.s32 v2, v46;
	[tilespmem:v48+s20+$0x0] =	vst.idx.msk $0xffff, v33  }
0xbd: {  	v55 =	vadd.s32 v7, v47;
	v54 =	vld [tilespmem:s15+$0xFFFFFF60];
	[tilespmem:v57+s20+$0x0] =	vst.idx.msk $0xffff, v56  }
0xbe: {  	v56 =	vadd.s32 v32, v41;
	v41 =	vld [tilespmem:s15+$0xFFFFFFA0];
	v57 =	vadd.s32 v11, v40;
	[tilespmem:v59+s20+$0x0] =	vst.idx.msk $0xffff, v58  }
0xbf: {  	v37 =	vld [tilespmem:s15+$0xFFFFFFE0];
	v58 =	vadd.s32 v15, v42;
	[tilespmem:v39+s20+$0x0] =	vst.idx.msk $0xffff, v34  }
0xc0: {  	[tilespmem:v61+s20+$0x0] =	vst.idx.msk $0xffff, v60;
	v34 =	vld [tilespmem:s15+$0xF0]  }
0xc1: {  	v60 =	vadd.s32 v19, v44;
	[tilespmem:v63+s20+$0x0] =	vst.idx.msk $0xffff, v62;
	v59 =	vld [tilespmem:s15+$0x20]  }
0xc2: {  	v62 =	vadd.s32 v23, v38;
	[tilespmem:v55+s20+$0x0] =	vst.idx.msk $0xffff, v54;
	v61 =	vld [tilespmem:s15+$0x60]  }
0xc3: {  	v63 =	vld [tilespmem:s15+$0xA0];
	v54 =	vadd.s32 v27, v35;
	[tilespmem:v57+s20+$0x0] =	vst.idx.msk $0xffff, v41  }
0xc4: {  	v47 =	vadd.s32 v8, v47;
	v57 =	vld [tilespmem:s15+$0xFFFFFF70];
	[tilespmem:v58+s20+$0x0] =	vst.idx.msk $0xffff, v37  }
0xc5: {  	v55 =	vld [tilespmem:s15+$0xFFFFFF20];
	[tilespmem:v56+s20+$0x0] =	vst.idx.msk $0xffff, v34;
	v56 =	vadd.s32 v3, v46  }
0xc6: {  	v40 =	vadd.s32 v12, v40;
	v58 =	vld [tilespmem:s15+$0xFFFFFFB0];
	[tilespmem:v60+s20+$0x0] =	vst.idx.msk $0xffff, v59  }
0xc7: {  	v42 =	vadd.s32 v16, v42;
	v59 =	vld [tilespmem:s15+$0xFFFFFFF0];
	[tilespmem:v62+s20+$0x0] =	vst.idx.msk $0xffff, v61  }
0xc8: {  	v61 =	vadd.s32 v20, v44;
	[tilespmem:v54+s20+$0x0] =	vst.idx.msk $0xffff, v63;
	v60 =	vld [tilespmem:s15+$0x30]  }
0xc9: {  	v38 =	vadd.s32 v24, v38;
	v62 =	vld [tilespmem:s15+$0x70];
	[tilespmem:v47+s20+$0x0] =	vst.idx.msk $0xffff, v57  }
0xca: {  	v35 =	vadd.s32 v28, v35;
	v63 =	vld [tilespmem:s15+$0xB0];
	[tilespmem:v56+s20+$0x0] =	vst.idx.msk $0xffff, v55  }
0xcb: {  	v49 =	vadd.s32 v4, v46;
	[tilespmem:v40+s20+$0x0] =	vst.idx.msk $0xffff, v58;
	v48 =	vld [tilespmem:s15+$0xFFFFFF30]  }
0xcc: {  	s18 =	sadd.s32 s5, s6;
	[tilespmem:v42+s20+$0x0] =	vst.idx.msk $0xffff, v59  }
0xcd: {  	s14 =	sshll.u32 s18, $0x7;
	[tilespmem:v61+s20+$0x0] =	vst.idx.msk $0xffff, v60;
	s15 =	sshll.u32 s18, $0xA  }
0xce: {  	s14 =	sand.u32 $0x3F00, s14;
	[tilespmem:v38+s20+$0x0] =	vst.idx.msk $0xffff, v62;
	s15 =	sand.u32 $0x1FFE0000, s15  }
0xcf: {  	[tilespmem:v35+s20+$0x0] =	vst.idx.msk $0xffff, v63;
	s14 =	sor.u32 s14, s15  }
0xd0: {  	s15 =	sadd.s32 s2, s14;
	[tilespmem:v49+s20+$0x0] =	vst.idx.msk $0xffff, v48  }
0xd1: {  	[hbm4b:s15+s3] =	stream.linear.scatter [tilespmem:s20], [sflag:$0x3], $0x80, $0x38;
	[tilespmem:$0xE800] =	vst v63  }
0xd2: {  	s21 =	simm.s32 $0xA488;
	s18 =	sadd.s32 $0x10, s15  }
0xd3: {  	[hbm4b:s18+s3] =	stream.linear.scatter [tilespmem:s21], [sflag:$0x3], $0x80, $0x38;
	[tilespmem:$0xE800] =	vst v63  }
0xd4: {  	s18 =	sadd.s32 $0x20, s15;
	s21 =	simm.s32 $0xA510  }
0xd5: {  	[hbm4b:s18+s3] =	stream.linear.scatter [tilespmem:s21], [sflag:$0x3], $0x80, $0x38;
	[tilespmem:$0xE800] =	vst v63  }
0xd6: {  	s18 =	sadd.s32 $0x30, s15;
	s21 =	simm.s32 $0xA598  }
0xd7: {  	[hbm4b:s18+s3] =	stream.linear.scatter [tilespmem:s21], [sflag:$0x3], $0x80, $0x38;
	[tilespmem:$0xE800] =	vst v63  }
0xd8: {  	s18 =	sadd.s32 $0x40, s15;
	s21 =	simm.s32 $0xA620  }
0xd9: {  	[hbm4b:s18+s3] =	stream.linear.scatter [tilespmem:s21], [sflag:$0x3], $0x80, $0x38;
	[tilespmem:$0xE800] =	vst v63  }
0xda: {  	s18 =	sadd.s32 $0x50, s15;
	s21 =	simm.s32 $0xA6A8  }
0xdb: {  	[hbm4b:s18+s3] =	stream.linear.scatter [tilespmem:s21], [sflag:$0x3], $0x80, $0x38;
	[tilespmem:$0xE800] =	vst v63  }
0xdc: {  	s18 =	sadd.s32 $0x60, s15;
	s21 =	simm.s32 $0xA730  }
0xdd: {  	[hbm4b:s18+s3] =	stream.linear.scatter [tilespmem:s21], [sflag:$0x3], $0x80, $0x38;
	[tilespmem:$0xE800] =	vst v63  }
0xde: {  	s15 =	sadd.s32 $0x70, s15;
	s21 =	simm.s32 $0xA7B8  }
0xdf: {  	[hbm4b:s15+s3] =	stream.linear.scatter [tilespmem:s21], [sflag:$0x3], $0x80, $0x38;
	[tilespmem:$0xE800] =	vst v63  }
0xe0: {  	s15 =	sadd.s32 s14, s7;
	s21 =	simm.s32 $0xA840  }
0xe1: {  	[hbm4b:s15+s3] =	stream.linear.scatter [tilespmem:s21], [sflag:$0x3], $0x80, $0x38;
	[tilespmem:$0xE800] =	vst v63  }
0xe2: {  	s18 =	sadd.s32 $0x10, s15;
	s21 =	simm.s32 $0xA8C8  }
0xe3: {  	[hbm4b:s18+s3] =	stream.linear.scatter [tilespmem:s21], [sflag:$0x3], $0x80, $0x38;
	[tilespmem:$0xE800] =	vst v63  }
0xe4: {  	s18 =	sadd.s32 $0x20, s15;
	s21 =	simm.s32 $0xA950  }
0xe5: {  	[hbm4b:s18+s3] =	stream.linear.scatter [tilespmem:s21], [sflag:$0x3], $0x80, $0x38;
	[tilespmem:$0xE800] =	vst v63  }
0xe6: {  	s18 =	sadd.s32 $0x30, s15;
	s21 =	simm.s32 $0xA9D8  }
0xe7: {  	[hbm4b:s18+s3] =	stream.linear.scatter [tilespmem:s21], [sflag:$0x3], $0x80, $0x38;
	[tilespmem:$0xE800] =	vst v63  }
0xe8: {  	s18 =	sadd.s32 $0x40, s15;
	s21 =	simm.s32 $0xAA60  }
0xe9: {  	[hbm4b:s18+s3] =	stream.linear.scatter [tilespmem:s21], [sflag:$0x3], $0x80, $0x38;
	[tilespmem:$0xE800] =	vst v63  }
0xea: {  	s18 =	sadd.s32 $0x50, s15;
	s21 =	simm.s32 $0xAAE8  }
0xeb: {  	[hbm4b:s18+s3] =	stream.linear.scatter [tilespmem:s21], [sflag:$0x3], $0x80, $0x38;
	[tilespmem:$0xE800] =	vst v63  }
0xec: {  	s18 =	sadd.s32 $0x60, s15;
	s21 =	simm.s32 $0xAB70  }
0xed: {  	[hbm4b:s18+s3] =	stream.linear.scatter [tilespmem:s21], [sflag:$0x3], $0x80, $0x38;
	[tilespmem:$0xE800] =	vst v63  }
0xee: {  	s15 =	sadd.s32 $0x70, s15;
	s21 =	simm.s32 $0xABF8  }
0xef: {  	[hbm4b:s15+s3] =	stream.linear.scatter [tilespmem:s21], [sflag:$0x3], $0x80, $0x38;
	[tilespmem:$0xE800] =	vst v63  }
0xf0: {  	s15 =	sadd.s32 s14, s8;
	s21 =	simm.s32 $0xAC80  }
0xf1: {  	[hbm4b:s15+s3] =	stream.linear.scatter [tilespmem:s21], [sflag:$0x3], $0x80, $0x38;
	[tilespmem:$0xE800] =	vst v63  }
0xf2: {  	s18 =	sadd.s32 $0x10, s15;
	s21 =	simm.s32 $0xAD08  }
0xf3: {  	[hbm4b:s18+s3] =	stream.linear.scatter [tilespmem:s21], [sflag:$0x3], $0x80, $0x38;
	[tilespmem:$0xE800] =	vst v63  }
0xf4: {  	s18 =	sadd.s32 $0x20, s15;
	s21 =	simm.s32 $0xAD90  }
0xf5: {  	[hbm4b:s18+s3] =	stream.linear.scatter [tilespmem:s21], [sflag:$0x3], $0x80, $0x38;
	[tilespmem:$0xE800] =	vst v63  }
0xf6: {  	s18 =	sadd.s32 $0x30, s15;
	s21 =	simm.s32 $0xAE18  }
0xf7: {  	[hbm4b:s18+s3] =	stream.linear.scatter [tilespmem:s21], [sflag:$0x3], $0x80, $0x38;
	[tilespmem:$0xE800] =	vst v63  }
0xf8: {  	s18 =	sadd.s32 $0x40, s15;
	s21 =	simm.s32 $0xAEA0  }
0xf9: {  	[hbm4b:s18+s3] =	stream.linear.scatter [tilespmem:s21], [sflag:$0x3], $0x80, $0x38;
	[tilespmem:$0xE800] =	vst v63  }
0xfa: {  	s18 =	sadd.s32 $0x50, s15;
	s21 =	simm.s32 $0xAF28  }
0xfb: {  	[hbm4b:s18+s3] =	stream.linear.scatter [tilespmem:s21], [sflag:$0x3], $0x80, $0x38;
	[tilespmem:$0xE800] =	vst v63  }
0xfc: {  	s18 =	sadd.s32 $0x60, s15;
	s21 =	simm.s32 $0xAFB0  }
0xfd: {  	[hbm4b:s18+s3] =	stream.linear.scatter [tilespmem:s21], [sflag:$0x3], $0x80, $0x38;
	[tilespmem:$0xE800] =	vst v63  }
0xfe: {  	s15 =	sadd.s32 $0x70, s15;
	s21 =	simm.s32 $0xB038  }
0xff: {  	[hbm4b:s15+s3] =	stream.linear.scatter [tilespmem:s21], [sflag:$0x3], $0x80, $0x38;
	[tilespmem:$0xE800] =	vst v63  }
0x100: {  	s15 =	sadd.s32 s14, s9;
	s21 =	simm.s32 $0xB0C0  }
0x101: {  	[hbm4b:s15+s3] =	stream.linear.scatter [tilespmem:s21], [sflag:$0x3], $0x80, $0x38;
	[tilespmem:$0xE800] =	vst v63  }
0x102: {  	s18 =	sadd.s32 $0x10, s15;
	s21 =	simm.s32 $0xB148  }
0x103: {  	[hbm4b:s18+s3] =	stream.linear.scatter [tilespmem:s21], [sflag:$0x3], $0x80, $0x38;
	[tilespmem:$0xE800] =	vst v63  }
0x104: {  	s18 =	sadd.s32 $0x20, s15;
	s21 =	simm.s32 $0xB1D0  }
0x105: {  	[hbm4b:s18+s3] =	stream.linear.scatter [tilespmem:s21], [sflag:$0x3], $0x80, $0x38;
	[tilespmem:$0xE800] =	vst v63  }
0x106: {  	s18 =	sadd.s32 $0x30, s15;
	s21 =	simm.s32 $0xB258  }
0x107: {  	[hbm4b:s18+s3] =	stream.linear.scatter [tilespmem:s21], [sflag:$0x3], $0x80, $0x38;
	[tilespmem:$0xE800] =	vst v63  }
0x108: {  	s18 =	sadd.s32 $0x40, s15;
	s21 =	simm.s32 $0xB2E0  }
0x109: {  	[hbm4b:s18+s3] =	stream.linear.scatter [tilespmem:s21], [sflag:$0x3], $0x80, $0x38;
	[tilespmem:$0xE800] =	vst v63  }
0x10a: {  	s18 =	sadd.s32 $0x50, s15;
	s21 =	simm.s32 $0xB368  }
0x10b: {  	[hbm4b:s18+s3] =	stream.linear.scatter [tilespmem:s21], [sflag:$0x3], $0x80, $0x38;
	[tilespmem:$0xE800] =	vst v63  }
0x10c: {  	s18 =	sadd.s32 $0x60, s15;
	s21 =	simm.s32 $0xB3F0  }
0x10d: {  	[hbm4b:s18+s3] =	stream.linear.scatter [tilespmem:s21], [sflag:$0x3], $0x80, $0x38;
	[tilespmem:$0xE800] =	vst v63  }
0x10e: {  	s15 =	sadd.s32 $0x70, s15;
	s21 =	simm.s32 $0xB478  }
0x10f: {  	[hbm4b:s15+s3] =	stream.linear.scatter [tilespmem:s21], [sflag:$0x3], $0x80, $0x38;
	[tilespmem:$0xE800] =	vst v63  }
0x110: {  	s15 =	sadd.s32 s14, s10;
	s21 =	simm.s32 $0xB500  }
0x111: {  	[hbm4b:s15+s3] =	stream.linear.scatter [tilespmem:s21], [sflag:$0x3], $0x80, $0x38;
	[tilespmem:$0xE800] =	vst v63  }
0x112: {  	s18 =	sadd.s32 $0x10, s15;
	s21 =	simm.s32 $0xB588  }
0x113: {  	[hbm4b:s18+s3] =	stream.linear.scatter [tilespmem:s21], [sflag:$0x3], $0x80, $0x38;
	[tilespmem:$0xE800] =	vst v63  }
0x114: {  	s18 =	sadd.s32 $0x20, s15;
	s21 =	simm.s32 $0xB610  }
0x115: {  	[hbm4b:s18+s3] =	stream.linear.scatter [tilespmem:s21], [sflag:$0x3], $0x80, $0x38;
	[tilespmem:$0xE800] =	vst v63  }
0x116: {  	s18 =	sadd.s32 $0x30, s15;
	s21 =	simm.s32 $0xB698  }
0x117: {  	[hbm4b:s18+s3] =	stream.linear.scatter [tilespmem:s21], [sflag:$0x3], $0x80, $0x38;
	[tilespmem:$0xE800] =	vst v63  }
0x118: {  	s18 =	sadd.s32 $0x40, s15;
	s21 =	simm.s32 $0xB720  }
0x119: {  	[hbm4b:s18+s3] =	stream.linear.scatter [tilespmem:s21], [sflag:$0x3], $0x80, $0x38;
	[tilespmem:$0xE800] =	vst v63  }
0x11a: {  	s18 =	sadd.s32 $0x50, s15;
	s21 =	simm.s32 $0xB7A8  }
0x11b: {  	[hbm4b:s18+s3] =	stream.linear.scatter [tilespmem:s21], [sflag:$0x3], $0x80, $0x38;
	[tilespmem:$0xE800] =	vst v63  }
0x11c: {  	s18 =	sadd.s32 $0x60, s15;
	s21 =	simm.s32 $0xB830  }
0x11d: {  	[hbm4b:s18+s3] =	stream.linear.scatter [tilespmem:s21], [sflag:$0x3], $0x80, $0x38;
	[tilespmem:$0xE800] =	vst v63  }
0x11e: {  	s15 =	sadd.s32 $0x70, s15;
	s21 =	simm.s32 $0xB8B8  }
0x11f: {  	[hbm4b:s15+s3] =	stream.linear.scatter [tilespmem:s21], [sflag:$0x3], $0x80, $0x38;
	[tilespmem:$0xE800] =	vst v63  }
0x120: {  	s15 =	sadd.s32 s14, s11;
	s21 =	simm.s32 $0xB940  }
0x121: {  	[hbm4b:s15+s3] =	stream.linear.scatter [tilespmem:s21], [sflag:$0x3], $0x80, $0x38;
	[tilespmem:$0xE800] =	vst v63  }
0x122: {  	s18 =	sadd.s32 $0x10, s15;
	s21 =	simm.s32 $0xB9C8  }
0x123: {  	[hbm4b:s18+s3] =	stream.linear.scatter [tilespmem:s21], [sflag:$0x3], $0x80, $0x38;
	[tilespmem:$0xE800] =	vst v63  }
0x124: {  	s18 =	sadd.s32 $0x20, s15;
	s21 =	simm.s32 $0xBA50  }
0x125: {  	[hbm4b:s18+s3] =	stream.linear.scatter [tilespmem:s21], [sflag:$0x3], $0x80, $0x38;
	[tilespmem:$0xE800] =	vst v63  }
0x126: {  	s18 =	sadd.s32 $0x30, s15;
	s21 =	simm.s32 $0xBAD8  }
0x127: {  	[hbm4b:s18+s3] =	stream.linear.scatter [tilespmem:s21], [sflag:$0x3], $0x80, $0x38;
	[tilespmem:$0xE800] =	vst v63  }
0x128: {  	s18 =	sadd.s32 $0x40, s15;
	s21 =	simm.s32 $0xBB60  }
0x129: {  	[hbm4b:s18+s3] =	stream.linear.scatter [tilespmem:s21], [sflag:$0x3], $0x80, $0x38;
	[tilespmem:$0xE800] =	vst v63  }
0x12a: {  	s18 =	sadd.s32 $0x50, s15;
	s21 =	simm.s32 $0xBBE8  }
0x12b: {  	[hbm4b:s18+s3] =	stream.linear.scatter [tilespmem:s21], [sflag:$0x3], $0x80, $0x38;
	[tilespmem:$0xE800] =	vst v63  }
0x12c: {  	s18 =	sadd.s32 $0x60, s15;
	s21 =	simm.s32 $0xBC70  }
0x12d: {  	[hbm4b:s18+s3] =	stream.linear.scatter [tilespmem:s21], [sflag:$0x3], $0x80, $0x38;
	[tilespmem:$0xE800] =	vst v63  }
0x12e: {  	s15 =	sadd.s32 $0x70, s15;
	s21 =	simm.s32 $0xBCF8  }
0x12f: {  	[hbm4b:s15+s3] =	stream.linear.scatter [tilespmem:s21], [sflag:$0x3], $0x80, $0x38;
	[tilespmem:$0xE800] =	vst v63  }
0x130: {  	s15 =	sadd.s32 s14, s12;
	s21 =	simm.s32 $0xBD80  }
0x131: {  	[hbm4b:s15+s3] =	stream.linear.scatter [tilespmem:s21], [sflag:$0x3], $0x80, $0x38;
	[tilespmem:$0xE800] =	vst v63  }
0x132: {  	s18 =	sadd.s32 $0x10, s15;
	s21 =	simm.s32 $0xBE08  }
0x133: {  	[hbm4b:s18+s3] =	stream.linear.scatter [tilespmem:s21], [sflag:$0x3], $0x80, $0x38;
	[tilespmem:$0xE800] =	vst v63  }
0x134: {  	s18 =	sadd.s32 $0x20, s15;
	s21 =	simm.s32 $0xBE90  }
0x135: {  	[hbm4b:s18+s3] =	stream.linear.scatter [tilespmem:s21], [sflag:$0x3], $0x80, $0x38;
	[tilespmem:$0xE800] =	vst v63  }
0x136: {  	s18 =	sadd.s32 $0x30, s15;
	s21 =	simm.s32 $0xBF18  }
0x137: {  	[hbm4b:s18+s3] =	stream.linear.scatter [tilespmem:s21], [sflag:$0x3], $0x80, $0x38;
	[tilespmem:$0xE800] =	vst v63  }
0x138: {  	s18 =	sadd.s32 $0x40, s15;
	s21 =	simm.s32 $0xBFA0  }
0x139: {  	[hbm4b:s18+s3] =	stream.linear.scatter [tilespmem:s21], [sflag:$0x3], $0x80, $0x38;
	[tilespmem:$0xE800] =	vst v63  }
0x13a: {  	s18 =	sadd.s32 $0x50, s15;
	s21 =	simm.s32 $0xC028  }
0x13b: {  	[hbm4b:s18+s3] =	stream.linear.scatter [tilespmem:s21], [sflag:$0x3], $0x80, $0x38;
	[tilespmem:$0xE800] =	vst v63  }
0x13c: {  	s18 =	sadd.s32 $0x60, s15;
	s21 =	simm.s32 $0xC0B0  }
0x13d: {  	[hbm4b:s18+s3] =	stream.linear.scatter [tilespmem:s21], [sflag:$0x3], $0x80, $0x38;
	[tilespmem:$0xE800] =	vst v63  }
0x13e: {  	s15 =	sadd.s32 $0x70, s15;
	s21 =	simm.s32 $0xC138  }
0x13f: {  	[hbm4b:s15+s3] =	stream.linear.scatter [tilespmem:s21], [sflag:$0x3], $0x80, $0x38;
	[tilespmem:$0xE800] =	vst v63  }
0x140: {  	s14 =	sadd.s32 s14, s13;
	s21 =	simm.s32 $0xC1C0  }
0x141: {  	[hbm4b:s14+s3] =	stream.linear.scatter [tilespmem:s21], [sflag:$0x3], $0x80, $0x38;
	[tilespmem:$0xE800] =	vst v63  }
0x142: {  	s18 =	sadd.s32 $0x10, s14;
	s21 =	simm.s32 $0xC248  }
0x143: {  	[hbm4b:s18+s3] =	stream.linear.scatter [tilespmem:s21], [sflag:$0x3], $0x80, $0x38;
	[tilespmem:$0xE800] =	vst v63  }
0x144: {  	s18 =	sadd.s32 $0x20, s14;
	s21 =	simm.s32 $0xC2D0  }
0x145: {  	[hbm4b:s18+s3] =	stream.linear.scatter [tilespmem:s21], [sflag:$0x3], $0x80, $0x38;
	[tilespmem:$0xE800] =	vst v63  }
0x146: {  	s18 =	sadd.s32 $0x30, s14;
	s21 =	simm.s32 $0xC358  }
0x147: {  	[hbm4b:s18+s3] =	stream.linear.scatter [tilespmem:s21], [sflag:$0x3], $0x80, $0x38;
	[tilespmem:$0xE800] =	vst v63  }
0x148: {  	s18 =	sadd.s32 $0x40, s14;
	s21 =	simm.s32 $0xC3E0  }
0x149: {  	[hbm4b:s18+s3] =	stream.linear.scatter [tilespmem:s21], [sflag:$0x3], $0x80, $0x38;
	[tilespmem:$0xE800] =	vst v63  }
0x14a: {  	s18 =	sadd.s32 $0x50, s14;
	s21 =	simm.s32 $0xC468  }
0x14b: {  	[hbm4b:s18+s3] =	stream.linear.scatter [tilespmem:s21], [sflag:$0x3], $0x80, $0x38;
	[tilespmem:$0xE800] =	vst v63  }
0x14c: {  	s18 =	sadd.s32 $0x60, s14;
	s21 =	simm.s32 $0xC4F0  }
0x14d: {  	[hbm4b:s18+s3] =	stream.linear.scatter [tilespmem:s21], [sflag:$0x3], $0x80, $0x38;
	[tilespmem:$0xE800] =	vst v63  }
0x14e: {  	p1 =	seq.s32 s1, $0x63;
	s14 =	sadd.s32 $0x70, s14;
	s21 =	simm.s32 $0xC578  }
0x14f: {  	[hbm4b:s14+s3] =	stream.linear.scatter [tilespmem:s21], [sflag:$0x3], $0x80, $0x38;
	[tilespmem:$0xE800] =	vst v63  }
0x150: {  	s14 =	sshll.u32 @!p1 s1, $0x8  }
0x151: {  	s14 =	sand.u32 @!p1 $0x3FFFFF00, s14  }
0x152: {  	s15 =	simm.s32 @!p1 $0x80;
	s18 =	simm.s32 @!p1 $0x6400;
	s14 =	sadd.s32 @!p1 $0x100, s14  }
0x153: {  	[tilespmem:s18], [sflag:$0x1] =	stream.indirect.gather @!p1 [hbm4b:s4+s15], $0x40, s14, s15, $0xb8;
	[tilespmem:$0xE800] =	vst v63  }
0x154: {  	_ =	swait.ge [sflag:s0], $0x2000  }
0x155: {  	[sflag:s0] =	ssyncset.done $0x0  }
0x156: {  	s14 =	simm.s32 @!p0 $0x4;
	[sflag:s0] =	ssyncadd.s32 $0xFFFFE000  }
0x157: {  	_ =	swait.ge @!p0 [sflag:s14], $0x400  }
0x158: {  	[sflag:s14] =	ssyncset.done @!p0 $0x0  }
0x159: {  	[sflag:s14] =	ssyncadd.s32 @!p0 $0xFFFFFC00  }
0x15a: {  	_ =	swait.ge @!p0 [sflag:s14], $0x400  }
0x15b: {  	[sflag:s14] =	ssyncset.done @!p0 $0x0  }
0x15c: {  	[sflag:s14] =	ssyncadd.s32 @!p0 $0xFFFFFC00  }
0x15d: {  	_ =	swait.ge @!p0 [sflag:s14], $0x400  }
0x15e: {  	[sflag:s14] =	ssyncset.done @!p0 $0x0  }
0x15f: {  	[sflag:s14] =	ssyncadd.s32 @!p0 $0xFFFFFC00  }
0x160: {  	_ =	swait.ge @!p0 [sflag:s14], $0x400  }
0x161: {  	[sflag:s14] =	ssyncset.done @!p0 $0x0  }
0x162: {  	[sflag:s14] =	ssyncadd.s32 @!p0 $0xFFFFFC00  }
0x163: {  	_ =	swait.ge @!p0 [sflag:s14], $0x400  }
0x164: {  	[sflag:s14] =	ssyncset.done @!p0 $0x0  }
0x165: {  	[sflag:s14] =	ssyncadd.s32 @!p0 $0xFFFFFC00  }
0x166: {  	s21 =	simm.s32 $0x3;
	_ =	swait.ge @!p0 [sflag:s14], $0x400  }
0x167: {  	v53 =	vmov s21;
	s21 =	simm.s32 $0x4;
	s18 =	simm.s32 $0x0;
	[sflag:s14] =	ssyncset.done @!p0 $0x0  }
0x168: {  	v54 =	vmov s21;
	s21 =	simm.s32 $0x5;
	v50 =	vmov s18;
	s18 =	simm.s32 $0x2;
	[sflag:s14] =	ssyncadd.s32 @!p0 $0xFFFFFC00  }
0x169: {  	v36 =	vshrl.u32 v53, $0x3;
	v39 =	vmov s21;
	v52 =	vmov s18;
	s18 =	simm.s32 $0x7;
	_ =	swait.ge @!p0 [sflag:s14], $0x400  }
0x16a: {  	s15 =	simm.s32 $0x1;
	s21 =	simm.s32 $0x6;
	v37 =	vshrl.u32 v54, $0x3;
	v58 =	vshll.u32 v36, v1;
	v55 =	vmov s18;
	[sflag:s14] =	ssyncset.done @!p0 $0x0  }
0x16b: {  	v51 =	vmov s15;
	v40 =	vmov s21;
	v38 =	vshrl.u32 v55, $0x3;
	[sflag:s14] =	ssyncadd.s32 @!p0 $0xFFFFFC00  }
0x16c: {  	v61 =	vshll.u32 v37, v1;
	v34 =	vshrl.u32 v51, $0x3;
	v38 =	vshll.u32 v38, v1;
	_ =	swait.ge @!p0 [sflag:s14], $0x400  }
0x16d: {  	v35 =	vshrl.u32 v52, $0x3;
	v34 =	vshll.u32 v34, v1;
	v38 =	vbroadcast v38, $0x0;
	[sflag:s14] =	ssyncset.done @!p0 $0x0  }
0x16e: {  	v33 =	vshrl.u32 v50, $0x3;
	v47 =	vbroadcast v34, $0x0;
	v56 =	vshll.u32 v35, v1;
	[sflag:s14] =	ssyncadd.s32 @!p0 $0xFFFFFC00;
	s14 =	simm.s32 $0x85F0  }
0x16f: {  	v33 =	vshll.u32 v33, v1;
	v53 =	vbroadcast v56, $0x0;
	v42 =	vadd.s32 v29, v38;
	v41 =	vld [tilespmem:s14+$0xFFFFFFD0]  }
0x170: {  	v40 =	vshrl.u32 v40, $0x3;
	v33 =	vbroadcast v33, $0x0;
	v60 =	vadd.s32 v5, v47;
	v59 =	vld [tilespmem:s14+$0xFFFFFE50]  }
0x171: {  	v35 =	vbroadcast v58, $0x0;
	v55 =	vshrl.u32 v39, $0x3;
	v63 =	vadd.s32 v9, v53;
	v62 =	vld [tilespmem:s14+$0xFFFFFE90]  }
0x172: {  	v34 =	vbroadcast v61, $0x0;
	v36 =	vshll.u32 v55, v1;
	v57 =	vadd.s32 v0, v33;
	v43 =	vld [tilespmem:s14+$0xFFFFFE10]  }
0x173: {  	v56 =	vshll.u32 v40, v1;
	v50 =	vadd.s32 v13, v35;
	v37 =	vbroadcast v36, $0x0;
	v39 =	vld [tilespmem:s14+$0xFFFFFED0]  }
0x174: {  	v52 =	vadd.s32 v17, v34;
	v36 =	vbroadcast v56, $0x0;
	v51 =	vld [tilespmem:s14+$0xFFFFFF10];
	[tilespmem:v42+s17+$0x0] =	vst.idx.msk $0xffff, v41  }
0x175: {  	[tilespmem:v60+s17+$0x0] =	vst.idx.msk $0xffff, v59;
	v59 =	vld [tilespmem:s14+$0xFFFFFF50];
	v60 =	vadd.s32 v21, v37  }
0x176: {  	v61 =	vld [tilespmem:s14+$0xFFFFFF90];
	[tilespmem:v63+s17+$0x0] =	vst.idx.msk $0xffff, v62;
	v62 =	vadd.s32 v25, v36  }
0x177: {  	v58 =	vadd.s32 v30, v38;
	[tilespmem:v57+s17+$0x0] =	vst.idx.msk $0xffff, v43;
	v57 =	vld [tilespmem:s14+$0xFFFFFFE0]  }
0x178: {  	v63 =	vadd.s32 v6, v47;
	[tilespmem:v50+s17+$0x0] =	vst.idx.msk $0xffff, v39;
	v46 =	vld [tilespmem:s14+$0xFFFFFE60]  }
0x179: {  	v55 =	vadd.s32 v10, v53;
	[tilespmem:v52+s17+$0x0] =	vst.idx.msk $0xffff, v51;
	v54 =	vld [tilespmem:s14+$0xFFFFFEA0]  }
0x17a: {  	v56 =	vadd.s32 v14, v35;
	v50 =	vld [tilespmem:s14+$0xFFFFFEE0];
	[tilespmem:v60+s17+$0x0] =	vst.idx.msk $0xffff, v59  }
0x17b: {  	[tilespmem:v62+s17+$0x0] =	vst.idx.msk $0xffff, v61;
	v61 =	vld [tilespmem:s14+$0xFFFFFE20];
	v62 =	vadd.s32 v2, v33  }
0x17c: {  	v59 =	vadd.s32 v18, v34;
	[tilespmem:v58+s17+$0x0] =	vst.idx.msk $0xffff, v57;
	v58 =	vld [tilespmem:s14+$0xFFFFFF20]  }
0x17d: {  	v57 =	vadd.s32 v31, v38;
	[tilespmem:v63+s17+$0x0] =	vst.idx.msk $0xffff, v46;
	v40 =	vld [tilespmem:s14+$0xFFFFFFF0]  }
0x17e: {  	v45 =	vadd.s32 v22, v37;
	v44 =	vld [tilespmem:s14+$0xFFFFFF60];
	[tilespmem:v55+s17+$0x0] =	vst.idx.msk $0xffff, v54  }
0x17f: {  	v60 =	vadd.s32 v26, v36;
	v63 =	vld [tilespmem:s14+$0xFFFFFFA0];
	[tilespmem:v56+s17+$0x0] =	vst.idx.msk $0xffff, v50  }
0x180: {  	v51 =	vadd.s32 v7, v47;
	v50 =	vld [tilespmem:s14+$0xFFFFFE70];
	[tilespmem:v62+s17+$0x0] =	vst.idx.msk $0xffff, v61  }
0x181: {  	v56 =	vadd.s32 v11, v53;
	v55 =	vld [tilespmem:s14+$0xFFFFFEB0];
	[tilespmem:v59+s17+$0x0] =	vst.idx.msk $0xffff, v58  }
0x182: {  	v58 =	vadd.s32 v15, v35;
	[tilespmem:v57+s17+$0x0] =	vst.idx.msk $0xffff, v40;
	v57 =	vld [tilespmem:s14+$0xFFFFFEF0]  }
0x183: {  	v38 =	vadd.s32 v32, v38;
	[tilespmem:v45+s17+$0x0] =	vst.idx.msk $0xffff, v44;
	v54 =	vld [tilespmem:s14+$0x0]  }
0x184: {  	[tilespmem:v60+s17+$0x0] =	vst.idx.msk $0xffff, v63;
	v60 =	vadd.s32 v19, v34;
	v59 =	vld [tilespmem:s14+$0xFFFFFF30]  }
0x185: {  	s21 =	simm.s32 $0x9;
	s18 =	simm.s32 $0x8;
	v48 =	vadd.s32 v3, v33;
	v41 =	vadd.s32 v23, v37;
	[tilespmem:v51+s17+$0x0] =	vst.idx.msk $0xffff, v50;
	v40 =	vld [tilespmem:s14+$0xFFFFFF70]  }
0x186: {  	v52 =	vmov s21;
	s21 =	simm.s32 $0xB;
	v43 =	vadd.s32 v27, v36;
	v63 =	vmov s18;
	v42 =	vld [tilespmem:s14+$0xFFFFFFB0];
	[tilespmem:v56+s17+$0x0] =	vst.idx.msk $0xffff, v55  }
0x187: {  	v53 =	vadd.s32 v12, v53;
	s18 =	simm.s32 $0xA;
	v44 =	vmov s21;
	s21 =	simm.s32 $0xD;
	v45 =	vld [tilespmem:s14+$0xFFFFFE30];
	v39 =	vshrl.u32 v63, $0x3;
	[tilespmem:v58+s17+$0x0] =	vst.idx.msk $0xffff, v57  }
0x188: {  	v51 =	vadd.s32 v8, v47;
	v49 =	vld [tilespmem:s14+$0xFFFFFE80];
	[tilespmem:v38+s17+$0x0] =	vst.idx.msk $0xffff, v54;
	v54 =	vmov s18;
	s18 =	simm.s32 $0xC;
	v38 =	vmov s21;
	s21 =	simm.s32 $0xE  }
0x189: {  	s6 =	sor.u32 $0x1, s6;
	s15 =	simm.s32 $0x10;
	v47 =	vshll.u32 v39, v1;
	v50 =	vld [tilespmem:s14+$0xFFFFFEC0];
	[tilespmem:v60+s17+$0x0] =	vst.idx.msk $0xffff, v59;
	v46 =	vmov s18;
	v39 =	vmov s21;
	s18 =	simm.s32 $0xF  }
.LBB2_5:
0x18a: {  	p0 =	slt.u32 s15, $0x78;
	v52 =	vshrl.u32 v52, $0x3;
	v55 =	vmov s18;
	v56 =	vld [tilespmem:s14+$0xFFFFFF00];
	v35 =	vadd.s32 v16, v35;
	[tilespmem:v41+s17+$0x0] =	vst.idx.msk $0xffff, v40  }
0x18b: {  	v40 =	vshrl.u32 v54, $0x3;
	v34 =	vadd.s32 v20, v34;
	v41 =	vshrl.u32 v55, $0x3;
	v54 =	vld [tilespmem:s14+$0xFFFFFF40];
	[tilespmem:v43+s17+$0x0] =	vst.idx.msk $0xffff, v42  }
0x18c: {  	v37 =	vadd.s32 v24, v37;
	v42 =	vshrl.u32 v44, $0x3;
	v41 =	vshll.u32 v41, v1;
	[tilespmem:v48+s17+$0x0] =	vst.idx.msk $0xffff, v45;
	v43 =	vld [tilespmem:s14+$0xFFFFFF80]  }
0x18d: {  	v36 =	vadd.s32 v28, v36;
	v44 =	vshrl.u32 v46, $0x3;
	v41 =	vbroadcast v41, $0x0;
	[tilespmem:v51+s17+$0x0] =	vst.idx.msk $0xffff, v49;
	v45 =	vld [tilespmem:s14+$0xFFFFFFC0]  }
0x18e: {  	v46 =	vshll.u32 v52, v1;
	v49 =	vadd.s32 v4, v33;
	v33 =	vbroadcast v47, $0x0;
	v48 =	vld [tilespmem:s14+$0xFFFFFE40];
	[tilespmem:v53+s17+$0x0] =	vst.idx.msk $0xffff, v50;
	s14 =	sadd.s32 $0x200, s14  }
0x18f: {  	v40 =	vshll.u32 v40, v1;
	v47 =	vbroadcast v46, $0x0;
	v46 =	vld [tilespmem:s14+$0xFFFFFFD0];
	v50 =	vadd.s32 v29, v41;
	[tilespmem:v35+s17+$0x0] =	vst.idx.msk $0xffff, v56  }
0x190: {  	v53 =	vbroadcast v40, $0x0;
	v52 =	vadd.s32 v0, v33;
	v35 =	vshll.u32 v42, v1;
	v51 =	vld [tilespmem:s14+$0xFFFFFE10];
	[tilespmem:v34+s17+$0x0] =	vst.idx.msk $0xffff, v54  }
0x191: {  	v42 =	vadd.s32 v5, v47;
	v35 =	vbroadcast v35, $0x0;
	v34 =	vshll.u32 v44, v1;
	v40 =	vld [tilespmem:s14+$0xFFFFFE50];
	[tilespmem:v37+s17+$0x0] =	vst.idx.msk $0xffff, v43  }
0x192: {  	v44 =	vadd.s32 v9, v53;
	v34 =	vbroadcast v34, $0x0;
	v37 =	vshrl.u32 v38, $0x3;
	v43 =	vld [tilespmem:s14+$0xFFFFFE90];
	[tilespmem:v36+s17+$0x0] =	vst.idx.msk $0xffff, v45  }
0x193: {  	v39 =	vshrl.u32 v39, $0x3;
	v45 =	vadd.s32 v13, v35;
	v36 =	vshll.u32 v37, v1;
	v38 =	vld [tilespmem:s14+$0xFFFFFED0];
	[tilespmem:v49+s17+$0x0] =	vst.idx.msk $0xffff, v48  }
0x194: {  	v49 =	vadd.s32 v17, v34;
	v37 =	vbroadcast v36, $0x0;
	v36 =	vshll.u32 v39, v1;
	v48 =	vld [tilespmem:s14+$0xFFFFFF10];
	[tilespmem:v50+s17+$0x0] =	vst.idx.msk $0xffff, v46  }
0x195: {  	v36 =	vbroadcast v36, $0x0;
	v46 =	vadd.s32 v30, v41;
	[tilespmem:v52+s17+$0x0] =	vst.idx.msk $0xffff, v51;
	v39 =	vld [tilespmem:s14+$0xFFFFFFE0]  }
0x196: {  	[tilespmem:v42+s17+$0x0] =	vst.idx.msk $0xffff, v40;
	v40 =	vld [tilespmem:s14+$0xFFFFFF50];
	v42 =	vadd.s32 v21, v37  }
0x197: {  	[tilespmem:v44+s17+$0x0] =	vst.idx.msk $0xffff, v43;
	v43 =	vld [tilespmem:s14+$0xFFFFFF90];
	v44 =	vadd.s32 v25, v36  }
0x198: {  	v51 =	vadd.s32 v6, v47;
	v50 =	vld [tilespmem:s14+$0xFFFFFE60];
	[tilespmem:v45+s17+$0x0] =	vst.idx.msk $0xffff, v38  }
0x199: {  	v45 =	vadd.s32 v10, v53;
	v38 =	vld [tilespmem:s14+$0xFFFFFEA0];
	[tilespmem:v49+s17+$0x0] =	vst.idx.msk $0xffff, v48  }
0x19a: {  	v49 =	vadd.s32 v14, v35;
	v48 =	vld [tilespmem:s14+$0xFFFFFEE0];
	[tilespmem:v46+s17+$0x0] =	vst.idx.msk $0xffff, v39  }
0x19b: {  	[tilespmem:v42+s17+$0x0] =	vst.idx.msk $0xffff, v40;
	v39 =	vld [tilespmem:s14+$0xFFFFFFF0];
	v40 =	vadd.s32 v31, v41  }
0x19c: {  	v46 =	vadd.s32 v18, v34;
	v42 =	vld [tilespmem:s14+$0xFFFFFF20];
	[tilespmem:v44+s17+$0x0] =	vst.idx.msk $0xffff, v43  }
0x19d: {  	v44 =	vadd.s32 v22, v37;
	[tilespmem:v51+s17+$0x0] =	vst.idx.msk $0xffff, v50;
	v43 =	vld [tilespmem:s14+$0xFFFFFF60]  }
0x19e: {  	[tilespmem:v45+s17+$0x0] =	vst.idx.msk $0xffff, v38;
	v38 =	vld [tilespmem:s14+$0xFFFFFFA0];
	v45 =	vadd.s32 v26, v36  }
0x19f: {  	v51 =	vadd.s32 v2, v33;
	v50 =	vld [tilespmem:s14+$0xFFFFFE20];
	[tilespmem:v49+s17+$0x0] =	vst.idx.msk $0xffff, v48  }
0x1a0: {  	v49 =	vadd.s32 v7, v47;
	v48 =	vld [tilespmem:s14+$0xFFFFFE70];
	[tilespmem:v40+s17+$0x0] =	vst.idx.msk $0xffff, v39  }
0x1a1: {  	[tilespmem:v46+s17+$0x0] =	vst.idx.msk $0xffff, v42;
	v39 =	vld [tilespmem:s14+$0x0];
	v46 =	vadd.s32 v32, v41  }
0x1a2: {  	v56 =	vadd.s32 v11, v53;
	v55 =	vld [tilespmem:s14+$0xFFFFFEB0];
	[tilespmem:v44+s17+$0x0] =	vst.idx.msk $0xffff, v43  }
0x1a3: {  	v58 =	vadd.s32 v15, v35;
	v57 =	vld [tilespmem:s14+$0xFFFFFEF0];
	[tilespmem:v45+s17+$0x0] =	vst.idx.msk $0xffff, v38  }
0x1a4: {  	v60 =	vadd.s32 v19, v34;
	[tilespmem:v51+s17+$0x0] =	vst.idx.msk $0xffff, v50;
	v59 =	vld [tilespmem:s14+$0xFFFFFF30]  }
.Ltmp3:
0x1a5: {  	s18 =	sadd.s32 $0x1, s15;
	v41 =	vadd.s32 v23, v37;
	v38 =	vmov s15;
	[tilespmem:v49+s17+$0x0] =	vst.idx.msk $0xffff, v48;
	v40 =	vld [tilespmem:s14+$0xFFFFFF70];
	(pc) =	sbr.rel @p0 .LBB2_5-.Ltmp3, $4  }
0x1a6: {  	s21 =	sadd.s32 $0x3, s15;
	v52 =	vmov s18;
	s18 =	sadd.s32 $0x2, s15;
	v43 =	vadd.s32 v27, v36;
	v50 =	vshrl.u32 v38, $0x3;
	v42 =	vld [tilespmem:s14+$0xFFFFFFB0];
	[tilespmem:v46+s17+$0x0] =	vst.idx.msk $0xffff, v39  }
0x1a7: {  	v54 =	vmov s18;
	s18 =	sadd.s32 $0x4, s15;
	v44 =	vmov s21;
	s21 =	sadd.s32 $0x5, s15;
	v48 =	vadd.s32 v3, v33;
	v45 =	vld [tilespmem:s14+$0xFFFFFE30];
	[tilespmem:v56+s17+$0x0] =	vst.idx.msk $0xffff, v55  }
0x1a8: {  	v38 =	vmov s21;
	v51 =	vadd.s32 v8, v47;
	v46 =	vmov s18;
	s18 =	sadd.s32 $0x6, s15;
	v49 =	vld [tilespmem:s14+$0xFFFFFE80];
	[tilespmem:v58+s17+$0x0] =	vst.idx.msk $0xffff, v57  }
0x1a9: {  	v53 =	vadd.s32 v12, v53;
	v47 =	vshll.u32 v50, v1;
	v39 =	vmov s18;
	s18 =	sadd.s32 $0x7, s15;
	s15 =	sadd.s32 $0x8, s15;
	v50 =	vld [tilespmem:s14+$0xFFFFFEC0];
	[tilespmem:v60+s17+$0x0] =	vst.idx.msk $0xffff, v59  }
0x1aa: {  	_ =	sdelay $0x2  }
0x1ab: {  	v52 =	vshrl.u32 v52, $0x3  }
0x1ac: {  	v55 =	vmov s18;
	v56 =	vld [tilespmem:s14+$0xFFFFFF00];
	v35 =	vadd.s32 v16, v35;
	[tilespmem:v41+s17+$0x0] =	vst.idx.msk $0xffff, v40;
	v57 =	vshrl.u32 v54, $0x3  }
0x1ad: {  	v59 =	vld [tilespmem:s14+$0xFFFFFF40];
	v34 =	vadd.s32 v20, v34;
	v60 =	vshrl.u32 v44, $0x3;
	v58 =	vshrl.u32 v55, $0x3;
	[tilespmem:v43+s17+$0x0] =	vst.idx.msk $0xffff, v42  }
0x1ae: {  	v37 =	vadd.s32 v24, v37;
	v62 =	vshrl.u32 v46, $0x3;
	v61 =	vld [tilespmem:s14+$0xFFFFFF80];
	v41 =	vshll.u32 v58, v1;
	[tilespmem:v48+s17+$0x0] =	vst.idx.msk $0xffff, v45  }
0x1af: {  	v36 =	vadd.s32 v28, v36;
	v46 =	vbroadcast v47, $0x0;
	v63 =	vld [tilespmem:s14+$0xFFFFFFC0];
	v41 =	vbroadcast v41, $0x0;
	[tilespmem:v51+s17+$0x0] =	vst.idx.msk $0xffff, v49  }
0x1b0: {  	v33 =	vadd.s32 v4, v33;
	s15 =	sadd.s32 $0x200, s14;
	v38 =	vshrl.u32 v38, $0x3;
	v55 =	vshll.u32 v52, v1;
	v48 =	vld [tilespmem:s14+$0xFFFFFE40];
	[tilespmem:v53+s17+$0x0] =	vst.idx.msk $0xffff, v50  }
0x1b1: {  	v40 =	vshll.u32 v57, v1;
	v47 =	vbroadcast v55, $0x0;
	v49 =	vld [tilespmem:s15+$0xFFFFFFD0];
	v50 =	vadd.s32 v29, v41;
	[tilespmem:v35+s17+$0x0] =	vst.idx.msk $0xffff, v56  }
0x1b2: {  	v42 =	vshll.u32 v60, v1;
	v40 =	vbroadcast v40, $0x0;
	v35 =	vld [tilespmem:s15+$0xFFFFFE10];
	v56 =	vadd.s32 v0, v46;
	[tilespmem:v34+s17+$0x0] =	vst.idx.msk $0xffff, v59  }
0x1b3: {  	v57 =	vld [tilespmem:s15+$0xFFFFFE50];
	v44 =	vshll.u32 v62, v1;
	v42 =	vbroadcast v42, $0x0;
	v58 =	vadd.s32 v5, v47;
	[tilespmem:v37+s17+$0x0] =	vst.idx.msk $0xffff, v61  }
0x1b4: {  	v38 =	vshll.u32 v38, v1;
	v44 =	vbroadcast v44, $0x0;
	v60 =	vadd.s32 v9, v40;
	v59 =	vld [tilespmem:s15+$0xFFFFFE90];
	[tilespmem:v36+s17+$0x0] =	vst.idx.msk $0xffff, v63  }
0x1b5: {  	v38 =	vbroadcast v38, $0x0;
	v62 =	vadd.s32 v13, v42;
	v61 =	vld [tilespmem:s15+$0xFFFFFED0];
	[tilespmem:v33+s17+$0x0] =	vst.idx.msk $0xffff, v48  }
0x1b6: {  	v39 =	vshrl.u32 v39, $0x3;
	v63 =	vadd.s32 v17, v44;
	v33 =	vld [tilespmem:s15+$0xFFFFFF10];
	[tilespmem:v50+s17+$0x0] =	vst.idx.msk $0xffff, v49  }
0x1b7: {  	v39 =	vshll.u32 v39, v1;
	v34 =	vld [tilespmem:s15+$0xFFFFFF50];
	[tilespmem:v56+s17+$0x0] =	vst.idx.msk $0xffff, v35;
	v56 =	vadd.s32 v21, v38  }
0x1b8: {  	[tilespmem:v58+s17+$0x0] =	vst.idx.msk $0xffff, v57;
	v35 =	vbroadcast v39, $0x0;
	v49 =	vadd.s32 v30, v41;
	v39 =	vld [tilespmem:s15+$0xFFFFFFE0]  }
0x1b9: {  	[tilespmem:v60+s17+$0x0] =	vst.idx.msk $0xffff, v59;
	v59 =	vld [tilespmem:s15+$0xFFFFFE60];
	v60 =	vadd.s32 v6, v47  }
0x1ba: {  	v57 =	vld [tilespmem:s15+$0xFFFFFF90];
	[tilespmem:v62+s17+$0x0] =	vst.idx.msk $0xffff, v61;
	v58 =	vadd.s32 v25, v35  }
0x1bb: {  	v61 =	vld [tilespmem:s15+$0xFFFFFEA0];
	v62 =	vadd.s32 v10, v40;
	[tilespmem:v63+s17+$0x0] =	vst.idx.msk $0xffff, v33  }
0x1bc: {  	v33 =	vld [tilespmem:s15+$0xFFFFFEE0];
	v63 =	vadd.s32 v14, v42;
	[tilespmem:v56+s17+$0x0] =	vst.idx.msk $0xffff, v34  }
0x1bd: {  	v56 =	vadd.s32 v18, v44;
	[tilespmem:v49+s17+$0x0] =	vst.idx.msk $0xffff, v39;
	v49 =	vld [tilespmem:s15+$0xFFFFFF20]  }
0x1be: {  	[tilespmem:v60+s17+$0x0] =	vst.idx.msk $0xffff, v59;
	v39 =	vadd.s32 v31, v41;
	v34 =	vld [tilespmem:s15+$0xFFFFFFF0]  }
0x1bf: {  	[tilespmem:v58+s17+$0x0] =	vst.idx.msk $0xffff, v57;
	v57 =	vld [tilespmem:s15+$0xFFFFFF60];
	v58 =	vadd.s32 v22, v38  }
0x1c0: {  	[tilespmem:v62+s17+$0x0] =	vst.idx.msk $0xffff, v61;
	v61 =	vld [tilespmem:s15+$0xFFFFFE20];
	v62 =	vadd.s32 v2, v46  }
0x1c1: {  	v60 =	vadd.s32 v26, v35;
	v59 =	vld [tilespmem:s15+$0xFFFFFFA0];
	[tilespmem:v63+s17+$0x0] =	vst.idx.msk $0xffff, v33  }
0x1c2: {  	v55 =	vadd.s32 v11, v40;
	v54 =	vadd.s32 v32, v41;
	v41 =	vld [tilespmem:s15+$0xFFFFFEB0];
	[tilespmem:v56+s17+$0x0] =	vst.idx.msk $0xffff, v49  }
0x1c3: {  	v53 =	vadd.s32 v7, v47;
	v63 =	vld [tilespmem:s15+$0xFFFFFE70];
	[tilespmem:v39+s17+$0x0] =	vst.idx.msk $0xffff, v34  }
0x1c4: {  	v56 =	vld [tilespmem:s15+$0xFFFFFEF0];
	[tilespmem:v58+s17+$0x0] =	vst.idx.msk $0xffff, v57;
	v57 =	vadd.s32 v15, v42  }
0x1c5: {  	[tilespmem:v62+s17+$0x0] =	vst.idx.msk $0xffff, v61;
	v34 =	vld [tilespmem:s15+$0x0]  }
0x1c6: {  	v58 =	vld [tilespmem:s15+$0xFFFFFF30];
	[tilespmem:v60+s17+$0x0] =	vst.idx.msk $0xffff, v59;
	v59 =	vadd.s32 v19, v44  }
0x1c7: {  	v61 =	vadd.s32 v23, v38;
	[tilespmem:v55+s17+$0x0] =	vst.idx.msk $0xffff, v41;
	v60 =	vld [tilespmem:s15+$0xFFFFFF70]  }
0x1c8: {  	[tilespmem:v53+s17+$0x0] =	vst.idx.msk $0xffff, v63;
	v63 =	vadd.s32 v27, v35;
	v62 =	vld [tilespmem:s15+$0xFFFFFFB0]  }
0x1c9: {  	v47 =	vadd.s32 v8, v47;
	v55 =	vld [tilespmem:s15+$0xFFFFFE80];
	[tilespmem:v57+s17+$0x0] =	vst.idx.msk $0xffff, v56  }
0x1ca: {  	v53 =	vld [tilespmem:s15+$0xFFFFFE30];
	[tilespmem:v54+s17+$0x0] =	vst.idx.msk $0xffff, v34;
	v54 =	vadd.s32 v3, v46  }
0x1cb: {  	v40 =	vadd.s32 v12, v40;
	v56 =	vld [tilespmem:s15+$0xFFFFFEC0];
	[tilespmem:v59+s17+$0x0] =	vst.idx.msk $0xffff, v58  }
0x1cc: {  	v42 =	vadd.s32 v16, v42;
	v57 =	vld [tilespmem:s15+$0xFFFFFF00];
	[tilespmem:v61+s17+$0x0] =	vst.idx.msk $0xffff, v60  }
0x1cd: {  	v59 =	vadd.s32 v20, v44;
	v58 =	vld [tilespmem:s15+$0xFFFFFF40];
	[tilespmem:v63+s17+$0x0] =	vst.idx.msk $0xffff, v62  }
0x1ce: {  	v38 =	vadd.s32 v24, v38;
	v60 =	vld [tilespmem:s15+$0xFFFFFF80];
	[tilespmem:v47+s17+$0x0] =	vst.idx.msk $0xffff, v55  }
0x1cf: {  	v35 =	vadd.s32 v28, v35;
	v61 =	vld [tilespmem:s15+$0xFFFFFFC0];
	[tilespmem:v54+s17+$0x0] =	vst.idx.msk $0xffff, v53  }
0x1d0: {  	v63 =	vadd.s32 v4, v46;
	[tilespmem:v40+s17+$0x0] =	vst.idx.msk $0xffff, v56;
	v62 =	vld [tilespmem:s15+$0xFFFFFE40]  }
0x1d1: {  	s6 =	sadd.s32 s5, s6;
	[tilespmem:v42+s17+$0x0] =	vst.idx.msk $0xffff, v57  }
0x1d2: {  	s18 =	sshll.u32 s6, $0xA;
	s6 =	sshll.u32 s6, $0x7;
	[tilespmem:v59+s17+$0x0] =	vst.idx.msk $0xffff, v58  }
0x1d3: {  	s6 =	sand.u32 $0x3F80, s6;
	s14 =	sand.u32 $0x1FFE0000, s18;
	[tilespmem:v38+s17+$0x0] =	vst.idx.msk $0xffff, v60  }
0x1d4: {  	s6 =	sor.u32 s6, s14;
	[tilespmem:v35+s17+$0x0] =	vst.idx.msk $0xffff, v61  }
0x1d5: {  	s14 =	sadd.s32 s2, s6;
	[tilespmem:v63+s17+$0x0] =	vst.idx.msk $0xffff, v62  }
0x1d6: {  	[hbm4b:s14+s3] =	stream.linear.scatter [tilespmem:s17], [sflag:$0x4], $0x80, $0x38;
	[tilespmem:$0xE800] =	vst v63  }
0x1d7: {  	s21 =	simm.s32 $0xC688;
	s15 =	sadd.s32 $0x10, s14  }
0x1d8: {  	[hbm4b:s15+s3] =	stream.linear.scatter [tilespmem:s21], [sflag:$0x4], $0x80, $0x38;
	[tilespmem:$0xE800] =	vst v63  }
0x1d9: {  	s18 =	sadd.s32 $0x20, s14;
	s21 =	simm.s32 $0xC710  }
0x1da: {  	[hbm4b:s18+s3] =	stream.linear.scatter [tilespmem:s21], [sflag:$0x4], $0x80, $0x38;
	[tilespmem:$0xE800] =	vst v63  }
0x1db: {  	s18 =	sadd.s32 $0x30, s14;
	s21 =	simm.s32 $0xC798  }
0x1dc: {  	[hbm4b:s18+s3] =	stream.linear.scatter [tilespmem:s21], [sflag:$0x4], $0x80, $0x38;
	[tilespmem:$0xE800] =	vst v63  }
0x1dd: {  	s18 =	sadd.s32 $0x40, s14;
	s21 =	simm.s32 $0xC820  }
0x1de: {  	[hbm4b:s18+s3] =	stream.linear.scatter [tilespmem:s21], [sflag:$0x4], $0x80, $0x38;
	[tilespmem:$0xE800] =	vst v63  }
0x1df: {  	s18 =	sadd.s32 $0x50, s14;
	s21 =	simm.s32 $0xC8A8  }
0x1e0: {  	[hbm4b:s18+s3] =	stream.linear.scatter [tilespmem:s21], [sflag:$0x4], $0x80, $0x38;
	[tilespmem:$0xE800] =	vst v63  }
0x1e1: {  	s18 =	sadd.s32 $0x60, s14;
	s21 =	simm.s32 $0xC930  }
0x1e2: {  	[hbm4b:s18+s3] =	stream.linear.scatter [tilespmem:s21], [sflag:$0x4], $0x80, $0x38;
	[tilespmem:$0xE800] =	vst v63  }
0x1e3: {  	s14 =	sadd.s32 $0x70, s14;
	s18 =	simm.s32 $0xC9B8  }
0x1e4: {  	[hbm4b:s14+s3] =	stream.linear.scatter [tilespmem:s18], [sflag:$0x4], $0x80, $0x38;
	[tilespmem:$0xE800] =	vst v63  }
0x1e5: {  	s21 =	simm.s32 $0xCA40;
	s14 =	sadd.s32 s6, s7  }
0x1e6: {  	[hbm4b:s14+s3] =	stream.linear.scatter [tilespmem:s21], [sflag:$0x4], $0x80, $0x38;
	[tilespmem:$0xE800] =	vst v63  }
0x1e7: {  	s18 =	sadd.s32 $0x10, s14;
	s21 =	simm.s32 $0xCAC8  }
0x1e8: {  	[hbm4b:s18+s3] =	stream.linear.scatter [tilespmem:s21], [sflag:$0x4], $0x80, $0x38;
	[tilespmem:$0xE800] =	vst v63  }
0x1e9: {  	s18 =	sadd.s32 $0x20, s14;
	s21 =	simm.s32 $0xCB50  }
0x1ea: {  	[hbm4b:s18+s3] =	stream.linear.scatter [tilespmem:s21], [sflag:$0x4], $0x80, $0x38;
	[tilespmem:$0xE800] =	vst v63  }
0x1eb: {  	s18 =	sadd.s32 $0x30, s14;
	s21 =	simm.s32 $0xCBD8  }
0x1ec: {  	[hbm4b:s18+s3] =	stream.linear.scatter [tilespmem:s21], [sflag:$0x4], $0x80, $0x38;
	[tilespmem:$0xE800] =	vst v63  }
0x1ed: {  	s18 =	sadd.s32 $0x40, s14;
	s21 =	simm.s32 $0xCC60  }
0x1ee: {  	[hbm4b:s18+s3] =	stream.linear.scatter [tilespmem:s21], [sflag:$0x4], $0x80, $0x38;
	[tilespmem:$0xE800] =	vst v63  }
0x1ef: {  	s18 =	sadd.s32 $0x50, s14;
	s21 =	simm.s32 $0xCCE8  }
0x1f0: {  	[hbm4b:s18+s3] =	stream.linear.scatter [tilespmem:s21], [sflag:$0x4], $0x80, $0x38;
	[tilespmem:$0xE800] =	vst v63  }
0x1f1: {  	s18 =	sadd.s32 $0x60, s14;
	s21 =	simm.s32 $0xCD70  }
0x1f2: {  	[hbm4b:s18+s3] =	stream.linear.scatter [tilespmem:s21], [sflag:$0x4], $0x80, $0x38;
	[tilespmem:$0xE800] =	vst v63  }
0x1f3: {  	s14 =	sadd.s32 $0x70, s14;
	s18 =	simm.s32 $0xCDF8  }
0x1f4: {  	[hbm4b:s14+s3] =	stream.linear.scatter [tilespmem:s18], [sflag:$0x4], $0x80, $0x38;
	[tilespmem:$0xE800] =	vst v63  }
0x1f5: {  	s21 =	simm.s32 $0xCE80;
	s14 =	sadd.s32 s6, s8  }
0x1f6: {  	[hbm4b:s14+s3] =	stream.linear.scatter [tilespmem:s21], [sflag:$0x4], $0x80, $0x38;
	[tilespmem:$0xE800] =	vst v63  }
0x1f7: {  	s18 =	sadd.s32 $0x10, s14;
	s21 =	simm.s32 $0xCF08  }
0x1f8: {  	[hbm4b:s18+s3] =	stream.linear.scatter [tilespmem:s21], [sflag:$0x4], $0x80, $0x38;
	[tilespmem:$0xE800] =	vst v63  }
0x1f9: {  	s18 =	sadd.s32 $0x20, s14;
	s21 =	simm.s32 $0xCF90  }
0x1fa: {  	[hbm4b:s18+s3] =	stream.linear.scatter [tilespmem:s21], [sflag:$0x4], $0x80, $0x38;
	[tilespmem:$0xE800] =	vst v63  }
0x1fb: {  	s18 =	sadd.s32 $0x30, s14;
	s21 =	simm.s32 $0xD018  }
0x1fc: {  	[hbm4b:s18+s3] =	stream.linear.scatter [tilespmem:s21], [sflag:$0x4], $0x80, $0x38;
	[tilespmem:$0xE800] =	vst v63  }
0x1fd: {  	s18 =	sadd.s32 $0x40, s14;
	s21 =	simm.s32 $0xD0A0  }
0x1fe: {  	[hbm4b:s18+s3] =	stream.linear.scatter [tilespmem:s21], [sflag:$0x4], $0x80, $0x38;
	[tilespmem:$0xE800] =	vst v63  }
0x1ff: {  	s18 =	sadd.s32 $0x50, s14;
	s21 =	simm.s32 $0xD128  }
0x200: {  	[hbm4b:s18+s3] =	stream.linear.scatter [tilespmem:s21], [sflag:$0x4], $0x80, $0x38;
	[tilespmem:$0xE800] =	vst v63  }
0x201: {  	s18 =	sadd.s32 $0x60, s14;
	s21 =	simm.s32 $0xD1B0  }
0x202: {  	[hbm4b:s18+s3] =	stream.linear.scatter [tilespmem:s21], [sflag:$0x4], $0x80, $0x38;
	[tilespmem:$0xE800] =	vst v63  }
0x203: {  	s14 =	sadd.s32 $0x70, s14;
	s18 =	simm.s32 $0xD238  }
0x204: {  	[hbm4b:s14+s3] =	stream.linear.scatter [tilespmem:s18], [sflag:$0x4], $0x80, $0x38;
	[tilespmem:$0xE800] =	vst v63  }
0x205: {  	s21 =	simm.s32 $0xD2C0;
	s14 =	sadd.s32 s6, s9  }
0x206: {  	[hbm4b:s14+s3] =	stream.linear.scatter [tilespmem:s21], [sflag:$0x4], $0x80, $0x38;
	[tilespmem:$0xE800] =	vst v63  }
0x207: {  	s18 =	sadd.s32 $0x10, s14;
	s21 =	simm.s32 $0xD348  }
0x208: {  	[hbm4b:s18+s3] =	stream.linear.scatter [tilespmem:s21], [sflag:$0x4], $0x80, $0x38;
	[tilespmem:$0xE800] =	vst v63  }
0x209: {  	s18 =	sadd.s32 $0x20, s14;
	s21 =	simm.s32 $0xD3D0  }
0x20a: {  	[hbm4b:s18+s3] =	stream.linear.scatter [tilespmem:s21], [sflag:$0x4], $0x80, $0x38;
	[tilespmem:$0xE800] =	vst v63  }
0x20b: {  	s18 =	sadd.s32 $0x30, s14;
	s21 =	simm.s32 $0xD458  }
0x20c: {  	[hbm4b:s18+s3] =	stream.linear.scatter [tilespmem:s21], [sflag:$0x4], $0x80, $0x38;
	[tilespmem:$0xE800] =	vst v63  }
0x20d: {  	s18 =	sadd.s32 $0x40, s14;
	s21 =	simm.s32 $0xD4E0  }
0x20e: {  	[hbm4b:s18+s3] =	stream.linear.scatter [tilespmem:s21], [sflag:$0x4], $0x80, $0x38;
	[tilespmem:$0xE800] =	vst v63  }
0x20f: {  	s18 =	sadd.s32 $0x50, s14;
	s21 =	simm.s32 $0xD568  }
0x210: {  	[hbm4b:s18+s3] =	stream.linear.scatter [tilespmem:s21], [sflag:$0x4], $0x80, $0x38;
	[tilespmem:$0xE800] =	vst v63  }
0x211: {  	s18 =	sadd.s32 $0x60, s14;
	s21 =	simm.s32 $0xD5F0  }
0x212: {  	[hbm4b:s18+s3] =	stream.linear.scatter [tilespmem:s21], [sflag:$0x4], $0x80, $0x38;
	[tilespmem:$0xE800] =	vst v63  }
0x213: {  	s14 =	sadd.s32 $0x70, s14;
	s18 =	simm.s32 $0xD678  }
0x214: {  	[hbm4b:s14+s3] =	stream.linear.scatter [tilespmem:s18], [sflag:$0x4], $0x80, $0x38;
	[tilespmem:$0xE800] =	vst v63  }
0x215: {  	s21 =	simm.s32 $0xD700;
	s14 =	sadd.s32 s6, s10  }
0x216: {  	[hbm4b:s14+s3] =	stream.linear.scatter [tilespmem:s21], [sflag:$0x4], $0x80, $0x38;
	[tilespmem:$0xE800] =	vst v63  }
0x217: {  	s18 =	sadd.s32 $0x10, s14;
	s21 =	simm.s32 $0xD788  }
0x218: {  	[hbm4b:s18+s3] =	stream.linear.scatter [tilespmem:s21], [sflag:$0x4], $0x80, $0x38;
	[tilespmem:$0xE800] =	vst v63  }
0x219: {  	s18 =	sadd.s32 $0x20, s14;
	s21 =	simm.s32 $0xD810  }
0x21a: {  	[hbm4b:s18+s3] =	stream.linear.scatter [tilespmem:s21], [sflag:$0x4], $0x80, $0x38;
	[tilespmem:$0xE800] =	vst v63  }
0x21b: {  	s18 =	sadd.s32 $0x30, s14;
	s21 =	simm.s32 $0xD898  }
0x21c: {  	[hbm4b:s18+s3] =	stream.linear.scatter [tilespmem:s21], [sflag:$0x4], $0x80, $0x38;
	[tilespmem:$0xE800] =	vst v63  }
0x21d: {  	s18 =	sadd.s32 $0x40, s14;
	s21 =	simm.s32 $0xD920  }
0x21e: {  	[hbm4b:s18+s3] =	stream.linear.scatter [tilespmem:s21], [sflag:$0x4], $0x80, $0x38;
	[tilespmem:$0xE800] =	vst v63  }
0x21f: {  	s18 =	sadd.s32 $0x50, s14;
	s21 =	simm.s32 $0xD9A8  }
0x220: {  	[hbm4b:s18+s3] =	stream.linear.scatter [tilespmem:s21], [sflag:$0x4], $0x80, $0x38;
	[tilespmem:$0xE800] =	vst v63  }
0x221: {  	s18 =	sadd.s32 $0x60, s14;
	s21 =	simm.s32 $0xDA30  }
0x222: {  	[hbm4b:s18+s3] =	stream.linear.scatter [tilespmem:s21], [sflag:$0x4], $0x80, $0x38;
	[tilespmem:$0xE800] =	vst v63  }
0x223: {  	s14 =	sadd.s32 $0x70, s14;
	s18 =	simm.s32 $0xDAB8  }
0x224: {  	[hbm4b:s14+s3] =	stream.linear.scatter [tilespmem:s18], [sflag:$0x4], $0x80, $0x38;
	[tilespmem:$0xE800] =	vst v63  }
0x225: {  	s21 =	simm.s32 $0xDB40;
	s14 =	sadd.s32 s6, s11  }
0x226: {  	[hbm4b:s14+s3] =	stream.linear.scatter [tilespmem:s21], [sflag:$0x4], $0x80, $0x38;
	[tilespmem:$0xE800] =	vst v63  }
0x227: {  	s18 =	sadd.s32 $0x10, s14;
	s21 =	simm.s32 $0xDBC8  }
0x228: {  	[hbm4b:s18+s3] =	stream.linear.scatter [tilespmem:s21], [sflag:$0x4], $0x80, $0x38;
	[tilespmem:$0xE800] =	vst v63  }
0x229: {  	s18 =	sadd.s32 $0x20, s14;
	s21 =	simm.s32 $0xDC50  }
0x22a: {  	[hbm4b:s18+s3] =	stream.linear.scatter [tilespmem:s21], [sflag:$0x4], $0x80, $0x38;
	[tilespmem:$0xE800] =	vst v63  }
0x22b: {  	s18 =	sadd.s32 $0x30, s14;
	s21 =	simm.s32 $0xDCD8  }
0x22c: {  	[hbm4b:s18+s3] =	stream.linear.scatter [tilespmem:s21], [sflag:$0x4], $0x80, $0x38;
	[tilespmem:$0xE800] =	vst v63  }
0x22d: {  	s18 =	sadd.s32 $0x40, s14;
	s21 =	simm.s32 $0xDD60  }
0x22e: {  	[hbm4b:s18+s3] =	stream.linear.scatter [tilespmem:s21], [sflag:$0x4], $0x80, $0x38;
	[tilespmem:$0xE800] =	vst v63  }
0x22f: {  	s18 =	sadd.s32 $0x50, s14;
	s21 =	simm.s32 $0xDDE8  }
0x230: {  	[hbm4b:s18+s3] =	stream.linear.scatter [tilespmem:s21], [sflag:$0x4], $0x80, $0x38;
	[tilespmem:$0xE800] =	vst v63  }
0x231: {  	s18 =	sadd.s32 $0x60, s14;
	s21 =	simm.s32 $0xDE70  }
0x232: {  	[hbm4b:s18+s3] =	stream.linear.scatter [tilespmem:s21], [sflag:$0x4], $0x80, $0x38;
	[tilespmem:$0xE800] =	vst v63  }
0x233: {  	s14 =	sadd.s32 $0x70, s14;
	s18 =	simm.s32 $0xDEF8  }
0x234: {  	[hbm4b:s14+s3] =	stream.linear.scatter [tilespmem:s18], [sflag:$0x4], $0x80, $0x38;
	[tilespmem:$0xE800] =	vst v63  }
0x235: {  	s21 =	simm.s32 $0xDF80;
	s14 =	sadd.s32 s6, s12  }
0x236: {  	[hbm4b:s14+s3] =	stream.linear.scatter [tilespmem:s21], [sflag:$0x4], $0x80, $0x38;
	[tilespmem:$0xE800] =	vst v63  }
0x237: {  	s18 =	sadd.s32 $0x10, s14;
	s21 =	simm.s32 $0xE008  }
0x238: {  	[hbm4b:s18+s3] =	stream.linear.scatter [tilespmem:s21], [sflag:$0x4], $0x80, $0x38;
	[tilespmem:$0xE800] =	vst v63  }
0x239: {  	s18 =	sadd.s32 $0x20, s14;
	s21 =	simm.s32 $0xE090  }
0x23a: {  	[hbm4b:s18+s3] =	stream.linear.scatter [tilespmem:s21], [sflag:$0x4], $0x80, $0x38;
	[tilespmem:$0xE800] =	vst v63  }
0x23b: {  	s18 =	sadd.s32 $0x30, s14;
	s21 =	simm.s32 $0xE118  }
0x23c: {  	[hbm4b:s18+s3] =	stream.linear.scatter [tilespmem:s21], [sflag:$0x4], $0x80, $0x38;
	[tilespmem:$0xE800] =	vst v63  }
0x23d: {  	s18 =	sadd.s32 $0x40, s14;
	s21 =	simm.s32 $0xE1A0  }
0x23e: {  	[hbm4b:s18+s3] =	stream.linear.scatter [tilespmem:s21], [sflag:$0x4], $0x80, $0x38;
	[tilespmem:$0xE800] =	vst v63  }
0x23f: {  	s18 =	sadd.s32 $0x50, s14;
	s21 =	simm.s32 $0xE228  }
0x240: {  	[hbm4b:s18+s3] =	stream.linear.scatter [tilespmem:s21], [sflag:$0x4], $0x80, $0x38;
	[tilespmem:$0xE800] =	vst v63  }
0x241: {  	s18 =	sadd.s32 $0x60, s14;
	s21 =	simm.s32 $0xE2B0  }
0x242: {  	[hbm4b:s18+s3] =	stream.linear.scatter [tilespmem:s21], [sflag:$0x4], $0x80, $0x38;
	[tilespmem:$0xE800] =	vst v63  }
0x243: {  	s14 =	sadd.s32 $0x70, s14  }
0x244: {  	[hbm4b:s14+s3] =	stream.linear.scatter [tilespmem:s23], [sflag:$0x4], $0x80, $0x38;
	[tilespmem:$0xE800] =	vst v63  }
0x245: {  	s6 =	sadd.s32 s6, s13  }
0x246: {  	[hbm4b:s6+s3] =	stream.linear.scatter [tilespmem:s24], [sflag:$0x4], $0x80, $0x38;
	[tilespmem:$0xE800] =	vst v63  }
0x247: {  	s15 =	sadd.s32 $0x10, s6  }
0x248: {  	[hbm4b:s15+s3] =	stream.linear.scatter [tilespmem:s25], [sflag:$0x4], $0x80, $0x38;
	[tilespmem:$0xE800] =	vst v63  }
0x249: {  	s18 =	sadd.s32 $0x20, s6  }
0x24a: {  	[hbm4b:s18+s3] =	stream.linear.scatter [tilespmem:s26], [sflag:$0x4], $0x80, $0x38;
	[tilespmem:$0xE800] =	vst v63  }
0x24b: {  	s21 =	sadd.s32 $0x30, s6  }
0x24c: {  	[hbm4b:s21+s3] =	stream.linear.scatter [tilespmem:s28], [sflag:$0x4], $0x80, $0x38;
	[tilespmem:$0xE800] =	vst v63  }
0x24d: {  	s15 =	sadd.s32 $0x40, s6  }
0x24e: {  	[hbm4b:s15+s3] =	stream.linear.scatter [tilespmem:s16], [sflag:$0x4], $0x80, $0x38;
	[tilespmem:$0xE800] =	vst v63  }
0x24f: {  	s18 =	sadd.s32 $0x50, s6  }
0x250: {  	[hbm4b:s18+s3] =	stream.linear.scatter [tilespmem:s29], [sflag:$0x4], $0x80, $0x38;
	[tilespmem:$0xE800] =	vst v63  }
.Ltmp4:
0x251: {  	_ = 	snop;
	(pc) =	sbr.rel @p1 .LBB2_8-.Ltmp4, $4  }
0x252: {  	s21 =	sadd.s32 $0x60, s6  }
0x253: {  	[hbm4b:s21+s3] =	stream.linear.scatter [tilespmem:s30], [sflag:$0x4], $0x80, $0x38;
	[tilespmem:$0xE800] =	vst v63  }
0x254: {  	s6 =	sadd.s32 $0x70, s6  }
0x255: {  	[hbm4b:s6+s3] =	stream.linear.scatter [tilespmem:s31], [sflag:$0x4], $0x80, $0x38;
	[tilespmem:$0xE800] =	vst v63  }
.Ltmp5:
0x256: {  	(pc) =	sbr.rel .LBB2_2-.Ltmp5, $4  }
0x257: {  	s6 =	sshll.u32 s1, $0x8  }
0x258: {  	s6 =	sand.u32 $0x3FFFFF00, s6  }
0x259: {  	s14 =	simm.s32 $0x8400;
	s1 =	sadd.s32 $0x1, s1;
	s6 =	sadd.s32 $0x180, s6  }
0x25a: {  	[tilespmem:s14], [sflag:$0x2] =	stream.indirect.gather [hbm4b:s4+s22], $0x40, s6, s22, $0xb8;
	[tilespmem:$0xE800] =	vst v63  }
.LBB2_9:
0x25b: {  	_ =	sfence.sel $0x180000  }
0x25c: {  	[bflag:$0x0] =	sbarrier.arrive $0xFFFF  }
0x25d: {  	_ =	strace $0x90000047  }
0x25e: {  	s0 =	stileid.u32;
	[bflag:$0x2] =	sbarrier.arrive $0xFFFF  }
0x25f: {  	p0 =	sne.s32 s0, $0x0;
	s0 =	rddreg [dreg:$0x2]  }
0x260: {  	s0 =	sadd.s32 @!p0 $0x100000, s0  }
0x261: {  	[sflag:s0] =	ssyncadd.tile.s32 @!p0 $0x1;
	_ =	shalt  }
.Lfunc_end2:
_tile_overlayer_lowered:
.L_overlay_start_2:
0x262: {  	(tag) =	ssettag $0x2  }
0x263: {  	s0 =	rddreg [dreg:$0x0];
	s2 =	stileid.u32  }
0x264: {  	s1 =	rddreg [dreg:$0x1];
	p0 =	sne.s32 s2, $0x0  }
0x265: {  	s3 =	rddreg [dreg:$0x2];
	[bflag:$0x3] =	sbarrier.arrive $0xFFFF;
	s2 =	simm.s32 @!p0 $0x1C05  }
0x266: {  	[timem:s3], [sflag:s2] =	dma.local @!p0 [hbm:s0], s1  }
0x267: {  	s0 =	simm.s32 @!p0 $0x5  }
0x268: {  	_ =	swait.ge @!p0 [sflag:s0], s1  }
0x269: {  	s1 =	ssub.s32 @!p0 $0x0, s1;
	[sflag:s0] =	ssyncset.done @!p0 $0x0  }
0x26a: {  	[sflag:s0] =	ssyncadd.s32 @!p0 s1  }
0x26b: {  	[bflag:$0x3] =	sbarrier.arrive $0xFFFF  }
0x26c: {  	_ =	shalt  }

</sc_bundles>
